<compile_context>
chip_gen: v7x
topology: tpu7x:2x2x1
jax: 0.10.2.dev20260603
libtpu: 0.0.44.dev20260713+nightly
codegen_flags: <defaults>
</compile_context>

<pallas_src>
import jax
import jax.numpy as jnp
from jax import lax
from jax.experimental import pallas as pl
from jax.experimental.pallas import tpu as pltpu
from jax.experimental.pallas import tpu_sc as plsc

_N = 316
_N2 = _N * _N
_NC = 2
_NS = 16
_NT = 781
_CH = 3200
_TPW = 25
_HALO = 640
_HSLICE = _CH + 2 * _HALO
_JTOT = 13 * _CH

_mesh = plsc.VectorSubcoreMesh(
    core_axis_name="c", subcore_axis_name="s", num_cores=_NC, num_subcores=_NS
)


@pl.kernel(
    mesh=_mesh,
    out_type=jax.ShapeDtypeStruct((13, _NT, 2, 128), jnp.float32),
    scratch_types=[
        pltpu.VMEM((_HSLICE,), jnp.float32),
        pltpu.VMEM((_JTOT,), jnp.int32),
        pltpu.VMEM((13, _TPW, 2, 128), jnp.float32),
        pltpu.SemaphoreType.DMA,
        pltpu.SemaphoreType.DMA,
    ],
    compiler_params=pltpu.CompilerParams(needs_layout_passes=False),
)
def _sc_stencil(hs_hbm, idx_hbm, out_hbm, hs_v, idx_v, out_v, sem_in, sem_out):
    wid = lax.axis_index("s") * _NC + lax.axis_index("c")
    row0 = pl.multiple_of(jnp.minimum(wid * _CH, 96768), 128)
    it0 = jnp.minimum(wid * _TPW, _NT - _TPW)
    jstart = pl.multiple_of(jnp.minimum(row0 * 13, 13 * _N2 - _JTOT), 8)
    roff = row0 - jstart // 13
    lo = pl.multiple_of(jnp.clip(row0 - _HALO, 0, _N2 - _HSLICE), 8)
    idx_dma = pltpu.async_copy(idx_hbm.at[pl.ds(jstart, _JTOT)], idx_v, sem_in)
    pltpu.sync_copy(hs_hbm.at[pl.ds(lo, _HSLICE)], hs_v)

    soff = row0 - lo
    send = _HSLICE - 16 - soff
    iota13 = lax.iota(jnp.int32, 16) * 13

    @plsc.parallel_loop(0, 8 * _TPW, unroll=8)
    def _selfpass(s):
        it = lax.shift_right_logical(s, 3)
        bofs = (s & 7) * 16
        s0 = jnp.minimum(s * 16, send)
        v = hs_v[pl.ds(s0 + soff, 16)]
        for k in range(13):
            out_v[k, it, 0, pl.ds(bofs, 16)] = v

    del _selfpass
    idx_dma.wait()

    out_copies = []
    for k in range(13):
        bk = roff * 13 + k

        @plsc.parallel_loop(0, 8 * _TPW, unroll=8)
        def _kpass(s, _bk=bk, _k=k):
            it = lax.shift_right_logical(s, 3)
            bofs = (s & 7) * 16
            pos = jnp.minimum(s * 208 + _bk + iota13, _JTOT - 1)
            iv = plsc.load_gather(idx_v, [pos])
            g = plsc.load_gather(hs_v, [iv - lo])
            out_v[_k, it, 1, pl.ds(bofs, 16)] = g

        del _kpass
        out_copies.append(
            pltpu.async_copy(out_v.at[k], out_hbm.at[k, pl.ds(it0, _TPW)], sem_out)
        )
    for c in out_copies:
        c.wait()


def kernel(hs, index_list):
    x = _sc_stencil(hs, index_list)
    y = x.transpose(1, 3, 0, 2).reshape(_NT * 128, 13, 2)
    return y[:_N2]

# --- scband reference (transcript-rebuilt; emitter-appended) ---
"""Pipeline reference for scband-gen-input-hs-51556787421857 (READ-ONLY COPY).

The authoritative reference and input builder live on the scoring server;
editing this copy changes nothing except your own understanding.
"""

import jax, jax.numpy as jnp
import numpy as np

N = 316

# 13-point stencil offsets (dp, dq) matching the original gen_nn_index ordering:
# row pi-2: (0); row pi-1: (-1,0,1); row pi: (-2,-1,0,1,2); row pi+1: (-1,0,1); row pi+2: (0)
_OFFSETS = [(-2, 0), (-1, -1), (-1, 0), (-1, 1), (0, -2), (0, -1), (0, 0), (0, 1), (0, 2), (1, -1), (1, 0), (1, 1), (2, 0)]


def gen_index_list(n):
    pi, qi = np.meshgrid(np.arange(n), np.arange(n), indexing='ij')
    pi = pi.reshape(-1)
    qi = qi.reshape(-1)
    i = pi * n + qi
    cols = []
    for dp, dq in _OFFSETS:
        p = pi + dp
        q = qi + dq
        valid = (p >= 0) & (p < n) & (q >= 0) & (q < n)
        idx = np.where(valid, p * n + q, i)  # out-of-lattice neighbors map to self (None -> i)
        cols.append(idx)
    out = np.stack(cols, axis=1)  # (n^2, 13)
    return out.reshape(-1).astype(np.int64)


def setup_inputs(seed: int = 0):
    key = jax.random.key(seed)
    hs = jax.random.normal(key, (N * N,), dtype=jnp.float32)
    index_list = jnp.asarray(gen_index_list(N))  # buffer from __init__
    return {"hs": hs, "index_list": index_list}


def reference(hs, index_list):
    n2 = N * N
    # channel 0: broadcast self value across the 13 stencil slots
    self_part = jnp.broadcast_to(hs.reshape(n2, 1), (n2, 13))
    # channel 1: gathered neighbor values (torch.take -> jnp.take on flattened hs)
    neigh = jnp.take(hs.reshape(-1), index_list).reshape(n2, 13)
    return jnp.stack([self_part, neigh], axis=-1)  # (N^2, 13, 2)

if __name__ == "__main__":
    import jax
    _d = setup_inputs()
    print(jax.jit(kernel)(*tuple(_d.values())))

</pallas_src>

<mosaic_0001>
#map = affine_map<(d0, d1) -> (0)>
#map1 = affine_map<(d0, d1) -> (0, 0, 0, 0)>
module attributes {stable_mosaic.version = 14 : i64} {
  func.func @_sc_stencil(%arg0: i32, %arg1: i32, %arg2: memref<99856xf32, #tpu.memory_space<hbm>>, %arg3: memref<1298128xi32, #tpu.memory_space<hbm>>, %arg4: memref<13x781x2x128xf32, #tpu.memory_space<hbm>>, %arg5: memref<4480xf32, #tpu.memory_space<vmem>>, %arg6: memref<41600xi32, #tpu.memory_space<vmem>>, %arg7: memref<13x25x2x128xf32, #tpu.memory_space<vmem>>, %arg8: memref<!tpu.dma_semaphore, #tpu.memory_space<semaphore_mem>>, %arg9: memref<!tpu.dma_semaphore, #tpu.memory_space<semaphore_mem>>) attributes {dimension_semantics = [#tpu.dimension_semantics<core_parallel>, #tpu.dimension_semantics<subcore_parallel>], iteration_bounds = array<i64: 2, 16>, scalar_prefetch = 0 : i64, scratch_operands = 5 : i64, tpu.core_type = #tpu.core_type<sc_vector_subcore>, window_params = [{transform_indices = #map}, {transform_indices = #map}, {transform_indices = #map1}]} {
    %mul3A = arith.constant 2 : i32
    %mul3A_0 = arith.muli %arg1, %mul3A : i32
    %add3A = arith.addi %mul3A_0, %arg0 : i32
    %mul3A_1 = arith.constant 3200 : i32
    %mul3A_2 = arith.muli %add3A, %mul3A_1 : i32
    %min3A = arith.constant 96768 : i32
    %min3A_3 = arith.minsi %mul3A_2, %min3A : i32
    %multiple_of3A = tpu.assume_multiple %min3A_3, 128 : i32
    %mul3A_4 = arith.constant 25 : i32
    %mul3A_5 = arith.muli %add3A, %mul3A_4 : i32
    %min3A_6 = arith.constant 756 : i32
    %min3A_7 = arith.minsi %mul3A_5, %min3A_6 : i32
    %mul3A_8 = arith.constant 13 : i32
    %mul3A_9 = arith.muli %multiple_of3A, %mul3A_8 : i32
    %min3A_10 = arith.constant 1256528 : i32
    %min3A_11 = arith.minsi %mul3A_9, %min3A_10 : i32
    %multiple_of3A_12 = tpu.assume_multiple %min3A_11, 8 : i32
    %jit3A = arith.constant 13 : i32
    %div3A = arith.divsi %multiple_of3A_12, %jit3A : i32
    %sign3A = arith.constant 0 : i32
    %sign3A_13 = arith.cmpi sgt, %multiple_of3A_12, %sign3A : i32
    %sign3A_14 = arith.extui %sign3A_13 : i1 to i32
    %sign3A_15 = arith.constant 0 : i32
    %sign3A_16 = arith.cmpi slt, %multiple_of3A_12, %sign3A_15 : i32
    %sign3A_17 = arith.extui %sign3A_16 : i1 to i32
    %sign3A_18 = arith.subi %sign3A_14, %sign3A_17 : i32
    %sign3A_19 = arith.constant 0 : i32
    %sign3A_20 = arith.cmpi sgt, %jit3A, %sign3A_19 : i32
    %sign3A_21 = arith.extui %sign3A_20 : i1 to i32
    %sign3A_22 = arith.constant 0 : i32
    %sign3A_23 = arith.cmpi slt, %jit3A, %sign3A_22 : i32
    %sign3A_24 = arith.extui %sign3A_23 : i1 to i32
    %sign3A_25 = arith.subi %sign3A_21, %sign3A_24 : i32
    %ne3A = arith.cmpi ne, %sign3A_18, %sign3A_25 : i32
    %rem3A = arith.remsi %multiple_of3A_12, %jit3A : i32
    %ne3A_26 = arith.constant 0 : i32
    %ne3A_27 = arith.cmpi ne, %rem3A, %ne3A_26 : i32
    %and3A = arith.andi %ne3A, %ne3A_27 : i1
    %sub3A = arith.constant 1 : i32
    %sub3A_28 = arith.subi %div3A, %sub3A : i32
    %select_n3A = arith.select %and3A, %sub3A_28, %div3A : i32
    %sub3A_29 = arith.subi %multiple_of3A, %select_n3A : i32
    %sub3A_30 = arith.constant 640 : i32
    %sub3A_31 = arith.subi %multiple_of3A, %sub3A_30 : i32
    %jit3A_32 = arith.constant 0 : i32
    %jit3A_33 = arith.constant 95376 : i32
    %max3A = arith.maxsi %jit3A_32, %sub3A_31 : i32
    %min3A_34 = arith.minsi %jit3A_33, %max3A : i32
    %multiple_of3A_35 = tpu.assume_multiple %min3A_34, 8 : i32
    %dma_start3A = tpu.memref_slice %arg3[%multiple_of3A_12] : memref<1298128xi32, #tpu.memory_space<hbm>> -> memref<41600xi32, #tpu.memory_space<hbm>>
    %dma_start3A_36 = tpu.memref_slice %arg3[%multiple_of3A_12] : memref<1298128xi32, #tpu.memory_space<hbm>> -> memref<41600xi32, #tpu.memory_space<hbm>>
    tpu.enqueue_dma source(%dma_start3A_36 : memref<41600xi32, #tpu.memory_space<hbm>>) target(%arg6 : memref<41600xi32, #tpu.memory_space<vmem>>) target_semaphore(%arg8 : memref<!tpu.dma_semaphore, #tpu.memory_space<semaphore_mem>>)
    "tpu.region"() ({
      %run_scoped3A = tpu.sem_alloc : memref<!tpu.dma_semaphore, #tpu.memory_space<semaphore_mem>>
      %dma_start3A_657 = tpu.memref_slice %arg2[%multiple_of3A_35] : memref<99856xf32, #tpu.memory_space<hbm>> -> memref<4480xf32, #tpu.memory_space<hbm>>
      %dma_start3A_658 = tpu.memref_slice %arg2[%multiple_of3A_35] : memref<99856xf32, #tpu.memory_space<hbm>> -> memref<4480xf32, #tpu.memory_space<hbm>>
      tpu.enqueue_dma source(%dma_start3A_658 : memref<4480xf32, #tpu.memory_space<hbm>>) target(%arg5 : memref<4480xf32, #tpu.memory_space<vmem>>) target_semaphore(%run_scoped3A : memref<!tpu.dma_semaphore, #tpu.memory_space<semaphore_mem>>)
      %dma_wait3A_659 = tpu.memref_slice %arg2[%multiple_of3A_35] : memref<99856xf32, #tpu.memory_space<hbm>> -> memref<4480xf32, #tpu.memory_space<hbm>>
      %dma_wait3A_660 = tpu.memref_slice %arg2[%multiple_of3A_35] : memref<99856xf32, #tpu.memory_space<hbm>> -> memref<4480xf32, #tpu.memory_space<hbm>>
      tpu.wait_dma2 semaphore(%run_scoped3A : memref<!tpu.dma_semaphore, #tpu.memory_space<semaphore_mem>>) src(%dma_wait3A_660 : memref<4480xf32, #tpu.memory_space<hbm>>) dst(%arg5 : memref<4480xf32, #tpu.memory_space<vmem>>)
      tpu.yield
    }) : () -> ()
    %sub3A_37 = arith.subi %multiple_of3A, %multiple_of3A_35 : i32
    %sub3A_38 = arith.constant 4464 : i32
    %sub3A_39 = arith.subi %sub3A_38, %sub3A_37 : i32
    %iota3A = tpu.iota {dimensions = array<i32: 0>} : vector<16xi32>
    %mul3A_40 = arith.constant 13 : i32
    %mul3A_41 = vector.broadcast %mul3A_40 : i32 to vector<16xi32>
    %mul3A_42 = arith.muli %iota3A, %mul3A_41 : vector<16xi32>
    %parallel_loop3A = arith.constant 0 : i32
    %parallel_loop3A_43 = arith.constant 200 : i32
    %parallel_loop3A_44 = arith.constant 1 : i32
    scf.for %parallel_loop3A_657 = %parallel_loop3A to %parallel_loop3A_43 step %parallel_loop3A_44  : i32 {
      %parallel_loop3A_658 = arith.constant 3 : i32
      %parallel_loop3A_659 = arith.shrui %parallel_loop3A_657, %parallel_loop3A_658 : i32
      %parallel_loop3A_660 = arith.constant 7 : i32
      %parallel_loop3A_661 = arith.andi %parallel_loop3A_657, %parallel_loop3A_660 : i32
      %parallel_loop3A_662 = arith.constant 16 : i32
      %parallel_loop3A_663 = arith.muli %parallel_loop3A_661, %parallel_loop3A_662 : i32
      %parallel_loop3A_664 = arith.constant 16 : i32
      %parallel_loop3A_665 = arith.muli %parallel_loop3A_657, %parallel_loop3A_664 : i32
      %parallel_loop3A_666 = arith.minsi %parallel_loop3A_665, %sub3A_39 : i32
      %parallel_loop3A_667 = arith.addi %parallel_loop3A_666, %sub3A_37 : i32
      %parallel_loop3A_668 = arith.index_cast %parallel_loop3A_667 : i32 to index
      %parallel_loop3A_669 = tpu.vector_load %arg5[%parallel_loop3A_668] {strides = array<i32>} : memref<4480xf32, #tpu.memory_space<vmem>>, vector<16xf32>,
      %parallel_loop3A_670 = arith.constant 0 : i32
      %parallel_loop3A_671 = arith.constant 0 : i32
      %parallel_loop3A_672 = arith.index_cast %parallel_loop3A_670 : i32 to index
      %parallel_loop3A_673 = arith.index_cast %parallel_loop3A_659 : i32 to index
      %parallel_loop3A_674 = arith.index_cast %parallel_loop3A_671 : i32 to index
      %parallel_loop3A_675 = arith.index_cast %parallel_loop3A_663 : i32 to index
      %parallel_loop3A_676 = tpu.vector_load %arg7[%parallel_loop3A_672, %parallel_loop3A_673, %parallel_loop3A_674, %parallel_loop3A_675] {strides = array<i32>} : memref<13x25x2x128xf32, #tpu.memory_space<vmem>>, vector<16xf32>,
      tpu.vector_store %arg7[%parallel_loop3A_672, %parallel_loop3A_673, %parallel_loop3A_674, %parallel_loop3A_675], %parallel_loop3A_669 {strides = array<i32>} : memref<13x25x2x128xf32, #tpu.memory_space<vmem>>, vector<16xf32>,
      %parallel_loop3A_677 = arith.constant 1 : i32
      %parallel_loop3A_678 = arith.constant 0 : i32
      %parallel_loop3A_679 = arith.index_cast %parallel_loop3A_677 : i32 to index
      %parallel_loop3A_680 = arith.index_cast %parallel_loop3A_659 : i32 to index
      %parallel_loop3A_681 = arith.index_cast %parallel_loop3A_678 : i32 to index
      %parallel_loop3A_682 = arith.index_cast %parallel_loop3A_663 : i32 to index
      %parallel_loop3A_683 = tpu.vector_load %arg7[%parallel_loop3A_679, %parallel_loop3A_680, %parallel_loop3A_681, %parallel_loop3A_682] {strides = array<i32>} : memref<13x25x2x128xf32, #tpu.memory_space<vmem>>, vector<16xf32>,
      tpu.vector_store %arg7[%parallel_loop3A_679, %parallel_loop3A_680, %parallel_loop3A_681, %parallel_loop3A_682], %parallel_loop3A_669 {strides = array<i32>} : memref<13x25x2x128xf32, #tpu.memory_space<vmem>>, vector<16xf32>,
      %parallel_loop3A_684 = arith.constant 2 : i32
      %parallel_loop3A_685 = arith.constant 0 : i32
      %parallel_loop3A_686 = arith.index_cast %parallel_loop3A_684 : i32 to index
      %parallel_loop3A_687 = arith.index_cast %parallel_loop3A_659 : i32 to index
      %parallel_loop3A_688 = arith.index_cast %parallel_loop3A_685 : i32 to index
      %parallel_loop3A_689 = arith.index_cast %parallel_loop3A_663 : i32 to index
      %parallel_loop3A_690 = tpu.vector_load %arg7[%parallel_loop3A_686, %parallel_loop3A_687, %parallel_loop3A_688, %parallel_loop3A_689] {strides = array<i32>} : memref<13x25x2x128xf32, #tpu.memory_space<vmem>>, vector<16xf32>,
      tpu.vector_store %arg7[%parallel_loop3A_686, %parallel_loop3A_687, %parallel_loop3A_688, %parallel_loop3A_689], %parallel_loop3A_669 {strides = array<i32>} : memref<13x25x2x128xf32, #tpu.memory_space<vmem>>, vector<16xf32>,
      %parallel_loop3A_691 = arith.constant 3 : i32
      %parallel_loop3A_692 = arith.constant 0 : i32
      %parallel_loop3A_693 = arith.index_cast %parallel_loop3A_691 : i32 to index
      %parallel_loop3A_694 = arith.index_cast %parallel_loop3A_659 : i32 to index
      %parallel_loop3A_695 = arith.index_cast %parallel_loop3A_692 : i32 to index
      %parallel_loop3A_696 = arith.index_cast %parallel_loop3A_663 : i32 to index
      %parallel_loop3A_697 = tpu.vector_load %arg7[%parallel_loop3A_693, %parallel_loop3A_694, %parallel_loop3A_695, %parallel_loop3A_696] {strides = array<i32>} : memref<13x25x2x128xf32, #tpu.memory_space<vmem>>, vector<16xf32>,
      tpu.vector_store %arg7[%parallel_loop3A_693, %parallel_loop3A_694, %parallel_loop3A_695, %parallel_loop3A_696], %parallel_loop3A_669 {strides = array<i32>} : memref<13x25x2x128xf32, #tpu.memory_space<vmem>>, vector<16xf32>,
      %parallel_loop3A_698 = arith.constant 4 : i32
      %parallel_loop3A_699 = arith.constant 0 : i32
      %parallel_loop3A_700 = arith.index_cast %parallel_loop3A_698 : i32 to index
      %parallel_loop3A_701 = arith.index_cast %parallel_loop3A_659 : i32 to index
      %parallel_loop3A_702 = arith.index_cast %parallel_loop3A_699 : i32 to index
      %parallel_loop3A_703 = arith.index_cast %parallel_loop3A_663 : i32 to index
      %parallel_loop3A_704 = tpu.vector_load %arg7[%parallel_loop3A_700, %parallel_loop3A_701, %parallel_loop3A_702, %parallel_loop3A_703] {strides = array<i32>} : memref<13x25x2x128xf32, #tpu.memory_space<vmem>>, vector<16xf32>,
      tpu.vector_store %arg7[%parallel_loop3A_700, %parallel_loop3A_701, %parallel_loop3A_702, %parallel_loop3A_703], %parallel_loop3A_669 {strides = array<i32>} : memref<13x25x2x128xf32, #tpu.memory_space<vmem>>, vector<16xf32>,
      %parallel_loop3A_705 = arith.constant 5 : i32
      %parallel_loop3A_706 = arith.constant 0 : i32
      %parallel_loop3A_707 = arith.index_cast %parallel_loop3A_705 : i32 to index
      %parallel_loop3A_708 = arith.index_cast %parallel_loop3A_659 : i32 to index
      %parallel_loop3A_709 = arith.index_cast %parallel_loop3A_706 : i32 to index
      %parallel_loop3A_710 = arith.index_cast %parallel_loop3A_663 : i32 to index
      %parallel_loop3A_711 = tpu.vector_load %arg7[%parallel_loop3A_707, %parallel_loop3A_708, %parallel_loop3A_709, %parallel_loop3A_710] {strides = array<i32>} : memref<13x25x2x128xf32, #tpu.memory_space<vmem>>, vector<16xf32>,
      tpu.vector_store %arg7[%parallel_loop3A_707, %parallel_loop3A_708, %parallel_loop3A_709, %parallel_loop3A_710], %parallel_loop3A_669 {strides = array<i32>} : memref<13x25x2x128xf32, #tpu.memory_space<vmem>>, vector<16xf32>,
      %parallel_loop3A_712 = arith.constant 6 : i32
      %parallel_loop3A_713 = arith.constant 0 : i32
      %parallel_loop3A_714 = arith.index_cast %parallel_loop3A_712 : i32 to index
      %parallel_loop3A_715 = arith.index_cast %parallel_loop3A_659 : i32 to index
      %parallel_loop3A_716 = arith.index_cast %parallel_loop3A_713 : i32 to index
      %parallel_loop3A_717 = arith.index_cast %parallel_loop3A_663 : i32 to index
      %parallel_loop3A_718 = tpu.vector_load %arg7[%parallel_loop3A_714, %parallel_loop3A_715, %parallel_loop3A_716, %parallel_loop3A_717] {strides = array<i32>} : memref<13x25x2x128xf32, #tpu.memory_space<vmem>>, vector<16xf32>,
      tpu.vector_store %arg7[%parallel_loop3A_714, %parallel_loop3A_715, %parallel_loop3A_716, %parallel_loop3A_717], %parallel_loop3A_669 {strides = array<i32>} : memref<13x25x2x128xf32, #tpu.memory_space<vmem>>, vector<16xf32>,
      %parallel_loop3A_719 = arith.constant 7 : i32
      %parallel_loop3A_720 = arith.constant 0 : i32
      %parallel_loop3A_721 = arith.index_cast %parallel_loop3A_719 : i32 to index
      %parallel_loop3A_722 = arith.index_cast %parallel_loop3A_659 : i32 to index
      %parallel_loop3A_723 = arith.index_cast %parallel_loop3A_720 : i32 to index
      %parallel_loop3A_724 = arith.index_cast %parallel_loop3A_663 : i32 to index
      %parallel_loop3A_725 = tpu.vector_load %arg7[%parallel_loop3A_721, %parallel_loop3A_722, %parallel_loop3A_723, %parallel_loop3A_724] {strides = array<i32>} : memref<13x25x2x128xf32, #tpu.memory_space<vmem>>, vector<16xf32>,
      tpu.vector_store %arg7[%parallel_loop3A_721, %parallel_loop3A_722, %parallel_loop3A_723, %parallel_loop3A_724], %parallel_loop3A_669 {strides = array<i32>} : memref<13x25x2x128xf32, #tpu.memory_space<vmem>>, vector<16xf32>,
      %parallel_loop3A_726 = arith.constant 8 : i32
      %parallel_loop3A_727 = arith.constant 0 : i32
      %parallel_loop3A_728 = arith.index_cast %parallel_loop3A_726 : i32 to index
      %parallel_loop3A_729 = arith.index_cast %parallel_loop3A_659 : i32 to index
      %parallel_loop3A_730 = arith.index_cast %parallel_loop3A_727 : i32 to index
      %parallel_loop3A_731 = arith.index_cast %parallel_loop3A_663 : i32 to index
      %parallel_loop3A_732 = tpu.vector_load %arg7[%parallel_loop3A_728, %parallel_loop3A_729, %parallel_loop3A_730, %parallel_loop3A_731] {strides = array<i32>} : memref<13x25x2x128xf32, #tpu.memory_space<vmem>>, vector<16xf32>,
      tpu.vector_store %arg7[%parallel_loop3A_728, %parallel_loop3A_729, %parallel_loop3A_730, %parallel_loop3A_731], %parallel_loop3A_669 {strides = array<i32>} : memref<13x25x2x128xf32, #tpu.memory_space<vmem>>, vector<16xf32>,
      %parallel_loop3A_733 = arith.constant 9 : i32
      %parallel_loop3A_734 = arith.constant 0 : i32
      %parallel_loop3A_735 = arith.index_cast %parallel_loop3A_733 : i32 to index
      %parallel_loop3A_736 = arith.index_cast %parallel_loop3A_659 : i32 to index
      %parallel_loop3A_737 = arith.index_cast %parallel_loop3A_734 : i32 to index
      %parallel_loop3A_738 = arith.index_cast %parallel_loop3A_663 : i32 to index
      %parallel_loop3A_739 = tpu.vector_load %arg7[%parallel_loop3A_735, %parallel_loop3A_736, %parallel_loop3A_737, %parallel_loop3A_738] {strides = array<i32>} : memref<13x25x2x128xf32, #tpu.memory_space<vmem>>, vector<16xf32>,
      tpu.vector_store %arg7[%parallel_loop3A_735, %parallel_loop3A_736, %parallel_loop3A_737, %parallel_loop3A_738], %parallel_loop3A_669 {strides = array<i32>} : memref<13x25x2x128xf32, #tpu.memory_space<vmem>>, vector<16xf32>,
      %parallel_loop3A_740 = arith.constant 10 : i32
      %parallel_loop3A_741 = arith.constant 0 : i32
      %parallel_loop3A_742 = arith.index_cast %parallel_loop3A_740 : i32 to index
      %parallel_loop3A_743 = arith.index_cast %parallel_loop3A_659 : i32 to index
      %parallel_loop3A_744 = arith.index_cast %parallel_loop3A_741 : i32 to index
      %parallel_loop3A_745 = arith.index_cast %parallel_loop3A_663 : i32 to index
      %parallel_loop3A_746 = tpu.vector_load %arg7[%parallel_loop3A_742, %parallel_loop3A_743, %parallel_loop3A_744, %parallel_loop3A_745] {strides = array<i32>} : memref<13x25x2x128xf32, #tpu.memory_space<vmem>>, vector<16xf32>,
      tpu.vector_store %arg7[%parallel_loop3A_742, %parallel_loop3A_743, %parallel_loop3A_744, %parallel_loop3A_745], %parallel_loop3A_669 {strides = array<i32>} : memref<13x25x2x128xf32, #tpu.memory_space<vmem>>, vector<16xf32>,
      %parallel_loop3A_747 = arith.constant 11 : i32
      %parallel_loop3A_748 = arith.constant 0 : i32
      %parallel_loop3A_749 = arith.index_cast %parallel_loop3A_747 : i32 to index
      %parallel_loop3A_750 = arith.index_cast %parallel_loop3A_659 : i32 to index
      %parallel_loop3A_751 = arith.index_cast %parallel_loop3A_748 : i32 to index
      %parallel_loop3A_752 = arith.index_cast %parallel_loop3A_663 : i32 to index
      %parallel_loop3A_753 = tpu.vector_load %arg7[%parallel_loop3A_749, %parallel_loop3A_750, %parallel_loop3A_751, %parallel_loop3A_752] {strides = array<i32>} : memref<13x25x2x128xf32, #tpu.memory_space<vmem>>, vector<16xf32>,
      tpu.vector_store %arg7[%parallel_loop3A_749, %parallel_loop3A_750, %parallel_loop3A_751, %parallel_loop3A_752], %parallel_loop3A_669 {strides = array<i32>} : memref<13x25x2x128xf32, #tpu.memory_space<vmem>>, vector<16xf32>,
      %parallel_loop3A_754 = arith.constant 12 : i32
      %parallel_loop3A_755 = arith.constant 0 : i32
      %parallel_loop3A_756 = arith.index_cast %parallel_loop3A_754 : i32 to index
      %parallel_loop3A_757 = arith.index_cast %parallel_loop3A_659 : i32 to index
      %parallel_loop3A_758 = arith.index_cast %parallel_loop3A_755 : i32 to index
      %parallel_loop3A_759 = arith.index_cast %parallel_loop3A_663 : i32 to index
      %parallel_loop3A_760 = tpu.vector_load %arg7[%parallel_loop3A_756, %parallel_loop3A_757, %parallel_loop3A_758, %parallel_loop3A_759] {strides = array<i32>} : memref<13x25x2x128xf32, #tpu.memory_space<vmem>>, vector<16xf32>,
      tpu.vector_store %arg7[%parallel_loop3A_756, %parallel_loop3A_757, %parallel_loop3A_758, %parallel_loop3A_759], %parallel_loop3A_669 {strides = array<i32>} : memref<13x25x2x128xf32, #tpu.memory_space<vmem>>, vector<16xf32>,
    } {sc.loop_unroll_factor = 8 : i64, sc.parallel_access}
    %dma_wait3A = tpu.memref_slice %arg3[%multiple_of3A_12] : memref<1298128xi32, #tpu.memory_space<hbm>> -> memref<41600xi32, #tpu.memory_space<hbm>>
    %dma_wait3A_45 = tpu.memref_slice %arg3[%multiple_of3A_12] : memref<1298128xi32, #tpu.memory_space<hbm>> -> memref<41600xi32, #tpu.memory_space<hbm>>
    tpu.wait_dma2 semaphore(%arg8 : memref<!tpu.dma_semaphore, #tpu.memory_space<semaphore_mem>>) src(%dma_wait3A_45 : memref<41600xi32, #tpu.memory_space<hbm>>) dst(%arg6 : memref<41600xi32, #tpu.memory_space<vmem>>)
    %mul3A_46 = arith.constant 13 : i32
    %mul3A_47 = arith.muli %sub3A_29, %mul3A_46 : i32
    %add3A_48 = arith.constant 0 : i32
    %add3A_49 = arith.addi %mul3A_47, %add3A_48 : i32
    %parallel_loop3A_50 = arith.constant 0 : i32
    %parallel_loop3A_51 = arith.constant 200 : i32
    %parallel_loop3A_52 = arith.constant 1 : i32
    scf.for %parallel_loop3A_657 = %parallel_loop3A_50 to %parallel_loop3A_51 step %parallel_loop3A_52  : i32 {
      %parallel_loop3A_658 = arith.constant 3 : i32
      %parallel_loop3A_659 = arith.shrui %parallel_loop3A_657, %parallel_loop3A_658 : i32
      %parallel_loop3A_660 = arith.constant 7 : i32
      %parallel_loop3A_661 = arith.andi %parallel_loop3A_657, %parallel_loop3A_660 : i32
      %parallel_loop3A_662 = arith.constant 16 : i32
      %parallel_loop3A_663 = arith.muli %parallel_loop3A_661, %parallel_loop3A_662 : i32
      %parallel_loop3A_664 = arith.constant 208 : i32
      %parallel_loop3A_665 = arith.muli %parallel_loop3A_657, %parallel_loop3A_664 : i32
      %parallel_loop3A_666 = arith.addi %parallel_loop3A_665, %add3A_49 : i32
      %parallel_loop3A_667 = vector.broadcast %parallel_loop3A_666 : i32 to vector<16xi32>
      %parallel_loop3A_668 = arith.addi %parallel_loop3A_667, %mul3A_42 : vector<16xi32>
      %parallel_loop3A_669 = arith.constant 41599 : i32
      %parallel_loop3A_670 = vector.broadcast %parallel_loop3A_669 : i32 to vector<16xi32>
      %parallel_loop3A_671 = arith.minsi %parallel_loop3A_668, %parallel_loop3A_670 : vector<16xi32>
      %parallel_loop3A_672 = tpu.vector_load_idx %arg6[%parallel_loop3A_671] : memref<41600xi32, #tpu.memory_space<vmem>>[vector<16xi32>], vector<16xi32>,
      %parallel_loop3A_673 = vector.broadcast %multiple_of3A_35 : i32 to vector<16xi32>
      %parallel_loop3A_674 = arith.subi %parallel_loop3A_672, %parallel_loop3A_673 : vector<16xi32>
      %parallel_loop3A_675 = tpu.vector_load_idx %arg5[%parallel_loop3A_674] : memref<4480xf32, #tpu.memory_space<vmem>>[vector<16xi32>], vector<16xf32>,
      %parallel_loop3A_676 = arith.constant 0 : i32
      %parallel_loop3A_677 = arith.constant 1 : i32
      %parallel_loop3A_678 = arith.index_cast %parallel_loop3A_676 : i32 to index
      %parallel_loop3A_679 = arith.index_cast %parallel_loop3A_659 : i32 to index
      %parallel_loop3A_680 = arith.index_cast %parallel_loop3A_677 : i32 to index
      %parallel_loop3A_681 = arith.index_cast %parallel_loop3A_663 : i32 to index
      %parallel_loop3A_682 = tpu.vector_load %arg7[%parallel_loop3A_678, %parallel_loop3A_679, %parallel_loop3A_680, %parallel_loop3A_681] {strides = array<i32>} : memref<13x25x2x128xf32, #tpu.memory_space<vmem>>, vector<16xf32>,
      tpu.vector_store %arg7[%parallel_loop3A_678, %parallel_loop3A_679, %parallel_loop3A_680, %parallel_loop3A_681], %parallel_loop3A_675 {strides = array<i32>} : memref<13x25x2x128xf32, #tpu.memory_space<vmem>>, vector<16xf32>,
    } {sc.loop_unroll_factor = 8 : i64, sc.parallel_access}
    %dma_start3A_53 = arith.constant 0 : i32
    %dma_start3A_54 = arith.constant 0 : i32
    %dma_start3A_55 = arith.constant 0 : i32
    %dma_start3A_56 = arith.constant 0 : i32
    %dma_start3A_57 = arith.constant 0 : i32
    %dma_start3A_58 = tpu.memref_slice %arg7[%dma_start3A_53, %dma_start3A_55, %dma_start3A_56, %dma_start3A_57] : memref<13x25x2x128xf32, #tpu.memory_space<vmem>> -> memref<1x25x2x128xf32, #tpu.memory_space<vmem>>
    %dma_start3A_59 = tpu.memref_squeeze %dma_start3A_58 : memref<1x25x2x128xf32, #tpu.memory_space<vmem>> -> memref<25x2x128xf32, #tpu.memory_space<vmem>>
    %dma_start3A_60 = arith.constant 0 : i32
    %dma_start3A_61 = arith.constant 0 : i32
    %dma_start3A_62 = tpu.memref_slice %arg4[%dma_start3A_54, %min3A_7, %dma_start3A_60, %dma_start3A_61] : memref<13x781x2x128xf32, #tpu.memory_space<hbm>> -> memref<1x25x2x128xf32, #tpu.memory_space<hbm>>
    %dma_start3A_63 = tpu.memref_squeeze %dma_start3A_62 : memref<1x25x2x128xf32, #tpu.memory_space<hbm>> -> memref<25x2x128xf32, #tpu.memory_space<hbm>>
    %dma_start3A_64 = arith.constant 0 : i32
    %dma_start3A_65 = arith.constant 0 : i32
    %dma_start3A_66 = tpu.memref_slice %arg4[%dma_start3A_54, %min3A_7, %dma_start3A_64, %dma_start3A_65] : memref<13x781x2x128xf32, #tpu.memory_space<hbm>> -> memref<1x25x2x128xf32, #tpu.memory_space<hbm>>
    %dma_start3A_67 = tpu.memref_squeeze %dma_start3A_66 : memref<1x25x2x128xf32, #tpu.memory_space<hbm>> -> memref<25x2x128xf32, #tpu.memory_space<hbm>>
    %dma_start3A_68 = arith.constant 0 : i32
    %dma_start3A_69 = arith.constant 0 : i32
    %dma_start3A_70 = arith.constant 0 : i32
    %dma_start3A_71 = tpu.memref_slice %arg7[%dma_start3A_53, %dma_start3A_68, %dma_start3A_69, %dma_start3A_70] : memref<13x25x2x128xf32, #tpu.memory_space<vmem>> -> memref<1x25x2x128xf32, #tpu.memory_space<vmem>>
    %dma_start3A_72 = tpu.memref_squeeze %dma_start3A_71 : memref<1x25x2x128xf32, #tpu.memory_space<vmem>> -> memref<25x2x128xf32, #tpu.memory_space<vmem>>
    tpu.enqueue_dma source(%dma_start3A_72 : memref<25x2x128xf32, #tpu.memory_space<vmem>>) target(%dma_start3A_67 : memref<25x2x128xf32, #tpu.memory_space<hbm>>) target_semaphore(%arg9 : memref<!tpu.dma_semaphore, #tpu.memory_space<semaphore_mem>>)
    %mul3A_73 = arith.constant 13 : i32
    %mul3A_74 = arith.muli %sub3A_29, %mul3A_73 : i32
    %add3A_75 = arith.constant 1 : i32
    %add3A_76 = arith.addi %mul3A_74, %add3A_75 : i32
    %parallel_loop3A_77 = arith.constant 0 : i32
    %parallel_loop3A_78 = arith.constant 200 : i32
    %parallel_loop3A_79 = arith.constant 1 : i32
    scf.for %parallel_loop3A_657 = %parallel_loop3A_77 to %parallel_loop3A_78 step %parallel_loop3A_79  : i32 {
      %parallel_loop3A_658 = arith.constant 3 : i32
      %parallel_loop3A_659 = arith.shrui %parallel_loop3A_657, %parallel_loop3A_658 : i32
      %parallel_loop3A_660 = arith.constant 7 : i32
      %parallel_loop3A_661 = arith.andi %parallel_loop3A_657, %parallel_loop3A_660 : i32
      %parallel_loop3A_662 = arith.constant 16 : i32
      %parallel_loop3A_663 = arith.muli %parallel_loop3A_661, %parallel_loop3A_662 : i32
      %parallel_loop3A_664 = arith.constant 208 : i32
      %parallel_loop3A_665 = arith.muli %parallel_loop3A_657, %parallel_loop3A_664 : i32
      %parallel_loop3A_666 = arith.addi %parallel_loop3A_665, %add3A_76 : i32
      %parallel_loop3A_667 = vector.broadcast %parallel_loop3A_666 : i32 to vector<16xi32>
      %parallel_loop3A_668 = arith.addi %parallel_loop3A_667, %mul3A_42 : vector<16xi32>
      %parallel_loop3A_669 = arith.constant 41599 : i32
      %parallel_loop3A_670 = vector.broadcast %parallel_loop3A_669 : i32 to vector<16xi32>
      %parallel_loop3A_671 = arith.minsi %parallel_loop3A_668, %parallel_loop3A_670 : vector<16xi32>
      %parallel_loop3A_672 = tpu.vector_load_idx %arg6[%parallel_loop3A_671] : memref<41600xi32, #tpu.memory_space<vmem>>[vector<16xi32>], vector<16xi32>,
      %parallel_loop3A_673 = vector.broadcast %multiple_of3A_35 : i32 to vector<16xi32>
      %parallel_loop3A_674 = arith.subi %parallel_loop3A_672, %parallel_loop3A_673 : vector<16xi32>
      %parallel_loop3A_675 = tpu.vector_load_idx %arg5[%parallel_loop3A_674] : memref<4480xf32, #tpu.memory_space<vmem>>[vector<16xi32>], vector<16xf32>,
      %parallel_loop3A_676 = arith.constant 1 : i32
      %parallel_loop3A_677 = arith.constant 1 : i32
      %parallel_loop3A_678 = arith.index_cast %parallel_loop3A_676 : i32 to index
      %parallel_loop3A_679 = arith.index_cast %parallel_loop3A_659 : i32 to index
      %parallel_loop3A_680 = arith.index_cast %parallel_loop3A_677 : i32 to index
      %parallel_loop3A_681 = arith.index_cast %parallel_loop3A_663 : i32 to index
      %parallel_loop3A_682 = tpu.vector_load %arg7[%parallel_loop3A_678, %parallel_loop3A_679, %parallel_loop3A_680, %parallel_loop3A_681] {strides = array<i32>} : memref<13x25x2x128xf32, #tpu.memory_space<vmem>>, vector<16xf32>,
      tpu.vector_store %arg7[%parallel_loop3A_678, %parallel_loop3A_679, %parallel_loop3A_680, %parallel_loop3A_681], %parallel_loop3A_675 {strides = array<i32>} : memref<13x25x2x128xf32, #tpu.memory_space<vmem>>, vector<16xf32>,
    } {sc.loop_unroll_factor = 8 : i64, sc.parallel_access}
    %dma_start3A_80 = arith.constant 1 : i32
    %dma_start3A_81 = arith.constant 1 : i32
    %dma_start3A_82 = arith.constant 0 : i32
    %dma_start3A_83 = arith.constant 0 : i32
    %dma_start3A_84 = arith.constant 0 : i32
    %dma_start3A_85 = tpu.memref_slice %arg7[%dma_start3A_80, %dma_start3A_82, %dma_start3A_83, %dma_start3A_84] : memref<13x25x2x128xf32, #tpu.memory_space<vmem>> -> memref<1x25x2x128xf32, #tpu.memory_space<vmem>>
    %dma_start3A_86 = tpu.memref_squeeze %dma_start3A_85 : memref<1x25x2x128xf32, #tpu.memory_space<vmem>> -> memref<25x2x128xf32, #tpu.memory_space<vmem>>
    %dma_start3A_87 = arith.constant 0 : i32
    %dma_start3A_88 = arith.constant 0 : i32
    %dma_start3A_89 = tpu.memref_slice %arg4[%dma_start3A_81, %min3A_7, %dma_start3A_87, %dma_start3A_88] : memref<13x781x2x128xf32, #tpu.memory_space<hbm>> -> memref<1x25x2x128xf32, #tpu.memory_space<hbm>>
    %dma_start3A_90 = tpu.memref_squeeze %dma_start3A_89 : memref<1x25x2x128xf32, #tpu.memory_space<hbm>> -> memref<25x2x128xf32, #tpu.memory_space<hbm>>
    %dma_start3A_91 = arith.constant 0 : i32
    %dma_start3A_92 = arith.constant 0 : i32
    %dma_start3A_93 = tpu.memref_slice %arg4[%dma_start3A_81, %min3A_7, %dma_start3A_91, %dma_start3A_92] : memref<13x781x2x128xf32, #tpu.memory_space<hbm>> -> memref<1x25x2x128xf32, #tpu.memory_space<hbm>>
    %dma_start3A_94 = tpu.memref_squeeze %dma_start3A_93 : memref<1x25x2x128xf32, #tpu.memory_space<hbm>> -> memref<25x2x128xf32, #tpu.memory_space<hbm>>
    %dma_start3A_95 = arith.constant 0 : i32
    %dma_start3A_96 = arith.constant 0 : i32
    %dma_start3A_97 = arith.constant 0 : i32
    %dma_start3A_98 = tpu.memref_slice %arg7[%dma_start3A_80, %dma_start3A_95, %dma_start3A_96, %dma_start3A_97] : memref<13x25x2x128xf32, #tpu.memory_space<vmem>> -> memref<1x25x2x128xf32, #tpu.memory_space<vmem>>
    %dma_start3A_99 = tpu.memref_squeeze %dma_start3A_98 : memref<1x25x2x128xf32, #tpu.memory_space<vmem>> -> memref<25x2x128xf32, #tpu.memory_space<vmem>>
    tpu.enqueue_dma source(%dma_start3A_99 : memref<25x2x128xf32, #tpu.memory_space<vmem>>) target(%dma_start3A_94 : memref<25x2x128xf32, #tpu.memory_space<hbm>>) target_semaphore(%arg9 : memref<!tpu.dma_semaphore, #tpu.memory_space<semaphore_mem>>)
    %mul3A_100 = arith.constant 13 : i32
    %mul3A_101 = arith.muli %sub3A_29, %mul3A_100 : i32
    %add3A_102 = arith.constant 2 : i32
    %add3A_103 = arith.addi %mul3A_101, %add3A_102 : i32
    %parallel_loop3A_104 = arith.constant 0 : i32
    %parallel_loop3A_105 = arith.constant 200 : i32
    %parallel_loop3A_106 = arith.constant 1 : i32
    scf.for %parallel_loop3A_657 = %parallel_loop3A_104 to %parallel_loop3A_105 step %parallel_loop3A_106  : i32 {
      %parallel_loop3A_658 = arith.constant 3 : i32
      %parallel_loop3A_659 = arith.shrui %parallel_loop3A_657, %parallel_loop3A_658 : i32
      %parallel_loop3A_660 = arith.constant 7 : i32
      %parallel_loop3A_661 = arith.andi %parallel_loop3A_657, %parallel_loop3A_660 : i32
      %parallel_loop3A_662 = arith.constant 16 : i32
      %parallel_loop3A_663 = arith.muli %parallel_loop3A_661, %parallel_loop3A_662 : i32
      %parallel_loop3A_664 = arith.constant 208 : i32
      %parallel_loop3A_665 = arith.muli %parallel_loop3A_657, %parallel_loop3A_664 : i32
      %parallel_loop3A_666 = arith.addi %parallel_loop3A_665, %add3A_103 : i32
      %parallel_loop3A_667 = vector.broadcast %parallel_loop3A_666 : i32 to vector<16xi32>
      %parallel_loop3A_668 = arith.addi %parallel_loop3A_667, %mul3A_42 : vector<16xi32>
      %parallel_loop3A_669 = arith.constant 41599 : i32
      %parallel_loop3A_670 = vector.broadcast %parallel_loop3A_669 : i32 to vector<16xi32>
      %parallel_loop3A_671 = arith.minsi %parallel_loop3A_668, %parallel_loop3A_670 : vector<16xi32>
      %parallel_loop3A_672 = tpu.vector_load_idx %arg6[%parallel_loop3A_671] : memref<41600xi32, #tpu.memory_space<vmem>>[vector<16xi32>], vector<16xi32>,
      %parallel_loop3A_673 = vector.broadcast %multiple_of3A_35 : i32 to vector<16xi32>
      %parallel_loop3A_674 = arith.subi %parallel_loop3A_672, %parallel_loop3A_673 : vector<16xi32>
      %parallel_loop3A_675 = tpu.vector_load_idx %arg5[%parallel_loop3A_674] : memref<4480xf32, #tpu.memory_space<vmem>>[vector<16xi32>], vector<16xf32>,
      %parallel_loop3A_676 = arith.constant 2 : i32
      %parallel_loop3A_677 = arith.constant 1 : i32
      %parallel_loop3A_678 = arith.index_cast %parallel_loop3A_676 : i32 to index
      %parallel_loop3A_679 = arith.index_cast %parallel_loop3A_659 : i32 to index
      %parallel_loop3A_680 = arith.index_cast %parallel_loop3A_677 : i32 to index
      %parallel_loop3A_681 = arith.index_cast %parallel_loop3A_663 : i32 to index
      %parallel_loop3A_682 = tpu.vector_load %arg7[%parallel_loop3A_678, %parallel_loop3A_679, %parallel_loop3A_680, %parallel_loop3A_681] {strides = array<i32>} : memref<13x25x2x128xf32, #tpu.memory_space<vmem>>, vector<16xf32>,
      tpu.vector_store %arg7[%parallel_loop3A_678, %parallel_loop3A_679, %parallel_loop3A_680, %parallel_loop3A_681], %parallel_loop3A_675 {strides = array<i32>} : memref<13x25x2x128xf32, #tpu.memory_space<vmem>>, vector<16xf32>,
    } {sc.loop_unroll_factor = 8 : i64, sc.parallel_access}
    %dma_start3A_107 = arith.constant 2 : i32
    %dma_start3A_108 = arith.constant 2 : i32
    %dma_start3A_109 = arith.constant 0 : i32
    %dma_start3A_110 = arith.constant 0 : i32
    %dma_start3A_111 = arith.constant 0 : i32
    %dma_start3A_112 = tpu.memref_slice %arg7[%dma_start3A_107, %dma_start3A_109, %dma_start3A_110, %dma_start3A_111] : memref<13x25x2x128xf32, #tpu.memory_space<vmem>> -> memref<1x25x2x128xf32, #tpu.memory_space<vmem>>
    %dma_start3A_113 = tpu.memref_squeeze %dma_start3A_112 : memref<1x25x2x128xf32, #tpu.memory_space<vmem>> -> memref<25x2x128xf32, #tpu.memory_space<vmem>>
    %dma_start3A_114 = arith.constant 0 : i32
    %dma_start3A_115 = arith.constant 0 : i32
    %dma_start3A_116 = tpu.memref_slice %arg4[%dma_start3A_108, %min3A_7, %dma_start3A_114, %dma_start3A_115] : memref<13x781x2x128xf32, #tpu.memory_space<hbm>> -> memref<1x25x2x128xf32, #tpu.memory_space<hbm>>
    %dma_start3A_117 = tpu.memref_squeeze %dma_start3A_116 : memref<1x25x2x128xf32, #tpu.memory_space<hbm>> -> memref<25x2x128xf32, #tpu.memory_space<hbm>>
    %dma_start3A_118 = arith.constant 0 : i32
    %dma_start3A_119 = arith.constant 0 : i32
    %dma_start3A_120 = tpu.memref_slice %arg4[%dma_start3A_108, %min3A_7, %dma_start3A_118, %dma_start3A_119] : memref<13x781x2x128xf32, #tpu.memory_space<hbm>> -> memref<1x25x2x128xf32, #tpu.memory_space<hbm>>
    %dma_start3A_121 = tpu.memref_squeeze %dma_start3A_120 : memref<1x25x2x128xf32, #tpu.memory_space<hbm>> -> memref<25x2x128xf32, #tpu.memory_space<hbm>>
    %dma_start3A_122 = arith.constant 0 : i32
    %dma_start3A_123 = arith.constant 0 : i32
    %dma_start3A_124 = arith.constant 0 : i32
    %dma_start3A_125 = tpu.memref_slice %arg7[%dma_start3A_107, %dma_start3A_122, %dma_start3A_123, %dma_start3A_124] : memref<13x25x2x128xf32, #tpu.memory_space<vmem>> -> memref<1x25x2x128xf32, #tpu.memory_space<vmem>>
    %dma_start3A_126 = tpu.memref_squeeze %dma_start3A_125 : memref<1x25x2x128xf32, #tpu.memory_space<vmem>> -> memref<25x2x128xf32, #tpu.memory_space<vmem>>
    tpu.enqueue_dma source(%dma_start3A_126 : memref<25x2x128xf32, #tpu.memory_space<vmem>>) target(%dma_start3A_121 : memref<25x2x128xf32, #tpu.memory_space<hbm>>) target_semaphore(%arg9 : memref<!tpu.dma_semaphore, #tpu.memory_space<semaphore_mem>>)
    %mul3A_127 = arith.constant 13 : i32
    %mul3A_128 = arith.muli %sub3A_29, %mul3A_127 : i32
    %add3A_129 = arith.constant 3 : i32
    %add3A_130 = arith.addi %mul3A_128, %add3A_129 : i32
    %parallel_loop3A_131 = arith.constant 0 : i32
    %parallel_loop3A_132 = arith.constant 200 : i32
    %parallel_loop3A_133 = arith.constant 1 : i32
    scf.for %parallel_loop3A_657 = %parallel_loop3A_131 to %parallel_loop3A_132 step %parallel_loop3A_133  : i32 {
      %parallel_loop3A_658 = arith.constant 3 : i32
      %parallel_loop3A_659 = arith.shrui %parallel_loop3A_657, %parallel_loop3A_658 : i32
      %parallel_loop3A_660 = arith.constant 7 : i32
      %parallel_loop3A_661 = arith.andi %parallel_loop3A_657, %parallel_loop3A_660 : i32
      %parallel_loop3A_662 = arith.constant 16 : i32
      %parallel_loop3A_663 = arith.muli %parallel_loop3A_661, %parallel_loop3A_662 : i32
      %parallel_loop3A_664 = arith.constant 208 : i32
      %parallel_loop3A_665 = arith.muli %parallel_loop3A_657, %parallel_loop3A_664 : i32
      %parallel_loop3A_666 = arith.addi %parallel_loop3A_665, %add3A_130 : i32
      %parallel_loop3A_667 = vector.broadcast %parallel_loop3A_666 : i32 to vector<16xi32>
      %parallel_loop3A_668 = arith.addi %parallel_loop3A_667, %mul3A_42 : vector<16xi32>
      %parallel_loop3A_669 = arith.constant 41599 : i32
      %parallel_loop3A_670 = vector.broadcast %parallel_loop3A_669 : i32 to vector<16xi32>
      %parallel_loop3A_671 = arith.minsi %parallel_loop3A_668, %parallel_loop3A_670 : vector<16xi32>
      %parallel_loop3A_672 = tpu.vector_load_idx %arg6[%parallel_loop3A_671] : memref<41600xi32, #tpu.memory_space<vmem>>[vector<16xi32>], vector<16xi32>,
      %parallel_loop3A_673 = vector.broadcast %multiple_of3A_35 : i32 to vector<16xi32>
      %parallel_loop3A_674 = arith.subi %parallel_loop3A_672, %parallel_loop3A_673 : vector<16xi32>
      %parallel_loop3A_675 = tpu.vector_load_idx %arg5[%parallel_loop3A_674] : memref<4480xf32, #tpu.memory_space<vmem>>[vector<16xi32>], vector<16xf32>,
      %parallel_loop3A_676 = arith.constant 3 : i32
      %parallel_loop3A_677 = arith.constant 1 : i32
      %parallel_loop3A_678 = arith.index_cast %parallel_loop3A_676 : i32 to index
      %parallel_loop3A_679 = arith.index_cast %parallel_loop3A_659 : i32 to index
      %parallel_loop3A_680 = arith.index_cast %parallel_loop3A_677 : i32 to index
      %parallel_loop3A_681 = arith.index_cast %parallel_loop3A_663 : i32 to index
      %parallel_loop3A_682 = tpu.vector_load %arg7[%parallel_loop3A_678, %parallel_loop3A_679, %parallel_loop3A_680, %parallel_loop3A_681] {strides = array<i32>} : memref<13x25x2x128xf32, #tpu.memory_space<vmem>>, vector<16xf32>,
      tpu.vector_store %arg7[%parallel_loop3A_678, %parallel_loop3A_679, %parallel_loop3A_680, %parallel_loop3A_681], %parallel_loop3A_675 {strides = array<i32>} : memref<13x25x2x128xf32, #tpu.memory_space<vmem>>, vector<16xf32>,
    } {sc.loop_unroll_factor = 8 : i64, sc.parallel_access}
    %dma_start3A_134 = arith.constant 3 : i32
    %dma_start3A_135 = arith.constant 3 : i32
    %dma_start3A_136 = arith.constant 0 : i32
    %dma_start3A_137 = arith.constant 0 : i32
    %dma_start3A_138 = arith.constant 0 : i32
    %dma_start3A_139 = tpu.memref_slice %arg7[%dma_start3A_134, %dma_start3A_136, %dma_start3A_137, %dma_start3A_138] : memref<13x25x2x128xf32, #tpu.memory_space<vmem>> -> memref<1x25x2x128xf32, #tpu.memory_space<vmem>>
    %dma_start3A_140 = tpu.memref_squeeze %dma_start3A_139 : memref<1x25x2x128xf32, #tpu.memory_space<vmem>> -> memref<25x2x128xf32, #tpu.memory_space<vmem>>
    %dma_start3A_141 = arith.constant 0 : i32
    %dma_start3A_142 = arith.constant 0 : i32
    %dma_start3A_143 = tpu.memref_slice %arg4[%dma_start3A_135, %min3A_7, %dma_start3A_141, %dma_start3A_142] : memref<13x781x2x128xf32, #tpu.memory_space<hbm>> -> memref<1x25x2x128xf32, #tpu.memory_space<hbm>>
    %dma_start3A_144 = tpu.memref_squeeze %dma_start3A_143 : memref<1x25x2x128xf32, #tpu.memory_space<hbm>> -> memref<25x2x128xf32, #tpu.memory_space<hbm>>
    %dma_start3A_145 = arith.constant 0 : i32
    %dma_start3A_146 = arith.constant 0 : i32
    %dma_start3A_147 = tpu.memref_slice %arg4[%dma_start3A_135, %min3A_7, %dma_start3A_145, %dma_start3A_146] : memref<13x781x2x128xf32, #tpu.memory_space<hbm>> -> memref<1x25x2x128xf32, #tpu.memory_space<hbm>>
    %dma_start3A_148 = tpu.memref_squeeze %dma_start3A_147 : memref<1x25x2x128xf32, #tpu.memory_space<hbm>> -> memref<25x2x128xf32, #tpu.memory_space<hbm>>
    %dma_start3A_149 = arith.constant 0 : i32
    %dma_start3A_150 = arith.constant 0 : i32
    %dma_start3A_151 = arith.constant 0 : i32
    %dma_start3A_152 = tpu.memref_slice %arg7[%dma_start3A_134, %dma_start3A_149, %dma_start3A_150, %dma_start3A_151] : memref<13x25x2x128xf32, #tpu.memory_space<vmem>> -> memref<1x25x2x128xf32, #tpu.memory_space<vmem>>
    %dma_start3A_153 = tpu.memref_squeeze %dma_start3A_152 : memref<1x25x2x128xf32, #tpu.memory_space<vmem>> -> memref<25x2x128xf32, #tpu.memory_space<vmem>>
    tpu.enqueue_dma source(%dma_start3A_153 : memref<25x2x128xf32, #tpu.memory_space<vmem>>) target(%dma_start3A_148 : memref<25x2x128xf32, #tpu.memory_space<hbm>>) target_semaphore(%arg9 : memref<!tpu.dma_semaphore, #tpu.memory_space<semaphore_mem>>)
    %mul3A_154 = arith.constant 13 : i32
    %mul3A_155 = arith.muli %sub3A_29, %mul3A_154 : i32
    %add3A_156 = arith.constant 4 : i32
    %add3A_157 = arith.addi %mul3A_155, %add3A_156 : i32
    %parallel_loop3A_158 = arith.constant 0 : i32
    %parallel_loop3A_159 = arith.constant 200 : i32
    %parallel_loop3A_160 = arith.constant 1 : i32
    scf.for %parallel_loop3A_657 = %parallel_loop3A_158 to %parallel_loop3A_159 step %parallel_loop3A_160  : i32 {
      %parallel_loop3A_658 = arith.constant 3 : i32
      %parallel_loop3A_659 = arith.shrui %parallel_loop3A_657, %parallel_loop3A_658 : i32
      %parallel_loop3A_660 = arith.constant 7 : i32
      %parallel_loop3A_661 = arith.andi %parallel_loop3A_657, %parallel_loop3A_660 : i32
      %parallel_loop3A_662 = arith.constant 16 : i32
      %parallel_loop3A_663 = arith.muli %parallel_loop3A_661, %parallel_loop3A_662 : i32
      %parallel_loop3A_664 = arith.constant 208 : i32
      %parallel_loop3A_665 = arith.muli %parallel_loop3A_657, %parallel_loop3A_664 : i32
      %parallel_loop3A_666 = arith.addi %parallel_loop3A_665, %add3A_157 : i32
      %parallel_loop3A_667 = vector.broadcast %parallel_loop3A_666 : i32 to vector<16xi32>
      %parallel_loop3A_668 = arith.addi %parallel_loop3A_667, %mul3A_42 : vector<16xi32>
      %parallel_loop3A_669 = arith.constant 41599 : i32
      %parallel_loop3A_670 = vector.broadcast %parallel_loop3A_669 : i32 to vector<16xi32>
      %parallel_loop3A_671 = arith.minsi %parallel_loop3A_668, %parallel_loop3A_670 : vector<16xi32>
      %parallel_loop3A_672 = tpu.vector_load_idx %arg6[%parallel_loop3A_671] : memref<41600xi32, #tpu.memory_space<vmem>>[vector<16xi32>], vector<16xi32>,
      %parallel_loop3A_673 = vector.broadcast %multiple_of3A_35 : i32 to vector<16xi32>
      %parallel_loop3A_674 = arith.subi %parallel_loop3A_672, %parallel_loop3A_673 : vector<16xi32>
      %parallel_loop3A_675 = tpu.vector_load_idx %arg5[%parallel_loop3A_674] : memref<4480xf32, #tpu.memory_space<vmem>>[vector<16xi32>], vector<16xf32>,
      %parallel_loop3A_676 = arith.constant 4 : i32
      %parallel_loop3A_677 = arith.constant 1 : i32
      %parallel_loop3A_678 = arith.index_cast %parallel_loop3A_676 : i32 to index
      %parallel_loop3A_679 = arith.index_cast %parallel_loop3A_659 : i32 to index
      %parallel_loop3A_680 = arith.index_cast %parallel_loop3A_677 : i32 to index
      %parallel_loop3A_681 = arith.index_cast %parallel_loop3A_663 : i32 to index
      %parallel_loop3A_682 = tpu.vector_load %arg7[%parallel_loop3A_678, %parallel_loop3A_679, %parallel_loop3A_680, %parallel_loop3A_681] {strides = array<i32>} : memref<13x25x2x128xf32, #tpu.memory_space<vmem>>, vector<16xf32>,
      tpu.vector_store %arg7[%parallel_loop3A_678, %parallel_loop3A_679, %parallel_loop3A_680, %parallel_loop3A_681], %parallel_loop3A_675 {strides = array<i32>} : memref<13x25x2x128xf32, #tpu.memory_space<vmem>>, vector<16xf32>,
    } {sc.loop_unroll_factor = 8 : i64, sc.parallel_access}
    %dma_start3A_161 = arith.constant 4 : i32
    %dma_start3A_162 = arith.constant 4 : i32
    %dma_start3A_163 = arith.constant 0 : i32
    %dma_start3A_164 = arith.constant 0 : i32
    %dma_start3A_165 = arith.constant 0 : i32
    %dma_start3A_166 = tpu.memref_slice %arg7[%dma_start3A_161, %dma_start3A_163, %dma_start3A_164, %dma_start3A_165] : memref<13x25x2x128xf32, #tpu.memory_space<vmem>> -> memref<1x25x2x128xf32, #tpu.memory_space<vmem>>
    %dma_start3A_167 = tpu.memref_squeeze %dma_start3A_166 : memref<1x25x2x128xf32, #tpu.memory_space<vmem>> -> memref<25x2x128xf32, #tpu.memory_space<vmem>>
    %dma_start3A_168 = arith.constant 0 : i32
    %dma_start3A_169 = arith.constant 0 : i32
    %dma_start3A_170 = tpu.memref_slice %arg4[%dma_start3A_162, %min3A_7, %dma_start3A_168, %dma_start3A_169] : memref<13x781x2x128xf32, #tpu.memory_space<hbm>> -> memref<1x25x2x128xf32, #tpu.memory_space<hbm>>
    %dma_start3A_171 = tpu.memref_squeeze %dma_start3A_170 : memref<1x25x2x128xf32, #tpu.memory_space<hbm>> -> memref<25x2x128xf32, #tpu.memory_space<hbm>>
    %dma_start3A_172 = arith.constant 0 : i32
    %dma_start3A_173 = arith.constant 0 : i32
    %dma_start3A_174 = tpu.memref_slice %arg4[%dma_start3A_162, %min3A_7, %dma_start3A_172, %dma_start3A_173] : memref<13x781x2x128xf32, #tpu.memory_space<hbm>> -> memref<1x25x2x128xf32, #tpu.memory_space<hbm>>
    %dma_start3A_175 = tpu.memref_squeeze %dma_start3A_174 : memref<1x25x2x128xf32, #tpu.memory_space<hbm>> -> memref<25x2x128xf32, #tpu.memory_space<hbm>>
    %dma_start3A_176 = arith.constant 0 : i32
    %dma_start3A_177 = arith.constant 0 : i32
    %dma_start3A_178 = arith.constant 0 : i32
    %dma_start3A_179 = tpu.memref_slice %arg7[%dma_start3A_161, %dma_start3A_176, %dma_start3A_177, %dma_start3A_178] : memref<13x25x2x128xf32, #tpu.memory_space<vmem>> -> memref<1x25x2x128xf32, #tpu.memory_space<vmem>>
    %dma_start3A_180 = tpu.memref_squeeze %dma_start3A_179 : memref<1x25x2x128xf32, #tpu.memory_space<vmem>> -> memref<25x2x128xf32, #tpu.memory_space<vmem>>
    tpu.enqueue_dma source(%dma_start3A_180 : memref<25x2x128xf32, #tpu.memory_space<vmem>>) target(%dma_start3A_175 : memref<25x2x128xf32, #tpu.memory_space<hbm>>) target_semaphore(%arg9 : memref<!tpu.dma_semaphore, #tpu.memory_space<semaphore_mem>>)
    %mul3A_181 = arith.constant 13 : i32
    %mul3A_182 = arith.muli %sub3A_29, %mul3A_181 : i32
    %add3A_183 = arith.constant 5 : i32
    %add3A_184 = arith.addi %mul3A_182, %add3A_183 : i32
    %parallel_loop3A_185 = arith.constant 0 : i32
    %parallel_loop3A_186 = arith.constant 200 : i32
    %parallel_loop3A_187 = arith.constant 1 : i32
    scf.for %parallel_loop3A_657 = %parallel_loop3A_185 to %parallel_loop3A_186 step %parallel_loop3A_187  : i32 {
      %parallel_loop3A_658 = arith.constant 3 : i32
      %parallel_loop3A_659 = arith.shrui %parallel_loop3A_657, %parallel_loop3A_658 : i32
      %parallel_loop3A_660 = arith.constant 7 : i32
      %parallel_loop3A_661 = arith.andi %parallel_loop3A_657, %parallel_loop3A_660 : i32
      %parallel_loop3A_662 = arith.constant 16 : i32
      %parallel_loop3A_663 = arith.muli %parallel_loop3A_661, %parallel_loop3A_662 : i32
      %parallel_loop3A_664 = arith.constant 208 : i32
      %parallel_loop3A_665 = arith.muli %parallel_loop3A_657, %parallel_loop3A_664 : i32
      %parallel_loop3A_666 = arith.addi %parallel_loop3A_665, %add3A_184 : i32
      %parallel_loop3A_667 = vector.broadcast %parallel_loop3A_666 : i32 to vector<16xi32>
      %parallel_loop3A_668 = arith.addi %parallel_loop3A_667, %mul3A_42 : vector<16xi32>
      %parallel_loop3A_669 = arith.constant 41599 : i32
      %parallel_loop3A_670 = vector.broadcast %parallel_loop3A_669 : i32 to vector<16xi32>
      %parallel_loop3A_671 = arith.minsi %parallel_loop3A_668, %parallel_loop3A_670 : vector<16xi32>
      %parallel_loop3A_672 = tpu.vector_load_idx %arg6[%parallel_loop3A_671] : memref<41600xi32, #tpu.memory_space<vmem>>[vector<16xi32>], vector<16xi32>,
      %parallel_loop3A_673 = vector.broadcast %multiple_of3A_35 : i32 to vector<16xi32>
      %parallel_loop3A_674 = arith.subi %parallel_loop3A_672, %parallel_loop3A_673 : vector<16xi32>
      %parallel_loop3A_675 = tpu.vector_load_idx %arg5[%parallel_loop3A_674] : memref<4480xf32, #tpu.memory_space<vmem>>[vector<16xi32>], vector<16xf32>,
      %parallel_loop3A_676 = arith.constant 5 : i32
      %parallel_loop3A_677 = arith.constant 1 : i32
      %parallel_loop3A_678 = arith.index_cast %parallel_loop3A_676 : i32 to index
      %parallel_loop3A_679 = arith.index_cast %parallel_loop3A_659 : i32 to index
      %parallel_loop3A_680 = arith.index_cast %parallel_loop3A_677 : i32 to index
      %parallel_loop3A_681 = arith.index_cast %parallel_loop3A_663 : i32 to index
      %parallel_loop3A_682 = tpu.vector_load %arg7[%parallel_loop3A_678, %parallel_loop3A_679, %parallel_loop3A_680, %parallel_loop3A_681] {strides = array<i32>} : memref<13x25x2x128xf32, #tpu.memory_space<vmem>>, vector<16xf32>,
      tpu.vector_store %arg7[%parallel_loop3A_678, %parallel_loop3A_679, %parallel_loop3A_680, %parallel_loop3A_681], %parallel_loop3A_675 {strides = array<i32>} : memref<13x25x2x128xf32, #tpu.memory_space<vmem>>, vector<16xf32>,
    } {sc.loop_unroll_factor = 8 : i64, sc.parallel_access}
    %dma_start3A_188 = arith.constant 5 : i32
    %dma_start3A_189 = arith.constant 5 : i32
    %dma_start3A_190 = arith.constant 0 : i32
    %dma_start3A_191 = arith.constant 0 : i32
    %dma_start3A_192 = arith.constant 0 : i32
    %dma_start3A_193 = tpu.memref_slice %arg7[%dma_start3A_188, %dma_start3A_190, %dma_start3A_191, %dma_start3A_192] : memref<13x25x2x128xf32, #tpu.memory_space<vmem>> -> memref<1x25x2x128xf32, #tpu.memory_space<vmem>>
    %dma_start3A_194 = tpu.memref_squeeze %dma_start3A_193 : memref<1x25x2x128xf32, #tpu.memory_space<vmem>> -> memref<25x2x128xf32, #tpu.memory_space<vmem>>
    %dma_start3A_195 = arith.constant 0 : i32
    %dma_start3A_196 = arith.constant 0 : i32
    %dma_start3A_197 = tpu.memref_slice %arg4[%dma_start3A_189, %min3A_7, %dma_start3A_195, %dma_start3A_196] : memref<13x781x2x128xf32, #tpu.memory_space<hbm>> -> memref<1x25x2x128xf32, #tpu.memory_space<hbm>>
    %dma_start3A_198 = tpu.memref_squeeze %dma_start3A_197 : memref<1x25x2x128xf32, #tpu.memory_space<hbm>> -> memref<25x2x128xf32, #tpu.memory_space<hbm>>
    %dma_start3A_199 = arith.constant 0 : i32
    %dma_start3A_200 = arith.constant 0 : i32
    %dma_start3A_201 = tpu.memref_slice %arg4[%dma_start3A_189, %min3A_7, %dma_start3A_199, %dma_start3A_200] : memref<13x781x2x128xf32, #tpu.memory_space<hbm>> -> memref<1x25x2x128xf32, #tpu.memory_space<hbm>>
    %dma_start3A_202 = tpu.memref_squeeze %dma_start3A_201 : memref<1x25x2x128xf32, #tpu.memory_space<hbm>> -> memref<25x2x128xf32, #tpu.memory_space<hbm>>
    %dma_start3A_203 = arith.constant 0 : i32
    %dma_start3A_204 = arith.constant 0 : i32
    %dma_start3A_205 = arith.constant 0 : i32
    %dma_start3A_206 = tpu.memref_slice %arg7[%dma_start3A_188, %dma_start3A_203, %dma_start3A_204, %dma_start3A_205] : memref<13x25x2x128xf32, #tpu.memory_space<vmem>> -> memref<1x25x2x128xf32, #tpu.memory_space<vmem>>
    %dma_start3A_207 = tpu.memref_squeeze %dma_start3A_206 : memref<1x25x2x128xf32, #tpu.memory_space<vmem>> -> memref<25x2x128xf32, #tpu.memory_space<vmem>>
    tpu.enqueue_dma source(%dma_start3A_207 : memref<25x2x128xf32, #tpu.memory_space<vmem>>) target(%dma_start3A_202 : memref<25x2x128xf32, #tpu.memory_space<hbm>>) target_semaphore(%arg9 : memref<!tpu.dma_semaphore, #tpu.memory_space<semaphore_mem>>)
    %mul3A_208 = arith.constant 13 : i32
    %mul3A_209 = arith.muli %sub3A_29, %mul3A_208 : i32
    %add3A_210 = arith.constant 6 : i32
    %add3A_211 = arith.addi %mul3A_209, %add3A_210 : i32
    %parallel_loop3A_212 = arith.constant 0 : i32
    %parallel_loop3A_213 = arith.constant 200 : i32
    %parallel_loop3A_214 = arith.constant 1 : i32
    scf.for %parallel_loop3A_657 = %parallel_loop3A_212 to %parallel_loop3A_213 step %parallel_loop3A_214  : i32 {
      %parallel_loop3A_658 = arith.constant 3 : i32
      %parallel_loop3A_659 = arith.shrui %parallel_loop3A_657, %parallel_loop3A_658 : i32
      %parallel_loop3A_660 = arith.constant 7 : i32
      %parallel_loop3A_661 = arith.andi %parallel_loop3A_657, %parallel_loop3A_660 : i32
      %parallel_loop3A_662 = arith.constant 16 : i32
      %parallel_loop3A_663 = arith.muli %parallel_loop3A_661, %parallel_loop3A_662 : i32
      %parallel_loop3A_664 = arith.constant 208 : i32
      %parallel_loop3A_665 = arith.muli %parallel_loop3A_657, %parallel_loop3A_664 : i32
      %parallel_loop3A_666 = arith.addi %parallel_loop3A_665, %add3A_211 : i32
      %parallel_loop3A_667 = vector.broadcast %parallel_loop3A_666 : i32 to vector<16xi32>
      %parallel_loop3A_668 = arith.addi %parallel_loop3A_667, %mul3A_42 : vector<16xi32>
      %parallel_loop3A_669 = arith.constant 41599 : i32
      %parallel_loop3A_670 = vector.broadcast %parallel_loop3A_669 : i32 to vector<16xi32>
      %parallel_loop3A_671 = arith.minsi %parallel_loop3A_668, %parallel_loop3A_670 : vector<16xi32>
      %parallel_loop3A_672 = tpu.vector_load_idx %arg6[%parallel_loop3A_671] : memref<41600xi32, #tpu.memory_space<vmem>>[vector<16xi32>], vector<16xi32>,
      %parallel_loop3A_673 = vector.broadcast %multiple_of3A_35 : i32 to vector<16xi32>
      %parallel_loop3A_674 = arith.subi %parallel_loop3A_672, %parallel_loop3A_673 : vector<16xi32>
      %parallel_loop3A_675 = tpu.vector_load_idx %arg5[%parallel_loop3A_674] : memref<4480xf32, #tpu.memory_space<vmem>>[vector<16xi32>], vector<16xf32>,
      %parallel_loop3A_676 = arith.constant 6 : i32
      %parallel_loop3A_677 = arith.constant 1 : i32
      %parallel_loop3A_678 = arith.index_cast %parallel_loop3A_676 : i32 to index
      %parallel_loop3A_679 = arith.index_cast %parallel_loop3A_659 : i32 to index
      %parallel_loop3A_680 = arith.index_cast %parallel_loop3A_677 : i32 to index
      %parallel_loop3A_681 = arith.index_cast %parallel_loop3A_663 : i32 to index
      %parallel_loop3A_682 = tpu.vector_load %arg7[%parallel_loop3A_678, %parallel_loop3A_679, %parallel_loop3A_680, %parallel_loop3A_681] {strides = array<i32>} : memref<13x25x2x128xf32, #tpu.memory_space<vmem>>, vector<16xf32>,
      tpu.vector_store %arg7[%parallel_loop3A_678, %parallel_loop3A_679, %parallel_loop3A_680, %parallel_loop3A_681], %parallel_loop3A_675 {strides = array<i32>} : memref<13x25x2x128xf32, #tpu.memory_space<vmem>>, vector<16xf32>,
    } {sc.loop_unroll_factor = 8 : i64, sc.parallel_access}
    %dma_start3A_215 = arith.constant 6 : i32
    %dma_start3A_216 = arith.constant 6 : i32
    %dma_start3A_217 = arith.constant 0 : i32
    %dma_start3A_218 = arith.constant 0 : i32
    %dma_start3A_219 = arith.constant 0 : i32
    %dma_start3A_220 = tpu.memref_slice %arg7[%dma_start3A_215, %dma_start3A_217, %dma_start3A_218, %dma_start3A_219] : memref<13x25x2x128xf32, #tpu.memory_space<vmem>> -> memref<1x25x2x128xf32, #tpu.memory_space<vmem>>
    %dma_start3A_221 = tpu.memref_squeeze %dma_start3A_220 : memref<1x25x2x128xf32, #tpu.memory_space<vmem>> -> memref<25x2x128xf32, #tpu.memory_space<vmem>>
    %dma_start3A_222 = arith.constant 0 : i32
    %dma_start3A_223 = arith.constant 0 : i32
    %dma_start3A_224 = tpu.memref_slice %arg4[%dma_start3A_216, %min3A_7, %dma_start3A_222, %dma_start3A_223] : memref<13x781x2x128xf32, #tpu.memory_space<hbm>> -> memref<1x25x2x128xf32, #tpu.memory_space<hbm>>
    %dma_start3A_225 = tpu.memref_squeeze %dma_start3A_224 : memref<1x25x2x128xf32, #tpu.memory_space<hbm>> -> memref<25x2x128xf32, #tpu.memory_space<hbm>>
    %dma_start3A_226 = arith.constant 0 : i32
    %dma_start3A_227 = arith.constant 0 : i32
    %dma_start3A_228 = tpu.memref_slice %arg4[%dma_start3A_216, %min3A_7, %dma_start3A_226, %dma_start3A_227] : memref<13x781x2x128xf32, #tpu.memory_space<hbm>> -> memref<1x25x2x128xf32, #tpu.memory_space<hbm>>
    %dma_start3A_229 = tpu.memref_squeeze %dma_start3A_228 : memref<1x25x2x128xf32, #tpu.memory_space<hbm>> -> memref<25x2x128xf32, #tpu.memory_space<hbm>>
    %dma_start3A_230 = arith.constant 0 : i32
    %dma_start3A_231 = arith.constant 0 : i32
    %dma_start3A_232 = arith.constant 0 : i32
    %dma_start3A_233 = tpu.memref_slice %arg7[%dma_start3A_215, %dma_start3A_230, %dma_start3A_231, %dma_start3A_232] : memref<13x25x2x128xf32, #tpu.memory_space<vmem>> -> memref<1x25x2x128xf32, #tpu.memory_space<vmem>>
    %dma_start3A_234 = tpu.memref_squeeze %dma_start3A_233 : memref<1x25x2x128xf32, #tpu.memory_space<vmem>> -> memref<25x2x128xf32, #tpu.memory_space<vmem>>
    tpu.enqueue_dma source(%dma_start3A_234 : memref<25x2x128xf32, #tpu.memory_space<vmem>>) target(%dma_start3A_229 : memref<25x2x128xf32, #tpu.memory_space<hbm>>) target_semaphore(%arg9 : memref<!tpu.dma_semaphore, #tpu.memory_space<semaphore_mem>>)
    %mul3A_235 = arith.constant 13 : i32
    %mul3A_236 = arith.muli %sub3A_29, %mul3A_235 : i32
    %add3A_237 = arith.constant 7 : i32
    %add3A_238 = arith.addi %mul3A_236, %add3A_237 : i32
    %parallel_loop3A_239 = arith.constant 0 : i32
    %parallel_loop3A_240 = arith.constant 200 : i32
    %parallel_loop3A_241 = arith.constant 1 : i32
    scf.for %parallel_loop3A_657 = %parallel_loop3A_239 to %parallel_loop3A_240 step %parallel_loop3A_241  : i32 {
      %parallel_loop3A_658 = arith.constant 3 : i32
      %parallel_loop3A_659 = arith.shrui %parallel_loop3A_657, %parallel_loop3A_658 : i32
      %parallel_loop3A_660 = arith.constant 7 : i32
      %parallel_loop3A_661 = arith.andi %parallel_loop3A_657, %parallel_loop3A_660 : i32
      %parallel_loop3A_662 = arith.constant 16 : i32
      %parallel_loop3A_663 = arith.muli %parallel_loop3A_661, %parallel_loop3A_662 : i32
      %parallel_loop3A_664 = arith.constant 208 : i32
      %parallel_loop3A_665 = arith.muli %parallel_loop3A_657, %parallel_loop3A_664 : i32
      %parallel_loop3A_666 = arith.addi %parallel_loop3A_665, %add3A_238 : i32
      %parallel_loop3A_667 = vector.broadcast %parallel_loop3A_666 : i32 to vector<16xi32>
      %parallel_loop3A_668 = arith.addi %parallel_loop3A_667, %mul3A_42 : vector<16xi32>
      %parallel_loop3A_669 = arith.constant 41599 : i32
      %parallel_loop3A_670 = vector.broadcast %parallel_loop3A_669 : i32 to vector<16xi32>
      %parallel_loop3A_671 = arith.minsi %parallel_loop3A_668, %parallel_loop3A_670 : vector<16xi32>
      %parallel_loop3A_672 = tpu.vector_load_idx %arg6[%parallel_loop3A_671] : memref<41600xi32, #tpu.memory_space<vmem>>[vector<16xi32>], vector<16xi32>,
      %parallel_loop3A_673 = vector.broadcast %multiple_of3A_35 : i32 to vector<16xi32>
      %parallel_loop3A_674 = arith.subi %parallel_loop3A_672, %parallel_loop3A_673 : vector<16xi32>
      %parallel_loop3A_675 = tpu.vector_load_idx %arg5[%parallel_loop3A_674] : memref<4480xf32, #tpu.memory_space<vmem>>[vector<16xi32>], vector<16xf32>,
      %parallel_loop3A_676 = arith.constant 7 : i32
      %parallel_loop3A_677 = arith.constant 1 : i32
      %parallel_loop3A_678 = arith.index_cast %parallel_loop3A_676 : i32 to index
      %parallel_loop3A_679 = arith.index_cast %parallel_loop3A_659 : i32 to index
      %parallel_loop3A_680 = arith.index_cast %parallel_loop3A_677 : i32 to index
      %parallel_loop3A_681 = arith.index_cast %parallel_loop3A_663 : i32 to index
      %parallel_loop3A_682 = tpu.vector_load %arg7[%parallel_loop3A_678, %parallel_loop3A_679, %parallel_loop3A_680, %parallel_loop3A_681] {strides = array<i32>} : memref<13x25x2x128xf32, #tpu.memory_space<vmem>>, vector<16xf32>,
      tpu.vector_store %arg7[%parallel_loop3A_678, %parallel_loop3A_679, %parallel_loop3A_680, %parallel_loop3A_681], %parallel_loop3A_675 {strides = array<i32>} : memref<13x25x2x128xf32, #tpu.memory_space<vmem>>, vector<16xf32>,
    } {sc.loop_unroll_factor = 8 : i64, sc.parallel_access}
    %dma_start3A_242 = arith.constant 7 : i32
    %dma_start3A_243 = arith.constant 7 : i32
    %dma_start3A_244 = arith.constant 0 : i32
    %dma_start3A_245 = arith.constant 0 : i32
    %dma_start3A_246 = arith.constant 0 : i32
    %dma_start3A_247 = tpu.memref_slice %arg7[%dma_start3A_242, %dma_start3A_244, %dma_start3A_245, %dma_start3A_246] : memref<13x25x2x128xf32, #tpu.memory_space<vmem>> -> memref<1x25x2x128xf32, #tpu.memory_space<vmem>>
    %dma_start3A_248 = tpu.memref_squeeze %dma_start3A_247 : memref<1x25x2x128xf32, #tpu.memory_space<vmem>> -> memref<25x2x128xf32, #tpu.memory_space<vmem>>
    %dma_start3A_249 = arith.constant 0 : i32
    %dma_start3A_250 = arith.constant 0 : i32
    %dma_start3A_251 = tpu.memref_slice %arg4[%dma_start3A_243, %min3A_7, %dma_start3A_249, %dma_start3A_250] : memref<13x781x2x128xf32, #tpu.memory_space<hbm>> -> memref<1x25x2x128xf32, #tpu.memory_space<hbm>>
    %dma_start3A_252 = tpu.memref_squeeze %dma_start3A_251 : memref<1x25x2x128xf32, #tpu.memory_space<hbm>> -> memref<25x2x128xf32, #tpu.memory_space<hbm>>
    %dma_start3A_253 = arith.constant 0 : i32
    %dma_start3A_254 = arith.constant 0 : i32
    %dma_start3A_255 = tpu.memref_slice %arg4[%dma_start3A_243, %min3A_7, %dma_start3A_253, %dma_start3A_254] : memref<13x781x2x128xf32, #tpu.memory_space<hbm>> -> memref<1x25x2x128xf32, #tpu.memory_space<hbm>>
    %dma_start3A_256 = tpu.memref_squeeze %dma_start3A_255 : memref<1x25x2x128xf32, #tpu.memory_space<hbm>> -> memref<25x2x128xf32, #tpu.memory_space<hbm>>
    %dma_start3A_257 = arith.constant 0 : i32
    %dma_start3A_258 = arith.constant 0 : i32
    %dma_start3A_259 = arith.constant 0 : i32
    %dma_start3A_260 = tpu.memref_slice %arg7[%dma_start3A_242, %dma_start3A_257, %dma_start3A_258, %dma_start3A_259] : memref<13x25x2x128xf32, #tpu.memory_space<vmem>> -> memref<1x25x2x128xf32, #tpu.memory_space<vmem>>
    %dma_start3A_261 = tpu.memref_squeeze %dma_start3A_260 : memref<1x25x2x128xf32, #tpu.memory_space<vmem>> -> memref<25x2x128xf32, #tpu.memory_space<vmem>>
    tpu.enqueue_dma source(%dma_start3A_261 : memref<25x2x128xf32, #tpu.memory_space<vmem>>) target(%dma_start3A_256 : memref<25x2x128xf32, #tpu.memory_space<hbm>>) target_semaphore(%arg9 : memref<!tpu.dma_semaphore, #tpu.memory_space<semaphore_mem>>)
    %mul3A_262 = arith.constant 13 : i32
    %mul3A_263 = arith.muli %sub3A_29, %mul3A_262 : i32
    %add3A_264 = arith.constant 8 : i32
    %add3A_265 = arith.addi %mul3A_263, %add3A_264 : i32
    %parallel_loop3A_266 = arith.constant 0 : i32
    %parallel_loop3A_267 = arith.constant 200 : i32
    %parallel_loop3A_268 = arith.constant 1 : i32
    scf.for %parallel_loop3A_657 = %parallel_loop3A_266 to %parallel_loop3A_267 step %parallel_loop3A_268  : i32 {
      %parallel_loop3A_658 = arith.constant 3 : i32
      %parallel_loop3A_659 = arith.shrui %parallel_loop3A_657, %parallel_loop3A_658 : i32
      %parallel_loop3A_660 = arith.constant 7 : i32
      %parallel_loop3A_661 = arith.andi %parallel_loop3A_657, %parallel_loop3A_660 : i32
      %parallel_loop3A_662 = arith.constant 16 : i32
      %parallel_loop3A_663 = arith.muli %parallel_loop3A_661, %parallel_loop3A_662 : i32
      %parallel_loop3A_664 = arith.constant 208 : i32
      %parallel_loop3A_665 = arith.muli %parallel_loop3A_657, %parallel_loop3A_664 : i32
      %parallel_loop3A_666 = arith.addi %parallel_loop3A_665, %add3A_265 : i32
      %parallel_loop3A_667 = vector.broadcast %parallel_loop3A_666 : i32 to vector<16xi32>
      %parallel_loop3A_668 = arith.addi %parallel_loop3A_667, %mul3A_42 : vector<16xi32>
      %parallel_loop3A_669 = arith.constant 41599 : i32
      %parallel_loop3A_670 = vector.broadcast %parallel_loop3A_669 : i32 to vector<16xi32>
      %parallel_loop3A_671 = arith.minsi %parallel_loop3A_668, %parallel_loop3A_670 : vector<16xi32>
      %parallel_loop3A_672 = tpu.vector_load_idx %arg6[%parallel_loop3A_671] : memref<41600xi32, #tpu.memory_space<vmem>>[vector<16xi32>], vector<16xi32>,
      %parallel_loop3A_673 = vector.broadcast %multiple_of3A_35 : i32 to vector<16xi32>
      %parallel_loop3A_674 = arith.subi %parallel_loop3A_672, %parallel_loop3A_673 : vector<16xi32>
      %parallel_loop3A_675 = tpu.vector_load_idx %arg5[%parallel_loop3A_674] : memref<4480xf32, #tpu.memory_space<vmem>>[vector<16xi32>], vector<16xf32>,
      %parallel_loop3A_676 = arith.constant 8 : i32
      %parallel_loop3A_677 = arith.constant 1 : i32
      %parallel_loop3A_678 = arith.index_cast %parallel_loop3A_676 : i32 to index
      %parallel_loop3A_679 = arith.index_cast %parallel_loop3A_659 : i32 to index
      %parallel_loop3A_680 = arith.index_cast %parallel_loop3A_677 : i32 to index
      %parallel_loop3A_681 = arith.index_cast %parallel_loop3A_663 : i32 to index
      %parallel_loop3A_682 = tpu.vector_load %arg7[%parallel_loop3A_678, %parallel_loop3A_679, %parallel_loop3A_680, %parallel_loop3A_681] {strides = array<i32>} : memref<13x25x2x128xf32, #tpu.memory_space<vmem>>, vector<16xf32>,
      tpu.vector_store %arg7[%parallel_loop3A_678, %parallel_loop3A_679, %parallel_loop3A_680, %parallel_loop3A_681], %parallel_loop3A_675 {strides = array<i32>} : memref<13x25x2x128xf32, #tpu.memory_space<vmem>>, vector<16xf32>,
    } {sc.loop_unroll_factor = 8 : i64, sc.parallel_access}
    %dma_start3A_269 = arith.constant 8 : i32
    %dma_start3A_270 = arith.constant 8 : i32
    %dma_start3A_271 = arith.constant 0 : i32
    %dma_start3A_272 = arith.constant 0 : i32
    %dma_start3A_273 = arith.constant 0 : i32
    %dma_start3A_274 = tpu.memref_slice %arg7[%dma_start3A_269, %dma_start3A_271, %dma_start3A_272, %dma_start3A_273] : memref<13x25x2x128xf32, #tpu.memory_space<vmem>> -> memref<1x25x2x128xf32, #tpu.memory_space<vmem>>
    %dma_start3A_275 = tpu.memref_squeeze %dma_start3A_274 : memref<1x25x2x128xf32, #tpu.memory_space<vmem>> -> memref<25x2x128xf32, #tpu.memory_space<vmem>>
    %dma_start3A_276 = arith.constant 0 : i32
    %dma_start3A_277 = arith.constant 0 : i32
    %dma_start3A_278 = tpu.memref_slice %arg4[%dma_start3A_270, %min3A_7, %dma_start3A_276, %dma_start3A_277] : memref<13x781x2x128xf32, #tpu.memory_space<hbm>> -> memref<1x25x2x128xf32, #tpu.memory_space<hbm>>
    %dma_start3A_279 = tpu.memref_squeeze %dma_start3A_278 : memref<1x25x2x128xf32, #tpu.memory_space<hbm>> -> memref<25x2x128xf32, #tpu.memory_space<hbm>>
    %dma_start3A_280 = arith.constant 0 : i32
    %dma_start3A_281 = arith.constant 0 : i32
    %dma_start3A_282 = tpu.memref_slice %arg4[%dma_start3A_270, %min3A_7, %dma_start3A_280, %dma_start3A_281] : memref<13x781x2x128xf32, #tpu.memory_space<hbm>> -> memref<1x25x2x128xf32, #tpu.memory_space<hbm>>
    %dma_start3A_283 = tpu.memref_squeeze %dma_start3A_282 : memref<1x25x2x128xf32, #tpu.memory_space<hbm>> -> memref<25x2x128xf32, #tpu.memory_space<hbm>>
    %dma_start3A_284 = arith.constant 0 : i32
    %dma_start3A_285 = arith.constant 0 : i32
    %dma_start3A_286 = arith.constant 0 : i32
    %dma_start3A_287 = tpu.memref_slice %arg7[%dma_start3A_269, %dma_start3A_284, %dma_start3A_285, %dma_start3A_286] : memref<13x25x2x128xf32, #tpu.memory_space<vmem>> -> memref<1x25x2x128xf32, #tpu.memory_space<vmem>>
    %dma_start3A_288 = tpu.memref_squeeze %dma_start3A_287 : memref<1x25x2x128xf32, #tpu.memory_space<vmem>> -> memref<25x2x128xf32, #tpu.memory_space<vmem>>
    tpu.enqueue_dma source(%dma_start3A_288 : memref<25x2x128xf32, #tpu.memory_space<vmem>>) target(%dma_start3A_283 : memref<25x2x128xf32, #tpu.memory_space<hbm>>) target_semaphore(%arg9 : memref<!tpu.dma_semaphore, #tpu.memory_space<semaphore_mem>>)
    %mul3A_289 = arith.constant 13 : i32
    %mul3A_290 = arith.muli %sub3A_29, %mul3A_289 : i32
    %add3A_291 = arith.constant 9 : i32
    %add3A_292 = arith.addi %mul3A_290, %add3A_291 : i32
    %parallel_loop3A_293 = arith.constant 0 : i32
    %parallel_loop3A_294 = arith.constant 200 : i32
    %parallel_loop3A_295 = arith.constant 1 : i32
    scf.for %parallel_loop3A_657 = %parallel_loop3A_293 to %parallel_loop3A_294 step %parallel_loop3A_295  : i32 {
      %parallel_loop3A_658 = arith.constant 3 : i32
      %parallel_loop3A_659 = arith.shrui %parallel_loop3A_657, %parallel_loop3A_658 : i32
      %parallel_loop3A_660 = arith.constant 7 : i32
      %parallel_loop3A_661 = arith.andi %parallel_loop3A_657, %parallel_loop3A_660 : i32
      %parallel_loop3A_662 = arith.constant 16 : i32
      %parallel_loop3A_663 = arith.muli %parallel_loop3A_661, %parallel_loop3A_662 : i32
      %parallel_loop3A_664 = arith.constant 208 : i32
      %parallel_loop3A_665 = arith.muli %parallel_loop3A_657, %parallel_loop3A_664 : i32
      %parallel_loop3A_666 = arith.addi %parallel_loop3A_665, %add3A_292 : i32
      %parallel_loop3A_667 = vector.broadcast %parallel_loop3A_666 : i32 to vector<16xi32>
      %parallel_loop3A_668 = arith.addi %parallel_loop3A_667, %mul3A_42 : vector<16xi32>
      %parallel_loop3A_669 = arith.constant 41599 : i32
      %parallel_loop3A_670 = vector.broadcast %parallel_loop3A_669 : i32 to vector<16xi32>
      %parallel_loop3A_671 = arith.minsi %parallel_loop3A_668, %parallel_loop3A_670 : vector<16xi32>
      %parallel_loop3A_672 = tpu.vector_load_idx %arg6[%parallel_loop3A_671] : memref<41600xi32, #tpu.memory_space<vmem>>[vector<16xi32>], vector<16xi32>,
      %parallel_loop3A_673 = vector.broadcast %multiple_of3A_35 : i32 to vector<16xi32>
      %parallel_loop3A_674 = arith.subi %parallel_loop3A_672, %parallel_loop3A_673 : vector<16xi32>
      %parallel_loop3A_675 = tpu.vector_load_idx %arg5[%parallel_loop3A_674] : memref<4480xf32, #tpu.memory_space<vmem>>[vector<16xi32>], vector<16xf32>,
      %parallel_loop3A_676 = arith.constant 9 : i32
      %parallel_loop3A_677 = arith.constant 1 : i32
      %parallel_loop3A_678 = arith.index_cast %parallel_loop3A_676 : i32 to index
      %parallel_loop3A_679 = arith.index_cast %parallel_loop3A_659 : i32 to index
      %parallel_loop3A_680 = arith.index_cast %parallel_loop3A_677 : i32 to index
      %parallel_loop3A_681 = arith.index_cast %parallel_loop3A_663 : i32 to index
      %parallel_loop3A_682 = tpu.vector_load %arg7[%parallel_loop3A_678, %parallel_loop3A_679, %parallel_loop3A_680, %parallel_loop3A_681] {strides = array<i32>} : memref<13x25x2x128xf32, #tpu.memory_space<vmem>>, vector<16xf32>,
      tpu.vector_store %arg7[%parallel_loop3A_678, %parallel_loop3A_679, %parallel_loop3A_680, %parallel_loop3A_681], %parallel_loop3A_675 {strides = array<i32>} : memref<13x25x2x128xf32, #tpu.memory_space<vmem>>, vector<16xf32>,
    } {sc.loop_unroll_factor = 8 : i64, sc.parallel_access}
    %dma_start3A_296 = arith.constant 9 : i32
    %dma_start3A_297 = arith.constant 9 : i32
    %dma_start3A_298 = arith.constant 0 : i32
    %dma_start3A_299 = arith.constant 0 : i32
    %dma_start3A_300 = arith.constant 0 : i32
    %dma_start3A_301 = tpu.memref_slice %arg7[%dma_start3A_296, %dma_start3A_298, %dma_start3A_299, %dma_start3A_300] : memref<13x25x2x128xf32, #tpu.memory_space<vmem>> -> memref<1x25x2x128xf32, #tpu.memory_space<vmem>>
    %dma_start3A_302 = tpu.memref_squeeze %dma_start3A_301 : memref<1x25x2x128xf32, #tpu.memory_space<vmem>> -> memref<25x2x128xf32, #tpu.memory_space<vmem>>
    %dma_start3A_303 = arith.constant 0 : i32
    %dma_start3A_304 = arith.constant 0 : i32
    %dma_start3A_305 = tpu.memref_slice %arg4[%dma_start3A_297, %min3A_7, %dma_start3A_303, %dma_start3A_304] : memref<13x781x2x128xf32, #tpu.memory_space<hbm>> -> memref<1x25x2x128xf32, #tpu.memory_space<hbm>>
    %dma_start3A_306 = tpu.memref_squeeze %dma_start3A_305 : memref<1x25x2x128xf32, #tpu.memory_space<hbm>> -> memref<25x2x128xf32, #tpu.memory_space<hbm>>
    %dma_start3A_307 = arith.constant 0 : i32
    %dma_start3A_308 = arith.constant 0 : i32
    %dma_start3A_309 = tpu.memref_slice %arg4[%dma_start3A_297, %min3A_7, %dma_start3A_307, %dma_start3A_308] : memref<13x781x2x128xf32, #tpu.memory_space<hbm>> -> memref<1x25x2x128xf32, #tpu.memory_space<hbm>>
    %dma_start3A_310 = tpu.memref_squeeze %dma_start3A_309 : memref<1x25x2x128xf32, #tpu.memory_space<hbm>> -> memref<25x2x128xf32, #tpu.memory_space<hbm>>
    %dma_start3A_311 = arith.constant 0 : i32
    %dma_start3A_312 = arith.constant 0 : i32
    %dma_start3A_313 = arith.constant 0 : i32
    %dma_start3A_314 = tpu.memref_slice %arg7[%dma_start3A_296, %dma_start3A_311, %dma_start3A_312, %dma_start3A_313] : memref<13x25x2x128xf32, #tpu.memory_space<vmem>> -> memref<1x25x2x128xf32, #tpu.memory_space<vmem>>
    %dma_start3A_315 = tpu.memref_squeeze %dma_start3A_314 : memref<1x25x2x128xf32, #tpu.memory_space<vmem>> -> memref<25x2x128xf32, #tpu.memory_space<vmem>>
    tpu.enqueue_dma source(%dma_start3A_315 : memref<25x2x128xf32, #tpu.memory_space<vmem>>) target(%dma_start3A_310 : memref<25x2x128xf32, #tpu.memory_space<hbm>>) target_semaphore(%arg9 : memref<!tpu.dma_semaphore, #tpu.memory_space<semaphore_mem>>)
    %mul3A_316 = arith.constant 13 : i32
    %mul3A_317 = arith.muli %sub3A_29, %mul3A_316 : i32
    %add3A_318 = arith.constant 10 : i32
    %add3A_319 = arith.addi %mul3A_317, %add3A_318 : i32
    %parallel_loop3A_320 = arith.constant 0 : i32
    %parallel_loop3A_321 = arith.constant 200 : i32
    %parallel_loop3A_322 = arith.constant 1 : i32
    scf.for %parallel_loop3A_657 = %parallel_loop3A_320 to %parallel_loop3A_321 step %parallel_loop3A_322  : i32 {
      %parallel_loop3A_658 = arith.constant 3 : i32
      %parallel_loop3A_659 = arith.shrui %parallel_loop3A_657, %parallel_loop3A_658 : i32
      %parallel_loop3A_660 = arith.constant 7 : i32
      %parallel_loop3A_661 = arith.andi %parallel_loop3A_657, %parallel_loop3A_660 : i32
      %parallel_loop3A_662 = arith.constant 16 : i32
      %parallel_loop3A_663 = arith.muli %parallel_loop3A_661, %parallel_loop3A_662 : i32
      %parallel_loop3A_664 = arith.constant 208 : i32
      %parallel_loop3A_665 = arith.muli %parallel_loop3A_657, %parallel_loop3A_664 : i32
      %parallel_loop3A_666 = arith.addi %parallel_loop3A_665, %add3A_319 : i32
      %parallel_loop3A_667 = vector.broadcast %parallel_loop3A_666 : i32 to vector<16xi32>
      %parallel_loop3A_668 = arith.addi %parallel_loop3A_667, %mul3A_42 : vector<16xi32>
      %parallel_loop3A_669 = arith.constant 41599 : i32
      %parallel_loop3A_670 = vector.broadcast %parallel_loop3A_669 : i32 to vector<16xi32>
      %parallel_loop3A_671 = arith.minsi %parallel_loop3A_668, %parallel_loop3A_670 : vector<16xi32>
      %parallel_loop3A_672 = tpu.vector_load_idx %arg6[%parallel_loop3A_671] : memref<41600xi32, #tpu.memory_space<vmem>>[vector<16xi32>], vector<16xi32>,
      %parallel_loop3A_673 = vector.broadcast %multiple_of3A_35 : i32 to vector<16xi32>
      %parallel_loop3A_674 = arith.subi %parallel_loop3A_672, %parallel_loop3A_673 : vector<16xi32>
      %parallel_loop3A_675 = tpu.vector_load_idx %arg5[%parallel_loop3A_674] : memref<4480xf32, #tpu.memory_space<vmem>>[vector<16xi32>], vector<16xf32>,
      %parallel_loop3A_676 = arith.constant 10 : i32
      %parallel_loop3A_677 = arith.constant 1 : i32
      %parallel_loop3A_678 = arith.index_cast %parallel_loop3A_676 : i32 to index
      %parallel_loop3A_679 = arith.index_cast %parallel_loop3A_659 : i32 to index
      %parallel_loop3A_680 = arith.index_cast %parallel_loop3A_677 : i32 to index
      %parallel_loop3A_681 = arith.index_cast %parallel_loop3A_663 : i32 to index
      %parallel_loop3A_682 = tpu.vector_load %arg7[%parallel_loop3A_678, %parallel_loop3A_679, %parallel_loop3A_680, %parallel_loop3A_681] {strides = array<i32>} : memref<13x25x2x128xf32, #tpu.memory_space<vmem>>, vector<16xf32>,
      tpu.vector_store %arg7[%parallel_loop3A_678, %parallel_loop3A_679, %parallel_loop3A_680, %parallel_loop3A_681], %parallel_loop3A_675 {strides = array<i32>} : memref<13x25x2x128xf32, #tpu.memory_space<vmem>>, vector<16xf32>,
    } {sc.loop_unroll_factor = 8 : i64, sc.parallel_access}
    %dma_start3A_323 = arith.constant 10 : i32
    %dma_start3A_324 = arith.constant 10 : i32
    %dma_start3A_325 = arith.constant 0 : i32
    %dma_start3A_326 = arith.constant 0 : i32
    %dma_start3A_327 = arith.constant 0 : i32
    %dma_start3A_328 = tpu.memref_slice %arg7[%dma_start3A_323, %dma_start3A_325, %dma_start3A_326, %dma_start3A_327] : memref<13x25x2x128xf32, #tpu.memory_space<vmem>> -> memref<1x25x2x128xf32, #tpu.memory_space<vmem>>
    %dma_start3A_329 = tpu.memref_squeeze %dma_start3A_328 : memref<1x25x2x128xf32, #tpu.memory_space<vmem>> -> memref<25x2x128xf32, #tpu.memory_space<vmem>>
    %dma_start3A_330 = arith.constant 0 : i32
    %dma_start3A_331 = arith.constant 0 : i32
    %dma_start3A_332 = tpu.memref_slice %arg4[%dma_start3A_324, %min3A_7, %dma_start3A_330, %dma_start3A_331] : memref<13x781x2x128xf32, #tpu.memory_space<hbm>> -> memref<1x25x2x128xf32, #tpu.memory_space<hbm>>
    %dma_start3A_333 = tpu.memref_squeeze %dma_start3A_332 : memref<1x25x2x128xf32, #tpu.memory_space<hbm>> -> memref<25x2x128xf32, #tpu.memory_space<hbm>>
    %dma_start3A_334 = arith.constant 0 : i32
    %dma_start3A_335 = arith.constant 0 : i32
    %dma_start3A_336 = tpu.memref_slice %arg4[%dma_start3A_324, %min3A_7, %dma_start3A_334, %dma_start3A_335] : memref<13x781x2x128xf32, #tpu.memory_space<hbm>> -> memref<1x25x2x128xf32, #tpu.memory_space<hbm>>
    %dma_start3A_337 = tpu.memref_squeeze %dma_start3A_336 : memref<1x25x2x128xf32, #tpu.memory_space<hbm>> -> memref<25x2x128xf32, #tpu.memory_space<hbm>>
    %dma_start3A_338 = arith.constant 0 : i32
    %dma_start3A_339 = arith.constant 0 : i32
    %dma_start3A_340 = arith.constant 0 : i32
    %dma_start3A_341 = tpu.memref_slice %arg7[%dma_start3A_323, %dma_start3A_338, %dma_start3A_339, %dma_start3A_340] : memref<13x25x2x128xf32, #tpu.memory_space<vmem>> -> memref<1x25x2x128xf32, #tpu.memory_space<vmem>>
    %dma_start3A_342 = tpu.memref_squeeze %dma_start3A_341 : memref<1x25x2x128xf32, #tpu.memory_space<vmem>> -> memref<25x2x128xf32, #tpu.memory_space<vmem>>
    tpu.enqueue_dma source(%dma_start3A_342 : memref<25x2x128xf32, #tpu.memory_space<vmem>>) target(%dma_start3A_337 : memref<25x2x128xf32, #tpu.memory_space<hbm>>) target_semaphore(%arg9 : memref<!tpu.dma_semaphore, #tpu.memory_space<semaphore_mem>>)
    %mul3A_343 = arith.constant 13 : i32
    %mul3A_344 = arith.muli %sub3A_29, %mul3A_343 : i32
    %add3A_345 = arith.constant 11 : i32
    %add3A_346 = arith.addi %mul3A_344, %add3A_345 : i32
    %parallel_loop3A_347 = arith.constant 0 : i32
    %parallel_loop3A_348 = arith.constant 200 : i32
    %parallel_loop3A_349 = arith.constant 1 : i32
    scf.for %parallel_loop3A_657 = %parallel_loop3A_347 to %parallel_loop3A_348 step %parallel_loop3A_349  : i32 {
      %parallel_loop3A_658 = arith.constant 3 : i32
      %parallel_loop3A_659 = arith.shrui %parallel_loop3A_657, %parallel_loop3A_658 : i32
      %parallel_loop3A_660 = arith.constant 7 : i32
      %parallel_loop3A_661 = arith.andi %parallel_loop3A_657, %parallel_loop3A_660 : i32
      %parallel_loop3A_662 = arith.constant 16 : i32
      %parallel_loop3A_663 = arith.muli %parallel_loop3A_661, %parallel_loop3A_662 : i32
      %parallel_loop3A_664 = arith.constant 208 : i32
      %parallel_loop3A_665 = arith.muli %parallel_loop3A_657, %parallel_loop3A_664 : i32
      %parallel_loop3A_666 = arith.addi %parallel_loop3A_665, %add3A_346 : i32
      %parallel_loop3A_667 = vector.broadcast %parallel_loop3A_666 : i32 to vector<16xi32>
      %parallel_loop3A_668 = arith.addi %parallel_loop3A_667, %mul3A_42 : vector<16xi32>
      %parallel_loop3A_669 = arith.constant 41599 : i32
      %parallel_loop3A_670 = vector.broadcast %parallel_loop3A_669 : i32 to vector<16xi32>
      %parallel_loop3A_671 = arith.minsi %parallel_loop3A_668, %parallel_loop3A_670 : vector<16xi32>
      %parallel_loop3A_672 = tpu.vector_load_idx %arg6[%parallel_loop3A_671] : memref<41600xi32, #tpu.memory_space<vmem>>[vector<16xi32>], vector<16xi32>,
      %parallel_loop3A_673 = vector.broadcast %multiple_of3A_35 : i32 to vector<16xi32>
      %parallel_loop3A_674 = arith.subi %parallel_loop3A_672, %parallel_loop3A_673 : vector<16xi32>
      %parallel_loop3A_675 = tpu.vector_load_idx %arg5[%parallel_loop3A_674] : memref<4480xf32, #tpu.memory_space<vmem>>[vector<16xi32>], vector<16xf32>,
      %parallel_loop3A_676 = arith.constant 11 : i32
      %parallel_loop3A_677 = arith.constant 1 : i32
      %parallel_loop3A_678 = arith.index_cast %parallel_loop3A_676 : i32 to index
      %parallel_loop3A_679 = arith.index_cast %parallel_loop3A_659 : i32 to index
      %parallel_loop3A_680 = arith.index_cast %parallel_loop3A_677 : i32 to index
      %parallel_loop3A_681 = arith.index_cast %parallel_loop3A_663 : i32 to index
      %parallel_loop3A_682 = tpu.vector_load %arg7[%parallel_loop3A_678, %parallel_loop3A_679, %parallel_loop3A_680, %parallel_loop3A_681] {strides = array<i32>} : memref<13x25x2x128xf32, #tpu.memory_space<vmem>>, vector<16xf32>,
      tpu.vector_store %arg7[%parallel_loop3A_678, %parallel_loop3A_679, %parallel_loop3A_680, %parallel_loop3A_681], %parallel_loop3A_675 {strides = array<i32>} : memref<13x25x2x128xf32, #tpu.memory_space<vmem>>, vector<16xf32>,
    } {sc.loop_unroll_factor = 8 : i64, sc.parallel_access}
    %dma_start3A_350 = arith.constant 11 : i32
    %dma_start3A_351 = arith.constant 11 : i32
    %dma_start3A_352 = arith.constant 0 : i32
    %dma_start3A_353 = arith.constant 0 : i32
    %dma_start3A_354 = arith.constant 0 : i32
    %dma_start3A_355 = tpu.memref_slice %arg7[%dma_start3A_350, %dma_start3A_352, %dma_start3A_353, %dma_start3A_354] : memref<13x25x2x128xf32, #tpu.memory_space<vmem>> -> memref<1x25x2x128xf32, #tpu.memory_space<vmem>>
    %dma_start3A_356 = tpu.memref_squeeze %dma_start3A_355 : memref<1x25x2x128xf32, #tpu.memory_space<vmem>> -> memref<25x2x128xf32, #tpu.memory_space<vmem>>
    %dma_start3A_357 = arith.constant 0 : i32
    %dma_start3A_358 = arith.constant 0 : i32
    %dma_start3A_359 = tpu.memref_slice %arg4[%dma_start3A_351, %min3A_7, %dma_start3A_357, %dma_start3A_358] : memref<13x781x2x128xf32, #tpu.memory_space<hbm>> -> memref<1x25x2x128xf32, #tpu.memory_space<hbm>>
    %dma_start3A_360 = tpu.memref_squeeze %dma_start3A_359 : memref<1x25x2x128xf32, #tpu.memory_space<hbm>> -> memref<25x2x128xf32, #tpu.memory_space<hbm>>
    %dma_start3A_361 = arith.constant 0 : i32
    %dma_start3A_362 = arith.constant 0 : i32
    %dma_start3A_363 = tpu.memref_slice %arg4[%dma_start3A_351, %min3A_7, %dma_start3A_361, %dma_start3A_362] : memref<13x781x2x128xf32, #tpu.memory_space<hbm>> -> memref<1x25x2x128xf32, #tpu.memory_space<hbm>>
    %dma_start3A_364 = tpu.memref_squeeze %dma_start3A_363 : memref<1x25x2x128xf32, #tpu.memory_space<hbm>> -> memref<25x2x128xf32, #tpu.memory_space<hbm>>
    %dma_start3A_365 = arith.constant 0 : i32
    %dma_start3A_366 = arith.constant 0 : i32
    %dma_start3A_367 = arith.constant 0 : i32
    %dma_start3A_368 = tpu.memref_slice %arg7[%dma_start3A_350, %dma_start3A_365, %dma_start3A_366, %dma_start3A_367] : memref<13x25x2x128xf32, #tpu.memory_space<vmem>> -> memref<1x25x2x128xf32, #tpu.memory_space<vmem>>
    %dma_start3A_369 = tpu.memref_squeeze %dma_start3A_368 : memref<1x25x2x128xf32, #tpu.memory_space<vmem>> -> memref<25x2x128xf32, #tpu.memory_space<vmem>>
    tpu.enqueue_dma source(%dma_start3A_369 : memref<25x2x128xf32, #tpu.memory_space<vmem>>) target(%dma_start3A_364 : memref<25x2x128xf32, #tpu.memory_space<hbm>>) target_semaphore(%arg9 : memref<!tpu.dma_semaphore, #tpu.memory_space<semaphore_mem>>)
    %mul3A_370 = arith.constant 13 : i32
    %mul3A_371 = arith.muli %sub3A_29, %mul3A_370 : i32
    %add3A_372 = arith.constant 12 : i32
    %add3A_373 = arith.addi %mul3A_371, %add3A_372 : i32
    %parallel_loop3A_374 = arith.constant 0 : i32
    %parallel_loop3A_375 = arith.constant 200 : i32
    %parallel_loop3A_376 = arith.constant 1 : i32
    scf.for %parallel_loop3A_657 = %parallel_loop3A_374 to %parallel_loop3A_375 step %parallel_loop3A_376  : i32 {
      %parallel_loop3A_658 = arith.constant 3 : i32
      %parallel_loop3A_659 = arith.shrui %parallel_loop3A_657, %parallel_loop3A_658 : i32
      %parallel_loop3A_660 = arith.constant 7 : i32
      %parallel_loop3A_661 = arith.andi %parallel_loop3A_657, %parallel_loop3A_660 : i32
      %parallel_loop3A_662 = arith.constant 16 : i32
      %parallel_loop3A_663 = arith.muli %parallel_loop3A_661, %parallel_loop3A_662 : i32
      %parallel_loop3A_664 = arith.constant 208 : i32
      %parallel_loop3A_665 = arith.muli %parallel_loop3A_657, %parallel_loop3A_664 : i32
      %parallel_loop3A_666 = arith.addi %parallel_loop3A_665, %add3A_373 : i32
      %parallel_loop3A_667 = vector.broadcast %parallel_loop3A_666 : i32 to vector<16xi32>
      %parallel_loop3A_668 = arith.addi %parallel_loop3A_667, %mul3A_42 : vector<16xi32>
      %parallel_loop3A_669 = arith.constant 41599 : i32
      %parallel_loop3A_670 = vector.broadcast %parallel_loop3A_669 : i32 to vector<16xi32>
      %parallel_loop3A_671 = arith.minsi %parallel_loop3A_668, %parallel_loop3A_670 : vector<16xi32>
      %parallel_loop3A_672 = tpu.vector_load_idx %arg6[%parallel_loop3A_671] : memref<41600xi32, #tpu.memory_space<vmem>>[vector<16xi32>], vector<16xi32>,
      %parallel_loop3A_673 = vector.broadcast %multiple_of3A_35 : i32 to vector<16xi32>
      %parallel_loop3A_674 = arith.subi %parallel_loop3A_672, %parallel_loop3A_673 : vector<16xi32>
      %parallel_loop3A_675 = tpu.vector_load_idx %arg5[%parallel_loop3A_674] : memref<4480xf32, #tpu.memory_space<vmem>>[vector<16xi32>], vector<16xf32>,
      %parallel_loop3A_676 = arith.constant 12 : i32
      %parallel_loop3A_677 = arith.constant 1 : i32
      %parallel_loop3A_678 = arith.index_cast %parallel_loop3A_676 : i32 to index
      %parallel_loop3A_679 = arith.index_cast %parallel_loop3A_659 : i32 to index
      %parallel_loop3A_680 = arith.index_cast %parallel_loop3A_677 : i32 to index
      %parallel_loop3A_681 = arith.index_cast %parallel_loop3A_663 : i32 to index
      %parallel_loop3A_682 = tpu.vector_load %arg7[%parallel_loop3A_678, %parallel_loop3A_679, %parallel_loop3A_680, %parallel_loop3A_681] {strides = array<i32>} : memref<13x25x2x128xf32, #tpu.memory_space<vmem>>, vector<16xf32>,
      tpu.vector_store %arg7[%parallel_loop3A_678, %parallel_loop3A_679, %parallel_loop3A_680, %parallel_loop3A_681], %parallel_loop3A_675 {strides = array<i32>} : memref<13x25x2x128xf32, #tpu.memory_space<vmem>>, vector<16xf32>,
    } {sc.loop_unroll_factor = 8 : i64, sc.parallel_access}
    %dma_start3A_377 = arith.constant 12 : i32
    %dma_start3A_378 = arith.constant 12 : i32
    %dma_start3A_379 = arith.constant 0 : i32
    %dma_start3A_380 = arith.constant 0 : i32
    %dma_start3A_381 = arith.constant 0 : i32
    %dma_start3A_382 = tpu.memref_slice %arg7[%dma_start3A_377, %dma_start3A_379, %dma_start3A_380, %dma_start3A_381] : memref<13x25x2x128xf32, #tpu.memory_space<vmem>> -> memref<1x25x2x128xf32, #tpu.memory_space<vmem>>
    %dma_start3A_383 = tpu.memref_squeeze %dma_start3A_382 : memref<1x25x2x128xf32, #tpu.memory_space<vmem>> -> memref<25x2x128xf32, #tpu.memory_space<vmem>>
    %dma_start3A_384 = arith.constant 0 : i32
    %dma_start3A_385 = arith.constant 0 : i32
    %dma_start3A_386 = tpu.memref_slice %arg4[%dma_start3A_378, %min3A_7, %dma_start3A_384, %dma_start3A_385] : memref<13x781x2x128xf32, #tpu.memory_space<hbm>> -> memref<1x25x2x128xf32, #tpu.memory_space<hbm>>
    %dma_start3A_387 = tpu.memref_squeeze %dma_start3A_386 : memref<1x25x2x128xf32, #tpu.memory_space<hbm>> -> memref<25x2x128xf32, #tpu.memory_space<hbm>>
    %dma_start3A_388 = arith.constant 0 : i32
    %dma_start3A_389 = arith.constant 0 : i32
    %dma_start3A_390 = tpu.memref_slice %arg4[%dma_start3A_378, %min3A_7, %dma_start3A_388, %dma_start3A_389] : memref<13x781x2x128xf32, #tpu.memory_space<hbm>> -> memref<1x25x2x128xf32, #tpu.memory_space<hbm>>
    %dma_start3A_391 = tpu.memref_squeeze %dma_start3A_390 : memref<1x25x2x128xf32, #tpu.memory_space<hbm>> -> memref<25x2x128xf32, #tpu.memory_space<hbm>>
    %dma_start3A_392 = arith.constant 0 : i32
    %dma_start3A_393 = arith.constant 0 : i32
    %dma_start3A_394 = arith.constant 0 : i32
    %dma_start3A_395 = tpu.memref_slice %arg7[%dma_start3A_377, %dma_start3A_392, %dma_start3A_393, %dma_start3A_394] : memref<13x25x2x128xf32, #tpu.memory_space<vmem>> -> memref<1x25x2x128xf32, #tpu.memory_space<vmem>>
    %dma_start3A_396 = tpu.memref_squeeze %dma_start3A_395 : memref<1x25x2x128xf32, #tpu.memory_space<vmem>> -> memref<25x2x128xf32, #tpu.memory_space<vmem>>
    tpu.enqueue_dma source(%dma_start3A_396 : memref<25x2x128xf32, #tpu.memory_space<vmem>>) target(%dma_start3A_391 : memref<25x2x128xf32, #tpu.memory_space<hbm>>) target_semaphore(%arg9 : memref<!tpu.dma_semaphore, #tpu.memory_space<semaphore_mem>>)
    %dma_wait3A_397 = arith.constant 0 : i32
    %dma_wait3A_398 = arith.constant 0 : i32
    %dma_wait3A_399 = arith.constant 0 : i32
    %dma_wait3A_400 = arith.constant 0 : i32
    %dma_wait3A_401 = arith.constant 0 : i32
    %dma_wait3A_402 = tpu.memref_slice %arg7[%dma_wait3A_397, %dma_wait3A_399, %dma_wait3A_400, %dma_wait3A_401] : memref<13x25x2x128xf32, #tpu.memory_space<vmem>> -> memref<1x25x2x128xf32, #tpu.memory_space<vmem>>
    %dma_wait3A_403 = tpu.memref_squeeze %dma_wait3A_402 : memref<1x25x2x128xf32, #tpu.memory_space<vmem>> -> memref<25x2x128xf32, #tpu.memory_space<vmem>>
    %dma_wait3A_404 = arith.constant 0 : i32
    %dma_wait3A_405 = arith.constant 0 : i32
    %dma_wait3A_406 = tpu.memref_slice %arg4[%dma_wait3A_398, %min3A_7, %dma_wait3A_404, %dma_wait3A_405] : memref<13x781x2x128xf32, #tpu.memory_space<hbm>> -> memref<1x25x2x128xf32, #tpu.memory_space<hbm>>
    %dma_wait3A_407 = tpu.memref_squeeze %dma_wait3A_406 : memref<1x25x2x128xf32, #tpu.memory_space<hbm>> -> memref<25x2x128xf32, #tpu.memory_space<hbm>>
    %dma_wait3A_408 = arith.constant 0 : i32
    %dma_wait3A_409 = arith.constant 0 : i32
    %dma_wait3A_410 = tpu.memref_slice %arg4[%dma_wait3A_398, %min3A_7, %dma_wait3A_408, %dma_wait3A_409] : memref<13x781x2x128xf32, #tpu.memory_space<hbm>> -> memref<1x25x2x128xf32, #tpu.memory_space<hbm>>
    %dma_wait3A_411 = tpu.memref_squeeze %dma_wait3A_410 : memref<1x25x2x128xf32, #tpu.memory_space<hbm>> -> memref<25x2x128xf32, #tpu.memory_space<hbm>>
    %dma_wait3A_412 = arith.constant 0 : i32
    %dma_wait3A_413 = arith.constant 0 : i32
    %dma_wait3A_414 = arith.constant 0 : i32
    %dma_wait3A_415 = tpu.memref_slice %arg7[%dma_wait3A_397, %dma_wait3A_412, %dma_wait3A_413, %dma_wait3A_414] : memref<13x25x2x128xf32, #tpu.memory_space<vmem>> -> memref<1x25x2x128xf32, #tpu.memory_space<vmem>>
    %dma_wait3A_416 = tpu.memref_squeeze %dma_wait3A_415 : memref<1x25x2x128xf32, #tpu.memory_space<vmem>> -> memref<25x2x128xf32, #tpu.memory_space<vmem>>
    tpu.wait_dma2 semaphore(%arg9 : memref<!tpu.dma_semaphore, #tpu.memory_space<semaphore_mem>>) src(%dma_wait3A_416 : memref<25x2x128xf32, #tpu.memory_space<vmem>>) dst(%dma_wait3A_411 : memref<25x2x128xf32, #tpu.memory_space<hbm>>)
    %dma_wait3A_417 = arith.constant 1 : i32
    %dma_wait3A_418 = arith.constant 1 : i32
    %dma_wait3A_419 = arith.constant 0 : i32
    %dma_wait3A_420 = arith.constant 0 : i32
    %dma_wait3A_421 = arith.constant 0 : i32
    %dma_wait3A_422 = tpu.memref_slice %arg7[%dma_wait3A_417, %dma_wait3A_419, %dma_wait3A_420, %dma_wait3A_421] : memref<13x25x2x128xf32, #tpu.memory_space<vmem>> -> memref<1x25x2x128xf32, #tpu.memory_space<vmem>>
    %dma_wait3A_423 = tpu.memref_squeeze %dma_wait3A_422 : memref<1x25x2x128xf32, #tpu.memory_space<vmem>> -> memref<25x2x128xf32, #tpu.memory_space<vmem>>
    %dma_wait3A_424 = arith.constant 0 : i32
    %dma_wait3A_425 = arith.constant 0 : i32
    %dma_wait3A_426 = tpu.memref_slice %arg4[%dma_wait3A_418, %min3A_7, %dma_wait3A_424, %dma_wait3A_425] : memref<13x781x2x128xf32, #tpu.memory_space<hbm>> -> memref<1x25x2x128xf32, #tpu.memory_space<hbm>>
    %dma_wait3A_427 = tpu.memref_squeeze %dma_wait3A_426 : memref<1x25x2x128xf32, #tpu.memory_space<hbm>> -> memref<25x2x128xf32, #tpu.memory_space<hbm>>
    %dma_wait3A_428 = arith.constant 0 : i32
    %dma_wait3A_429 = arith.constant 0 : i32
    %dma_wait3A_430 = tpu.memref_slice %arg4[%dma_wait3A_418, %min3A_7, %dma_wait3A_428, %dma_wait3A_429] : memref<13x781x2x128xf32, #tpu.memory_space<hbm>> -> memref<1x25x2x128xf32, #tpu.memory_space<hbm>>
    %dma_wait3A_431 = tpu.memref_squeeze %dma_wait3A_430 : memref<1x25x2x128xf32, #tpu.memory_space<hbm>> -> memref<25x2x128xf32, #tpu.memory_space<hbm>>
    %dma_wait3A_432 = arith.constant 0 : i32
    %dma_wait3A_433 = arith.constant 0 : i32
    %dma_wait3A_434 = arith.constant 0 : i32
    %dma_wait3A_435 = tpu.memref_slice %arg7[%dma_wait3A_417, %dma_wait3A_432, %dma_wait3A_433, %dma_wait3A_434] : memref<13x25x2x128xf32, #tpu.memory_space<vmem>> -> memref<1x25x2x128xf32, #tpu.memory_space<vmem>>
    %dma_wait3A_436 = tpu.memref_squeeze %dma_wait3A_435 : memref<1x25x2x128xf32, #tpu.memory_space<vmem>> -> memref<25x2x128xf32, #tpu.memory_space<vmem>>
    tpu.wait_dma2 semaphore(%arg9 : memref<!tpu.dma_semaphore, #tpu.memory_space<semaphore_mem>>) src(%dma_wait3A_436 : memref<25x2x128xf32, #tpu.memory_space<vmem>>) dst(%dma_wait3A_431 : memref<25x2x128xf32, #tpu.memory_space<hbm>>)
    %dma_wait3A_437 = arith.constant 2 : i32
    %dma_wait3A_438 = arith.constant 2 : i32
    %dma_wait3A_439 = arith.constant 0 : i32
    %dma_wait3A_440 = arith.constant 0 : i32
    %dma_wait3A_441 = arith.constant 0 : i32
    %dma_wait3A_442 = tpu.memref_slice %arg7[%dma_wait3A_437, %dma_wait3A_439, %dma_wait3A_440, %dma_wait3A_441] : memref<13x25x2x128xf32, #tpu.memory_space<vmem>> -> memref<1x25x2x128xf32, #tpu.memory_space<vmem>>
    %dma_wait3A_443 = tpu.memref_squeeze %dma_wait3A_442 : memref<1x25x2x128xf32, #tpu.memory_space<vmem>> -> memref<25x2x128xf32, #tpu.memory_space<vmem>>
    %dma_wait3A_444 = arith.constant 0 : i32
    %dma_wait3A_445 = arith.constant 0 : i32
    %dma_wait3A_446 = tpu.memref_slice %arg4[%dma_wait3A_438, %min3A_7, %dma_wait3A_444, %dma_wait3A_445] : memref<13x781x2x128xf32, #tpu.memory_space<hbm>> -> memref<1x25x2x128xf32, #tpu.memory_space<hbm>>
    %dma_wait3A_447 = tpu.memref_squeeze %dma_wait3A_446 : memref<1x25x2x128xf32, #tpu.memory_space<hbm>> -> memref<25x2x128xf32, #tpu.memory_space<hbm>>
    %dma_wait3A_448 = arith.constant 0 : i32
    %dma_wait3A_449 = arith.constant 0 : i32
    %dma_wait3A_450 = tpu.memref_slice %arg4[%dma_wait3A_438, %min3A_7, %dma_wait3A_448, %dma_wait3A_449] : memref<13x781x2x128xf32, #tpu.memory_space<hbm>> -> memref<1x25x2x128xf32, #tpu.memory_space<hbm>>
    %dma_wait3A_451 = tpu.memref_squeeze %dma_wait3A_450 : memref<1x25x2x128xf32, #tpu.memory_space<hbm>> -> memref<25x2x128xf32, #tpu.memory_space<hbm>>
    %dma_wait3A_452 = arith.constant 0 : i32
    %dma_wait3A_453 = arith.constant 0 : i32
    %dma_wait3A_454 = arith.constant 0 : i32
    %dma_wait3A_455 = tpu.memref_slice %arg7[%dma_wait3A_437, %dma_wait3A_452, %dma_wait3A_453, %dma_wait3A_454] : memref<13x25x2x128xf32, #tpu.memory_space<vmem>> -> memref<1x25x2x128xf32, #tpu.memory_space<vmem>>
    %dma_wait3A_456 = tpu.memref_squeeze %dma_wait3A_455 : memref<1x25x2x128xf32, #tpu.memory_space<vmem>> -> memref<25x2x128xf32, #tpu.memory_space<vmem>>
    tpu.wait_dma2 semaphore(%arg9 : memref<!tpu.dma_semaphore, #tpu.memory_space<semaphore_mem>>) src(%dma_wait3A_456 : memref<25x2x128xf32, #tpu.memory_space<vmem>>) dst(%dma_wait3A_451 : memref<25x2x128xf32, #tpu.memory_space<hbm>>)
    %dma_wait3A_457 = arith.constant 3 : i32
    %dma_wait3A_458 = arith.constant 3 : i32
    %dma_wait3A_459 = arith.constant 0 : i32
    %dma_wait3A_460 = arith.constant 0 : i32
    %dma_wait3A_461 = arith.constant 0 : i32
    %dma_wait3A_462 = tpu.memref_slice %arg7[%dma_wait3A_457, %dma_wait3A_459, %dma_wait3A_460, %dma_wait3A_461] : memref<13x25x2x128xf32, #tpu.memory_space<vmem>> -> memref<1x25x2x128xf32, #tpu.memory_space<vmem>>
    %dma_wait3A_463 = tpu.memref_squeeze %dma_wait3A_462 : memref<1x25x2x128xf32, #tpu.memory_space<vmem>> -> memref<25x2x128xf32, #tpu.memory_space<vmem>>
    %dma_wait3A_464 = arith.constant 0 : i32
    %dma_wait3A_465 = arith.constant 0 : i32
    %dma_wait3A_466 = tpu.memref_slice %arg4[%dma_wait3A_458, %min3A_7, %dma_wait3A_464, %dma_wait3A_465] : memref<13x781x2x128xf32, #tpu.memory_space<hbm>> -> memref<1x25x2x128xf32, #tpu.memory_space<hbm>>
    %dma_wait3A_467 = tpu.memref_squeeze %dma_wait3A_466 : memref<1x25x2x128xf32, #tpu.memory_space<hbm>> -> memref<25x2x128xf32, #tpu.memory_space<hbm>>
    %dma_wait3A_468 = arith.constant 0 : i32
    %dma_wait3A_469 = arith.constant 0 : i32
    %dma_wait3A_470 = tpu.memref_slice %arg4[%dma_wait3A_458, %min3A_7, %dma_wait3A_468, %dma_wait3A_469] : memref<13x781x2x128xf32, #tpu.memory_space<hbm>> -> memref<1x25x2x128xf32, #tpu.memory_space<hbm>>
    %dma_wait3A_471 = tpu.memref_squeeze %dma_wait3A_470 : memref<1x25x2x128xf32, #tpu.memory_space<hbm>> -> memref<25x2x128xf32, #tpu.memory_space<hbm>>
    %dma_wait3A_472 = arith.constant 0 : i32
    %dma_wait3A_473 = arith.constant 0 : i32
    %dma_wait3A_474 = arith.constant 0 : i32
    %dma_wait3A_475 = tpu.memref_slice %arg7[%dma_wait3A_457, %dma_wait3A_472, %dma_wait3A_473, %dma_wait3A_474] : memref<13x25x2x128xf32, #tpu.memory_space<vmem>> -> memref<1x25x2x128xf32, #tpu.memory_space<vmem>>
    %dma_wait3A_476 = tpu.memref_squeeze %dma_wait3A_475 : memref<1x25x2x128xf32, #tpu.memory_space<vmem>> -> memref<25x2x128xf32, #tpu.memory_space<vmem>>
    tpu.wait_dma2 semaphore(%arg9 : memref<!tpu.dma_semaphore, #tpu.memory_space<semaphore_mem>>) src(%dma_wait3A_476 : memref<25x2x128xf32, #tpu.memory_space<vmem>>) dst(%dma_wait3A_471 : memref<25x2x128xf32, #tpu.memory_space<hbm>>)
    %dma_wait3A_477 = arith.constant 4 : i32
    %dma_wait3A_478 = arith.constant 4 : i32
    %dma_wait3A_479 = arith.constant 0 : i32
    %dma_wait3A_480 = arith.constant 0 : i32
    %dma_wait3A_481 = arith.constant 0 : i32
    %dma_wait3A_482 = tpu.memref_slice %arg7[%dma_wait3A_477, %dma_wait3A_479, %dma_wait3A_480, %dma_wait3A_481] : memref<13x25x2x128xf32, #tpu.memory_space<vmem>> -> memref<1x25x2x128xf32, #tpu.memory_space<vmem>>
    %dma_wait3A_483 = tpu.memref_squeeze %dma_wait3A_482 : memref<1x25x2x128xf32, #tpu.memory_space<vmem>> -> memref<25x2x128xf32, #tpu.memory_space<vmem>>
    %dma_wait3A_484 = arith.constant 0 : i32
    %dma_wait3A_485 = arith.constant 0 : i32
    %dma_wait3A_486 = tpu.memref_slice %arg4[%dma_wait3A_478, %min3A_7, %dma_wait3A_484, %dma_wait3A_485] : memref<13x781x2x128xf32, #tpu.memory_space<hbm>> -> memref<1x25x2x128xf32, #tpu.memory_space<hbm>>
    %dma_wait3A_487 = tpu.memref_squeeze %dma_wait3A_486 : memref<1x25x2x128xf32, #tpu.memory_space<hbm>> -> memref<25x2x128xf32, #tpu.memory_space<hbm>>
    %dma_wait3A_488 = arith.constant 0 : i32
    %dma_wait3A_489 = arith.constant 0 : i32
    %dma_wait3A_490 = tpu.memref_slice %arg4[%dma_wait3A_478, %min3A_7, %dma_wait3A_488, %dma_wait3A_489] : memref<13x781x2x128xf32, #tpu.memory_space<hbm>> -> memref<1x25x2x128xf32, #tpu.memory_space<hbm>>
    %dma_wait3A_491 = tpu.memref_squeeze %dma_wait3A_490 : memref<1x25x2x128xf32, #tpu.memory_space<hbm>> -> memref<25x2x128xf32, #tpu.memory_space<hbm>>
    %dma_wait3A_492 = arith.constant 0 : i32
    %dma_wait3A_493 = arith.constant 0 : i32
    %dma_wait3A_494 = arith.constant 0 : i32
    %dma_wait3A_495 = tpu.memref_slice %arg7[%dma_wait3A_477, %dma_wait3A_492, %dma_wait3A_493, %dma_wait3A_494] : memref<13x25x2x128xf32, #tpu.memory_space<vmem>> -> memref<1x25x2x128xf32, #tpu.memory_space<vmem>>
    %dma_wait3A_496 = tpu.memref_squeeze %dma_wait3A_495 : memref<1x25x2x128xf32, #tpu.memory_space<vmem>> -> memref<25x2x128xf32, #tpu.memory_space<vmem>>
    tpu.wait_dma2 semaphore(%arg9 : memref<!tpu.dma_semaphore, #tpu.memory_space<semaphore_mem>>) src(%dma_wait3A_496 : memref<25x2x128xf32, #tpu.memory_space<vmem>>) dst(%dma_wait3A_491 : memref<25x2x128xf32, #tpu.memory_space<hbm>>)
    %dma_wait3A_497 = arith.constant 5 : i32
    %dma_wait3A_498 = arith.constant 5 : i32
    %dma_wait3A_499 = arith.constant 0 : i32
    %dma_wait3A_500 = arith.constant 0 : i32
    %dma_wait3A_501 = arith.constant 0 : i32
    %dma_wait3A_502 = tpu.memref_slice %arg7[%dma_wait3A_497, %dma_wait3A_499, %dma_wait3A_500, %dma_wait3A_501] : memref<13x25x2x128xf32, #tpu.memory_space<vmem>> -> memref<1x25x2x128xf32, #tpu.memory_space<vmem>>
    %dma_wait3A_503 = tpu.memref_squeeze %dma_wait3A_502 : memref<1x25x2x128xf32, #tpu.memory_space<vmem>> -> memref<25x2x128xf32, #tpu.memory_space<vmem>>
    %dma_wait3A_504 = arith.constant 0 : i32
    %dma_wait3A_505 = arith.constant 0 : i32
    %dma_wait3A_506 = tpu.memref_slice %arg4[%dma_wait3A_498, %min3A_7, %dma_wait3A_504, %dma_wait3A_505] : memref<13x781x2x128xf32, #tpu.memory_space<hbm>> -> memref<1x25x2x128xf32, #tpu.memory_space<hbm>>
    %dma_wait3A_507 = tpu.memref_squeeze %dma_wait3A_506 : memref<1x25x2x128xf32, #tpu.memory_space<hbm>> -> memref<25x2x128xf32, #tpu.memory_space<hbm>>
    %dma_wait3A_508 = arith.constant 0 : i32
    %dma_wait3A_509 = arith.constant 0 : i32
    %dma_wait3A_510 = tpu.memref_slice %arg4[%dma_wait3A_498, %min3A_7, %dma_wait3A_508, %dma_wait3A_509] : memref<13x781x2x128xf32, #tpu.memory_space<hbm>> -> memref<1x25x2x128xf32, #tpu.memory_space<hbm>>
    %dma_wait3A_511 = tpu.memref_squeeze %dma_wait3A_510 : memref<1x25x2x128xf32, #tpu.memory_space<hbm>> -> memref<25x2x128xf32, #tpu.memory_space<hbm>>
    %dma_wait3A_512 = arith.constant 0 : i32
    %dma_wait3A_513 = arith.constant 0 : i32
    %dma_wait3A_514 = arith.constant 0 : i32
    %dma_wait3A_515 = tpu.memref_slice %arg7[%dma_wait3A_497, %dma_wait3A_512, %dma_wait3A_513, %dma_wait3A_514] : memref<13x25x2x128xf32, #tpu.memory_space<vmem>> -> memref<1x25x2x128xf32, #tpu.memory_space<vmem>>
    %dma_wait3A_516 = tpu.memref_squeeze %dma_wait3A_515 : memref<1x25x2x128xf32, #tpu.memory_space<vmem>> -> memref<25x2x128xf32, #tpu.memory_space<vmem>>
    tpu.wait_dma2 semaphore(%arg9 : memref<!tpu.dma_semaphore, #tpu.memory_space<semaphore_mem>>) src(%dma_wait3A_516 : memref<25x2x128xf32, #tpu.memory_space<vmem>>) dst(%dma_wait3A_511 : memref<25x2x128xf32, #tpu.memory_space<hbm>>)
    %dma_wait3A_517 = arith.constant 6 : i32
    %dma_wait3A_518 = arith.constant 6 : i32
    %dma_wait3A_519 = arith.constant 0 : i32
    %dma_wait3A_520 = arith.constant 0 : i32
    %dma_wait3A_521 = arith.constant 0 : i32
    %dma_wait3A_522 = tpu.memref_slice %arg7[%dma_wait3A_517, %dma_wait3A_519, %dma_wait3A_520, %dma_wait3A_521] : memref<13x25x2x128xf32, #tpu.memory_space<vmem>> -> memref<1x25x2x128xf32, #tpu.memory_space<vmem>>
    %dma_wait3A_523 = tpu.memref_squeeze %dma_wait3A_522 : memref<1x25x2x128xf32, #tpu.memory_space<vmem>> -> memref<25x2x128xf32, #tpu.memory_space<vmem>>
    %dma_wait3A_524 = arith.constant 0 : i32
    %dma_wait3A_525 = arith.constant 0 : i32
    %dma_wait3A_526 = tpu.memref_slice %arg4[%dma_wait3A_518, %min3A_7, %dma_wait3A_524, %dma_wait3A_525] : memref<13x781x2x128xf32, #tpu.memory_space<hbm>> -> memref<1x25x2x128xf32, #tpu.memory_space<hbm>>
    %dma_wait3A_527 = tpu.memref_squeeze %dma_wait3A_526 : memref<1x25x2x128xf32, #tpu.memory_space<hbm>> -> memref<25x2x128xf32, #tpu.memory_space<hbm>>
    %dma_wait3A_528 = arith.constant 0 : i32
    %dma_wait3A_529 = arith.constant 0 : i32
    %dma_wait3A_530 = tpu.memref_slice %arg4[%dma_wait3A_518, %min3A_7, %dma_wait3A_528, %dma_wait3A_529] : memref<13x781x2x128xf32, #tpu.memory_space<hbm>> -> memref<1x25x2x128xf32, #tpu.memory_space<hbm>>
    %dma_wait3A_531 = tpu.memref_squeeze %dma_wait3A_530 : memref<1x25x2x128xf32, #tpu.memory_space<hbm>> -> memref<25x2x128xf32, #tpu.memory_space<hbm>>
    %dma_wait3A_532 = arith.constant 0 : i32
    %dma_wait3A_533 = arith.constant 0 : i32
    %dma_wait3A_534 = arith.constant 0 : i32
    %dma_wait3A_535 = tpu.memref_slice %arg7[%dma_wait3A_517, %dma_wait3A_532, %dma_wait3A_533, %dma_wait3A_534] : memref<13x25x2x128xf32, #tpu.memory_space<vmem>> -> memref<1x25x2x128xf32, #tpu.memory_space<vmem>>
    %dma_wait3A_536 = tpu.memref_squeeze %dma_wait3A_535 : memref<1x25x2x128xf32, #tpu.memory_space<vmem>> -> memref<25x2x128xf32, #tpu.memory_space<vmem>>
    tpu.wait_dma2 semaphore(%arg9 : memref<!tpu.dma_semaphore, #tpu.memory_space<semaphore_mem>>) src(%dma_wait3A_536 : memref<25x2x128xf32, #tpu.memory_space<vmem>>) dst(%dma_wait3A_531 : memref<25x2x128xf32, #tpu.memory_space<hbm>>)
    %dma_wait3A_537 = arith.constant 7 : i32
    %dma_wait3A_538 = arith.constant 7 : i32
    %dma_wait3A_539 = arith.constant 0 : i32
    %dma_wait3A_540 = arith.constant 0 : i32
    %dma_wait3A_541 = arith.constant 0 : i32
    %dma_wait3A_542 = tpu.memref_slice %arg7[%dma_wait3A_537, %dma_wait3A_539, %dma_wait3A_540, %dma_wait3A_541] : memref<13x25x2x128xf32, #tpu.memory_space<vmem>> -> memref<1x25x2x128xf32, #tpu.memory_space<vmem>>
    %dma_wait3A_543 = tpu.memref_squeeze %dma_wait3A_542 : memref<1x25x2x128xf32, #tpu.memory_space<vmem>> -> memref<25x2x128xf32, #tpu.memory_space<vmem>>
    %dma_wait3A_544 = arith.constant 0 : i32
    %dma_wait3A_545 = arith.constant 0 : i32
    %dma_wait3A_546 = tpu.memref_slice %arg4[%dma_wait3A_538, %min3A_7, %dma_wait3A_544, %dma_wait3A_545] : memref<13x781x2x128xf32, #tpu.memory_space<hbm>> -> memref<1x25x2x128xf32, #tpu.memory_space<hbm>>
    %dma_wait3A_547 = tpu.memref_squeeze %dma_wait3A_546 : memref<1x25x2x128xf32, #tpu.memory_space<hbm>> -> memref<25x2x128xf32, #tpu.memory_space<hbm>>
    %dma_wait3A_548 = arith.constant 0 : i32
    %dma_wait3A_549 = arith.constant 0 : i32
    %dma_wait3A_550 = tpu.memref_slice %arg4[%dma_wait3A_538, %min3A_7, %dma_wait3A_548, %dma_wait3A_549] : memref<13x781x2x128xf32, #tpu.memory_space<hbm>> -> memref<1x25x2x128xf32, #tpu.memory_space<hbm>>
    %dma_wait3A_551 = tpu.memref_squeeze %dma_wait3A_550 : memref<1x25x2x128xf32, #tpu.memory_space<hbm>> -> memref<25x2x128xf32, #tpu.memory_space<hbm>>
    %dma_wait3A_552 = arith.constant 0 : i32
    %dma_wait3A_553 = arith.constant 0 : i32
    %dma_wait3A_554 = arith.constant 0 : i32
    %dma_wait3A_555 = tpu.memref_slice %arg7[%dma_wait3A_537, %dma_wait3A_552, %dma_wait3A_553, %dma_wait3A_554] : memref<13x25x2x128xf32, #tpu.memory_space<vmem>> -> memref<1x25x2x128xf32, #tpu.memory_space<vmem>>
    %dma_wait3A_556 = tpu.memref_squeeze %dma_wait3A_555 : memref<1x25x2x128xf32, #tpu.memory_space<vmem>> -> memref<25x2x128xf32, #tpu.memory_space<vmem>>
    tpu.wait_dma2 semaphore(%arg9 : memref<!tpu.dma_semaphore, #tpu.memory_space<semaphore_mem>>) src(%dma_wait3A_556 : memref<25x2x128xf32, #tpu.memory_space<vmem>>) dst(%dma_wait3A_551 : memref<25x2x128xf32, #tpu.memory_space<hbm>>)
    %dma_wait3A_557 = arith.constant 8 : i32
    %dma_wait3A_558 = arith.constant 8 : i32
    %dma_wait3A_559 = arith.constant 0 : i32
    %dma_wait3A_560 = arith.constant 0 : i32
    %dma_wait3A_561 = arith.constant 0 : i32
    %dma_wait3A_562 = tpu.memref_slice %arg7[%dma_wait3A_557, %dma_wait3A_559, %dma_wait3A_560, %dma_wait3A_561] : memref<13x25x2x128xf32, #tpu.memory_space<vmem>> -> memref<1x25x2x128xf32, #tpu.memory_space<vmem>>
    %dma_wait3A_563 = tpu.memref_squeeze %dma_wait3A_562 : memref<1x25x2x128xf32, #tpu.memory_space<vmem>> -> memref<25x2x128xf32, #tpu.memory_space<vmem>>
    %dma_wait3A_564 = arith.constant 0 : i32
    %dma_wait3A_565 = arith.constant 0 : i32
    %dma_wait3A_566 = tpu.memref_slice %arg4[%dma_wait3A_558, %min3A_7, %dma_wait3A_564, %dma_wait3A_565] : memref<13x781x2x128xf32, #tpu.memory_space<hbm>> -> memref<1x25x2x128xf32, #tpu.memory_space<hbm>>
    %dma_wait3A_567 = tpu.memref_squeeze %dma_wait3A_566 : memref<1x25x2x128xf32, #tpu.memory_space<hbm>> -> memref<25x2x128xf32, #tpu.memory_space<hbm>>
    %dma_wait3A_568 = arith.constant 0 : i32
    %dma_wait3A_569 = arith.constant 0 : i32
    %dma_wait3A_570 = tpu.memref_slice %arg4[%dma_wait3A_558, %min3A_7, %dma_wait3A_568, %dma_wait3A_569] : memref<13x781x2x128xf32, #tpu.memory_space<hbm>> -> memref<1x25x2x128xf32, #tpu.memory_space<hbm>>
    %dma_wait3A_571 = tpu.memref_squeeze %dma_wait3A_570 : memref<1x25x2x128xf32, #tpu.memory_space<hbm>> -> memref<25x2x128xf32, #tpu.memory_space<hbm>>
    %dma_wait3A_572 = arith.constant 0 : i32
    %dma_wait3A_573 = arith.constant 0 : i32
    %dma_wait3A_574 = arith.constant 0 : i32
    %dma_wait3A_575 = tpu.memref_slice %arg7[%dma_wait3A_557, %dma_wait3A_572, %dma_wait3A_573, %dma_wait3A_574] : memref<13x25x2x128xf32, #tpu.memory_space<vmem>> -> memref<1x25x2x128xf32, #tpu.memory_space<vmem>>
    %dma_wait3A_576 = tpu.memref_squeeze %dma_wait3A_575 : memref<1x25x2x128xf32, #tpu.memory_space<vmem>> -> memref<25x2x128xf32, #tpu.memory_space<vmem>>
    tpu.wait_dma2 semaphore(%arg9 : memref<!tpu.dma_semaphore, #tpu.memory_space<semaphore_mem>>) src(%dma_wait3A_576 : memref<25x2x128xf32, #tpu.memory_space<vmem>>) dst(%dma_wait3A_571 : memref<25x2x128xf32, #tpu.memory_space<hbm>>)
    %dma_wait3A_577 = arith.constant 9 : i32
    %dma_wait3A_578 = arith.constant 9 : i32
    %dma_wait3A_579 = arith.constant 0 : i32
    %dma_wait3A_580 = arith.constant 0 : i32
    %dma_wait3A_581 = arith.constant 0 : i32
    %dma_wait3A_582 = tpu.memref_slice %arg7[%dma_wait3A_577, %dma_wait3A_579, %dma_wait3A_580, %dma_wait3A_581] : memref<13x25x2x128xf32, #tpu.memory_space<vmem>> -> memref<1x25x2x128xf32, #tpu.memory_space<vmem>>
    %dma_wait3A_583 = tpu.memref_squeeze %dma_wait3A_582 : memref<1x25x2x128xf32, #tpu.memory_space<vmem>> -> memref<25x2x128xf32, #tpu.memory_space<vmem>>
    %dma_wait3A_584 = arith.constant 0 : i32
    %dma_wait3A_585 = arith.constant 0 : i32
    %dma_wait3A_586 = tpu.memref_slice %arg4[%dma_wait3A_578, %min3A_7, %dma_wait3A_584, %dma_wait3A_585] : memref<13x781x2x128xf32, #tpu.memory_space<hbm>> -> memref<1x25x2x128xf32, #tpu.memory_space<hbm>>
    %dma_wait3A_587 = tpu.memref_squeeze %dma_wait3A_586 : memref<1x25x2x128xf32, #tpu.memory_space<hbm>> -> memref<25x2x128xf32, #tpu.memory_space<hbm>>
    %dma_wait3A_588 = arith.constant 0 : i32
    %dma_wait3A_589 = arith.constant 0 : i32
    %dma_wait3A_590 = tpu.memref_slice %arg4[%dma_wait3A_578, %min3A_7, %dma_wait3A_588, %dma_wait3A_589] : memref<13x781x2x128xf32, #tpu.memory_space<hbm>> -> memref<1x25x2x128xf32, #tpu.memory_space<hbm>>
    %dma_wait3A_591 = tpu.memref_squeeze %dma_wait3A_590 : memref<1x25x2x128xf32, #tpu.memory_space<hbm>> -> memref<25x2x128xf32, #tpu.memory_space<hbm>>
    %dma_wait3A_592 = arith.constant 0 : i32
    %dma_wait3A_593 = arith.constant 0 : i32
    %dma_wait3A_594 = arith.constant 0 : i32
    %dma_wait3A_595 = tpu.memref_slice %arg7[%dma_wait3A_577, %dma_wait3A_592, %dma_wait3A_593, %dma_wait3A_594] : memref<13x25x2x128xf32, #tpu.memory_space<vmem>> -> memref<1x25x2x128xf32, #tpu.memory_space<vmem>>
    %dma_wait3A_596 = tpu.memref_squeeze %dma_wait3A_595 : memref<1x25x2x128xf32, #tpu.memory_space<vmem>> -> memref<25x2x128xf32, #tpu.memory_space<vmem>>
    tpu.wait_dma2 semaphore(%arg9 : memref<!tpu.dma_semaphore, #tpu.memory_space<semaphore_mem>>) src(%dma_wait3A_596 : memref<25x2x128xf32, #tpu.memory_space<vmem>>) dst(%dma_wait3A_591 : memref<25x2x128xf32, #tpu.memory_space<hbm>>)
    %dma_wait3A_597 = arith.constant 10 : i32
    %dma_wait3A_598 = arith.constant 10 : i32
    %dma_wait3A_599 = arith.constant 0 : i32
    %dma_wait3A_600 = arith.constant 0 : i32
    %dma_wait3A_601 = arith.constant 0 : i32
    %dma_wait3A_602 = tpu.memref_slice %arg7[%dma_wait3A_597, %dma_wait3A_599, %dma_wait3A_600, %dma_wait3A_601] : memref<13x25x2x128xf32, #tpu.memory_space<vmem>> -> memref<1x25x2x128xf32, #tpu.memory_space<vmem>>
    %dma_wait3A_603 = tpu.memref_squeeze %dma_wait3A_602 : memref<1x25x2x128xf32, #tpu.memory_space<vmem>> -> memref<25x2x128xf32, #tpu.memory_space<vmem>>
    %dma_wait3A_604 = arith.constant 0 : i32
    %dma_wait3A_605 = arith.constant 0 : i32
    %dma_wait3A_606 = tpu.memref_slice %arg4[%dma_wait3A_598, %min3A_7, %dma_wait3A_604, %dma_wait3A_605] : memref<13x781x2x128xf32, #tpu.memory_space<hbm>> -> memref<1x25x2x128xf32, #tpu.memory_space<hbm>>
    %dma_wait3A_607 = tpu.memref_squeeze %dma_wait3A_606 : memref<1x25x2x128xf32, #tpu.memory_space<hbm>> -> memref<25x2x128xf32, #tpu.memory_space<hbm>>
    %dma_wait3A_608 = arith.constant 0 : i32
    %dma_wait3A_609 = arith.constant 0 : i32
    %dma_wait3A_610 = tpu.memref_slice %arg4[%dma_wait3A_598, %min3A_7, %dma_wait3A_608, %dma_wait3A_609] : memref<13x781x2x128xf32, #tpu.memory_space<hbm>> -> memref<1x25x2x128xf32, #tpu.memory_space<hbm>>
    %dma_wait3A_611 = tpu.memref_squeeze %dma_wait3A_610 : memref<1x25x2x128xf32, #tpu.memory_space<hbm>> -> memref<25x2x128xf32, #tpu.memory_space<hbm>>
    %dma_wait3A_612 = arith.constant 0 : i32
    %dma_wait3A_613 = arith.constant 0 : i32
    %dma_wait3A_614 = arith.constant 0 : i32
    %dma_wait3A_615 = tpu.memref_slice %arg7[%dma_wait3A_597, %dma_wait3A_612, %dma_wait3A_613, %dma_wait3A_614] : memref<13x25x2x128xf32, #tpu.memory_space<vmem>> -> memref<1x25x2x128xf32, #tpu.memory_space<vmem>>
    %dma_wait3A_616 = tpu.memref_squeeze %dma_wait3A_615 : memref<1x25x2x128xf32, #tpu.memory_space<vmem>> -> memref<25x2x128xf32, #tpu.memory_space<vmem>>
    tpu.wait_dma2 semaphore(%arg9 : memref<!tpu.dma_semaphore, #tpu.memory_space<semaphore_mem>>) src(%dma_wait3A_616 : memref<25x2x128xf32, #tpu.memory_space<vmem>>) dst(%dma_wait3A_611 : memref<25x2x128xf32, #tpu.memory_space<hbm>>)
    %dma_wait3A_617 = arith.constant 11 : i32
    %dma_wait3A_618 = arith.constant 11 : i32
    %dma_wait3A_619 = arith.constant 0 : i32
    %dma_wait3A_620 = arith.constant 0 : i32
    %dma_wait3A_621 = arith.constant 0 : i32
    %dma_wait3A_622 = tpu.memref_slice %arg7[%dma_wait3A_617, %dma_wait3A_619, %dma_wait3A_620, %dma_wait3A_621] : memref<13x25x2x128xf32, #tpu.memory_space<vmem>> -> memref<1x25x2x128xf32, #tpu.memory_space<vmem>>
    %dma_wait3A_623 = tpu.memref_squeeze %dma_wait3A_622 : memref<1x25x2x128xf32, #tpu.memory_space<vmem>> -> memref<25x2x128xf32, #tpu.memory_space<vmem>>
    %dma_wait3A_624 = arith.constant 0 : i32
    %dma_wait3A_625 = arith.constant 0 : i32
    %dma_wait3A_626 = tpu.memref_slice %arg4[%dma_wait3A_618, %min3A_7, %dma_wait3A_624, %dma_wait3A_625] : memref<13x781x2x128xf32, #tpu.memory_space<hbm>> -> memref<1x25x2x128xf32, #tpu.memory_space<hbm>>
    %dma_wait3A_627 = tpu.memref_squeeze %dma_wait3A_626 : memref<1x25x2x128xf32, #tpu.memory_space<hbm>> -> memref<25x2x128xf32, #tpu.memory_space<hbm>>
    %dma_wait3A_628 = arith.constant 0 : i32
    %dma_wait3A_629 = arith.constant 0 : i32
    %dma_wait3A_630 = tpu.memref_slice %arg4[%dma_wait3A_618, %min3A_7, %dma_wait3A_628, %dma_wait3A_629] : memref<13x781x2x128xf32, #tpu.memory_space<hbm>> -> memref<1x25x2x128xf32, #tpu.memory_space<hbm>>
    %dma_wait3A_631 = tpu.memref_squeeze %dma_wait3A_630 : memref<1x25x2x128xf32, #tpu.memory_space<hbm>> -> memref<25x2x128xf32, #tpu.memory_space<hbm>>
    %dma_wait3A_632 = arith.constant 0 : i32
    %dma_wait3A_633 = arith.constant 0 : i32
    %dma_wait3A_634 = arith.constant 0 : i32
    %dma_wait3A_635 = tpu.memref_slice %arg7[%dma_wait3A_617, %dma_wait3A_632, %dma_wait3A_633, %dma_wait3A_634] : memref<13x25x2x128xf32, #tpu.memory_space<vmem>> -> memref<1x25x2x128xf32, #tpu.memory_space<vmem>>
    %dma_wait3A_636 = tpu.memref_squeeze %dma_wait3A_635 : memref<1x25x2x128xf32, #tpu.memory_space<vmem>> -> memref<25x2x128xf32, #tpu.memory_space<vmem>>
    tpu.wait_dma2 semaphore(%arg9 : memref<!tpu.dma_semaphore, #tpu.memory_space<semaphore_mem>>) src(%dma_wait3A_636 : memref<25x2x128xf32, #tpu.memory_space<vmem>>) dst(%dma_wait3A_631 : memref<25x2x128xf32, #tpu.memory_space<hbm>>)
    %dma_wait3A_637 = arith.constant 12 : i32
    %dma_wait3A_638 = arith.constant 12 : i32
    %dma_wait3A_639 = arith.constant 0 : i32
    %dma_wait3A_640 = arith.constant 0 : i32
    %dma_wait3A_641 = arith.constant 0 : i32
    %dma_wait3A_642 = tpu.memref_slice %arg7[%dma_wait3A_637, %dma_wait3A_639, %dma_wait3A_640, %dma_wait3A_641] : memref<13x25x2x128xf32, #tpu.memory_space<vmem>> -> memref<1x25x2x128xf32, #tpu.memory_space<vmem>>
    %dma_wait3A_643 = tpu.memref_squeeze %dma_wait3A_642 : memref<1x25x2x128xf32, #tpu.memory_space<vmem>> -> memref<25x2x128xf32, #tpu.memory_space<vmem>>
    %dma_wait3A_644 = arith.constant 0 : i32
    %dma_wait3A_645 = arith.constant 0 : i32
    %dma_wait3A_646 = tpu.memref_slice %arg4[%dma_wait3A_638, %min3A_7, %dma_wait3A_644, %dma_wait3A_645] : memref<13x781x2x128xf32, #tpu.memory_space<hbm>> -> memref<1x25x2x128xf32, #tpu.memory_space<hbm>>
    %dma_wait3A_647 = tpu.memref_squeeze %dma_wait3A_646 : memref<1x25x2x128xf32, #tpu.memory_space<hbm>> -> memref<25x2x128xf32, #tpu.memory_space<hbm>>
    %dma_wait3A_648 = arith.constant 0 : i32
    %dma_wait3A_649 = arith.constant 0 : i32
    %dma_wait3A_650 = tpu.memref_slice %arg4[%dma_wait3A_638, %min3A_7, %dma_wait3A_648, %dma_wait3A_649] : memref<13x781x2x128xf32, #tpu.memory_space<hbm>> -> memref<1x25x2x128xf32, #tpu.memory_space<hbm>>
    %dma_wait3A_651 = tpu.memref_squeeze %dma_wait3A_650 : memref<1x25x2x128xf32, #tpu.memory_space<hbm>> -> memref<25x2x128xf32, #tpu.memory_space<hbm>>
    %dma_wait3A_652 = arith.constant 0 : i32
    %dma_wait3A_653 = arith.constant 0 : i32
    %dma_wait3A_654 = arith.constant 0 : i32
    %dma_wait3A_655 = tpu.memref_slice %arg7[%dma_wait3A_637, %dma_wait3A_652, %dma_wait3A_653, %dma_wait3A_654] : memref<13x25x2x128xf32, #tpu.memory_space<vmem>> -> memref<1x25x2x128xf32, #tpu.memory_space<vmem>>
    %dma_wait3A_656 = tpu.memref_squeeze %dma_wait3A_655 : memref<1x25x2x128xf32, #tpu.memory_space<vmem>> -> memref<25x2x128xf32, #tpu.memory_space<vmem>>
    tpu.wait_dma2 semaphore(%arg9 : memref<!tpu.dma_semaphore, #tpu.memory_space<semaphore_mem>>) src(%dma_wait3A_656 : memref<25x2x128xf32, #tpu.memory_space<vmem>>) dst(%dma_wait3A_651 : memref<25x2x128xf32, #tpu.memory_space<hbm>>)
    return
  }
}

</mosaic_0001>

<sc_bundles>
// kernel: kernel.3.cloned.1.call-start
scs
__scs_entry_jumppad:
0x0: {  	(pc) =	sbr.rel $0x88, $3  }
0x1: {  	(tag) =	ssettag $0x0;
	lr =	simm.s32 $0x1  }
0x2: {  	[smem:$0x3F9F] =	sst lr;
	_ =	strace $0xD0000000  }
0x3: {  	_ = 	snop  }
0x4: {  	_ = 	snop  }
0x5: {  	_ = 	snop  }
0x6: {  	_ = 	snop  }
0x7: {  	_ = 	snop  }
__scs_overlays_trampoline_lowered:
0x8: {  	[smem:$0x3FAE] =	sst s0  }
0x9: {  	[smem:$0x3FAF] =	sst s1  }
0xa: {  	[smem:$0x3FB0] =	sst s2  }
0xb: {  	[smem:$0x3FB1] =	sst s3  }
0xc: {  	[smem:$0x3FB2] =	sst s4  }
0xd: {  	[smem:$0x3FB3] =	sst s5  }
0xe: {  	[smem:$0x3FB4] =	sst s6  }
0xf: {  	[smem:$0x3FB5] =	sst s7  }
0x10: {  	[smem:$0x3FB6] =	sst s8  }
0x11: {  	[smem:$0x3FB7] =	sst s9;
	s0 =	simm.s32 @!p0 $0x0  }
0x12: {  	s1 =	sld [smem:$0x3F9D];
	s0 =	simm.s32 @p0 $0x1  }
0x13: {  	[smem:$0x3FB8] =	sst s0;
	s0 =	simm.s32 @!p1 $0x0  }
0x14: {  	s2 =	sld [smem:$0x3F9C];
	s0 =	simm.s32 @p1 $0x1  }
0x15: {  	[smem:$0x3FB9] =	sst s0;
	s0 =	simm.s32 @!p2 $0x0  }
0x16: {  	s3 =	sld [smem:$0x3FDB];
	s0 =	simm.s32 @p2 $0x1  }
0x17: {  	s4 =	simm.s32 $0x1BF5;
	[smem:$0x3FBB] =	sst s0  }
0x18: {  	s0 =	sld [smem:$0x3F9E];
	_ =	swait.ge [sflag:s4], $0x0  }
0x19: {  	s7 =	sld [smem:$0x3F9F]  }
0x1a: {  	s8 =	sadd.s32 $0xFFFFE003, lr  }
0x1b: {  	s9 =	sadd.s32 $0xFFFFFEF7, lr;
	s5 =	simm.s32 $0xFFFFFFFF;
	p2 =	slt.u32 s8, $0xFFFFF086  }
0x1c: {  	p1 =	slt.u32 s9, $0xF7A;
	s5 =	simm.s32 @!p2 $0x0  }
0x1d: {  	s5 =	simm.s32 @p1 $0x1;
	p0 =	seq.s32 s7, s2  }
0x1e: {  	s7 =	smul.u32 @!p0 $0xF7A, s2;
	p2 =	seq.s32 @!p0 s5, $0x0  }
0x1f: {  	s9 =	smul.u32 $0xF7A, s1;
	s8 =	simm.s32 @!p0 $0x1BF5;
	p2 =	por !p2, p0  }
0x20: {  	[sflag:s8] =	ssyncset.s32 @!p0 $0xFFFFF086;
	s6 =	sadd.s32 @!p0 s3, s7;
	s7 =	simm.s32 @!p0 $0x108  }
0x21: {  	s3 =	sadd.s32 s3, s9;
	s6 =	sadd.s32 @!p0 $0x88, s6;
	s7 =	simm.s32 @p2 $0x1082  }
0x22: {  	[simem:s7], [sflag:s8] =	dma.local @!p0 [hbm:s6], $0xF7A  }
0x23: {  	s9 =	sor.u32 $0xD0000000, s2;
	s6 =	simm.s32 $0x108;
	_ =	swait.ge @!p0 [sflag:s8], $0x0  }
0x24: {  	s3 =	sadd.s32 $0x88, s3;
	s6 =	simm.s32 @!p1 $0x1082;
	[sflag:s4] =	ssyncset.s32 $0xFFFFF086  }
0x25: {  	[simem:s6], [sflag:s4] =	dma.local [hbm:s3], $0xF7A  }
0x26: {  	[smem:$0x3F9F] =	sst s1;
	(tag) =	ssettag s2;
	_ =	strace s9  }
0x27: {  	s1 =	sld [smem:$0x3FAF]  }
0x28: {  	s2 =	sld [smem:$0x3FB0]  }
0x29: {  	s4 =	sld [smem:$0x3FB2]  }
0x2a: {  	p0 =	seq.s32 s5, $0x0;
	s5 =	sld [smem:$0x3FB3]  }
0x2b: {  	s6 =	sld [smem:$0x3FB4]  }
0x2c: {  	s7 =	sld [smem:$0x3FB5]  }
0x2d: {  	s3 =	simm.s32 $0x108;
	s8 =	sld [smem:$0x3FB6]  }
0x2e: {  	s3 =	simm.s32 @!p0 $0x1082;
	s9 =	sld [smem:$0x3FB7]  }
0x2f: {  	lr =	sadd.s32 s0, s3;
	s0 =	sld [smem:$0x3FAE]  }
0x30: {  	s3 =	sld [smem:$0x3FB1]  }
0x31: {  	[smem:$0x3FBA] =	sst s10  }
0x32: {  	s10 =	sld [smem:$0x3FB8];
	_ =	sdelay $0x3  }
0x33: {  	p0 =	seq.s32 s10, $0x1;
	s10 =	sld [smem:$0x3FBA];
	_ =	sdelay $0x3  }
0x34: {  	[smem:$0x3FBA] =	sst s10  }
0x35: {  	s10 =	sld [smem:$0x3FB9];
	_ =	sdelay $0x3  }
0x36: {  	p1 =	seq.s32 s10, $0x1;
	s10 =	sld [smem:$0x3FBA];
	_ =	sdelay $0x3  }
0x37: {  	[smem:$0x3FBA] =	sst s10  }
0x38: {  	s10 =	sld [smem:$0x3FBB]  }
0x39: {  	_ = 	snop;
	(pc) =	sbr.ind lr, $3  }
0x3a: {  	_ = 	snop  }
0x3b: {  	_ = 	snop  }
0x3c: {  	p2 =	seq.s32 s10, $0x1;
	s10 =	sld [smem:$0x3FBA]  }
0x3d: {  	_ =	shalt  }
0x3e: {  	_ =	shalt  }
0x3f: {  	_ =	shalt  }
0x40: {  	_ =	shalt  }
0x41: {  	_ =	shalt  }
0x42: {  	_ =	shalt  }
0x43: {  	_ =	shalt  }
0x44: {  	_ =	shalt  }
0x45: {  	_ =	shalt  }
0x46: {  	_ =	shalt  }
0x47: {  	_ =	shalt  }
0x48: {  	_ =	shalt  }
0x49: {  	_ =	shalt  }
0x4a: {  	_ =	shalt  }
0x4b: {  	_ =	shalt  }
0x4c: {  	_ =	shalt  }
0x4d: {  	_ =	shalt  }
0x4e: {  	_ =	shalt  }
0x4f: {  	_ =	shalt  }
0x50: {  	_ =	shalt  }
0x51: {  	_ =	shalt  }
0x52: {  	_ =	shalt  }
0x53: {  	_ =	shalt  }
0x54: {  	_ =	shalt  }
0x55: {  	_ =	shalt  }
0x56: {  	_ =	shalt  }
0x57: {  	_ =	shalt  }
0x58: {  	_ =	shalt  }
0x59: {  	_ =	shalt  }
0x5a: {  	_ =	shalt  }
0x5b: {  	_ =	shalt  }
0x5c: {  	_ =	shalt  }
0x5d: {  	_ =	shalt  }
0x5e: {  	_ =	shalt  }
0x5f: {  	_ =	shalt  }
0x60: {  	_ =	shalt  }
0x61: {  	_ =	shalt  }
0x62: {  	_ =	shalt  }
0x63: {  	_ =	shalt  }
0x64: {  	_ =	shalt  }
0x65: {  	_ =	shalt  }
0x66: {  	_ =	shalt  }
0x67: {  	_ =	shalt  }
0x68: {  	_ =	shalt  }
0x69: {  	_ =	shalt  }
0x6a: {  	_ =	shalt  }
0x6b: {  	_ =	shalt  }
0x6c: {  	_ =	shalt  }
0x6d: {  	_ =	shalt  }
0x6e: {  	_ =	shalt  }
0x6f: {  	_ =	shalt  }
0x70: {  	_ =	shalt  }
0x71: {  	_ =	shalt  }
0x72: {  	_ =	shalt  }
0x73: {  	_ =	shalt  }
0x74: {  	_ =	shalt  }
0x75: {  	_ =	shalt  }
0x76: {  	_ =	shalt  }
0x77: {  	_ =	shalt  }
0x78: {  	_ =	shalt  }
0x79: {  	_ =	shalt  }
0x7a: {  	_ =	shalt  }
0x7b: {  	_ =	shalt  }
0x7c: {  	_ =	shalt  }
0x7d: {  	_ =	shalt  }
0x7e: {  	_ =	shalt  }
0x7f: {  	_ =	shalt  }
0x80: {  	_ =	shalt  }
0x81: {  	_ =	shalt  }
0x82: {  	_ =	shalt  }
0x83: {  	_ =	shalt  }
0x84: {  	_ =	shalt  }
0x85: {  	_ =	shalt  }
0x86: {  	_ =	shalt  }
0x87: {  	_ =	shalt  }
.Lfunc_end0:
.L_simem_size_0:
called_computation_lowered:
.L_overlay_start_0:
0x88: {  	s2 =	sld [smem:$0x3FD9]  }
0x89: {  	s3 =	sld [smem:$0x3FFE];
	_ =	sdelay $0x1  }
0x8a: {  	s1 =	srdreg.scid  }
0x8b: {  	s0 =	sand.u32 $0x1, s1  }
0x8c: {  	s18 =	sshll.u32 s0, $0xA;
	s2 =	sadd.s32 s3, s2  }
0x8d: {  	s2 =	sadd.s32 s2, s18  }
0x8e: {  	[smem:$0x3FC6] =	sst s2  }
0x8f: {  	_ = 	snop  }
0x90: {  	s2 =	sld [smem:$0x3FC9]  }
0x91: {  	s19 =	sld [smem:$0x3FC8]  }
0x92: {  	s4 =	sld [smem:$0x3FD0];
	(tm) =	ssettm $0x1  }
0x93: {  	s5 =	sld [smem:$0x3FFB];
	_ =	sdelay $0x3  }
0x94: {  	_ =	strace s5  }
0x95: {  	s5 =	sld [smem:$0x3FFC];
	_ =	sdelay $0x3  }
0x96: {  	_ =	strace s5  }
0x97: {  	s5 =	sld [smem:$0x3FFD];
	_ =	sdelay $0x3  }
0x98: {  	_ =	strace s5  }
0x99: {  	_ =	strace $0x8FFFFFFF  }
0x9a: {  	s20 =	sld [smem:$0x3FDB];
	_ =	sdelay $0x1  }
0x9b: {  	s6 =	simm.s32 $_scs_section_size  }
0x9c: {  	s7 =	simm.s32 $_size__tile_overlayer_lowered;
	s8 =	simm.s32 $_tile_overlayer_lowered  }
0x9d: {  	s23 =	simm.s32 $0x1BFF;
	s22 =	sshll.u32 s8, $0x1;
	s5 =	sadd.s32 s6, s20  }
0x9e: {  	s9 =	simm.s32 $0x0;
	s21 =	sshll.u32 s7, $0x1;
	s7 =	sadd.s32 s22, s5  }
0x9f: {  	[timem:s9], [sflag:s23] =	dma.local [hbm:s7], s21  }
0xa0: {  	_ =	swait.ge [sflag:s23], s21  }
0xa1: {  	s6 =	ssub.s32 $0x0, s21;
	[sflag:s23] =	ssyncset.done $0x0  }
0xa2: {  	[sflag:s23] =	ssyncadd.s32 s6;
	_ =	sdelay $0x1  }
0xa3: {  	s24 =	simm.s32 $0x1B8B  }
0xa4: {  	_ =	swait.ge [sflag:s24], $0x1  }
0xa5: {  	[sflag:s24] =	ssyncset.done $0x0  }
0xa6: {  	s25 =	simm.s32 $0x1B8E;
	[sflag:s24] =	ssyncadd.s32 $0xFFFFFFFF  }
0xa7: {  	s26 =	simm.s32 $execute0_lowered;
	[smem:$0x3FD2] =	sst s25  }
0xa8: {  	s6 =	sshll.u32 s26, $0x1;
	_ =	strace $0x80000046;
	[dreg:$0x1] =	wrdreg $0xFFFFFFFF  }
0xa9: {  	s28 =	simm.s32 $_size_execute0_lowered;
	s5 =	sadd.s32 s5, s6;
	[dreg:$0x0] =	wrdreg $0x0  }
0xaa: {  	s6 =	sshll.u32 s28, $0x1;
	[dreg:$0x2] =	wrdreg s5  }
0xab: {  	[dreg:$0x3] =	wrdreg s6  }
0xac: {  	[dreg:$0x4] =	wrdreg $0xC0  }
0xad: {  	_ =	task [dreg:s9], $0x5FFFF  }
0xae: {  	[dreg:$0x1] =	wrdreg $0xFFFFFFFF  }
0xaf: {  	[dreg:$0x0] =	wrdreg $0x60  }
0xb0: {  	[dreg:$0x2] =	wrdreg s2  }
0xb1: {  	[dreg:$0x3] =	wrdreg s19  }
0xb2: {  	[dreg:$0x4] =	wrdreg s4  }
0xb3: {  	[dreg:$0x5] =	wrdreg $0x9  }
0xb4: {  	_ =	task.clear_ibuf [dreg:s9], $0x6FFFF;
	_ =	strace $0x90000046  }
0xb5: {  	s29 =	simm.s32 $0x9;
	_ =	strace $0x80000048  }
0xb6: {  	_ =	swait.ge [sflag:s29], $0x1  }
0xb7: {  	[sflag:s29] =	ssyncadd.s32 $0xFFFFFFFF  }
0xb8: {  	_ =	strace $0x90000048  }
0xb9: {  	_ =	sfence  }
0xba: {  	s30 =	sld [smem:$0x0];
	_ =	sdelay $0x2  }
0xbb: {  	s31 =	sshll.u32 s1, $0xD;
	s1 =	sshrl.u32 s1, $0x2  }
0xbc: {  	s3 =	sand.u32 $0x4000, s31;
	s1 =	sadd.s32 s1, s30  }
0xbd: {  	s0 =	sor.u32 s3, s0;
	s1 =	sshll.u32 s1, $0x11  }
0xbe: {  	s0 =	sor.u32 s1, s0  }
0xbf: {  	s0 =	sadd.s32 $0x8F2B, s0  }
0xc0: {  	[sflag:s0] =	ssyncadd.remote.s32 $0x1  }
0xc1: {  	_ =	sfence.sel $0xFFFF  }
0xc2: {  	[dreg:$0x0] =	wrdreg $0xFFFFFFFF;
	(pc) =	sbr.abs _section_cstart, $3  }
0xc3: {  	[dreg:$0x1] =	wrdreg $0xFFFFFFFF  }
0xc4: {  	_ =	task.clear_ibuf [dreg:s9], $0x2FFFF;
	_ =	strace $0x9FFFFFFF  }
0xc5: {  	(tm) =	ssettm $0x7FFFFFFF  }
tec
execute0_lowered:
.L_overlay_start_1:
0x0: {  	(tag) =	ssettag $0x1  }
0x1: {  	s0 =	srdreg.scid;
	s4 =	rddreg [dreg:$0x0]  }
0x2: {  	s8 =	stileid.u32;
	s5 =	rddreg [dreg:$0x1]  }
0x3: {  	s0 =	sand.u32 $0x1, s0;
	s1 =	sshll.u32 s8, $0x1;
	s8 =	smul.u32 $0x1900, s8  }
0x4: {  	s1 =	sor.u32 s0, s1;
	s9 =	ssub.s32 $0x2, s0;
	s0 =	smul.u32 $0xC80, s0  }
0x5: {  	s6 =	rddreg [dreg:$0x2];
	s2 =	smul.u32 $0xC80, s1  }
0x6: {  	s23 =	sshrl.u32 s9, $0x1;
	s24 =	smul.u32 $0x19, s1;
	p0 =	seq.s32 s1, $0x0  }
0x7: {  	s9 =	ssub.s32 s9, s23;
	s0 =	sadd.s32 s0, s8;
	s7 =	smin.u32 s2, $0x17A00  }
0x8: {  	s2 =	simm.s32 $0x0;
	s0 =	smin.u32 s0, $0x17A00;
	s25 =	smin.u32 s24, $0x2F4  }
0x9: {  	s31 =	smax.u32 s9, $0x1;
	s3 =	smul.u32 $0xD, s7;
	[smem:$0x7FF] =	sst s2  }
0xa: {  	s26 =	smul.u32 $0xD, s0;
	s12 =	smax.u32 s7, $0x280;
	s1 =	sshll.u32 s25, $0x5  }
0xb: {  	_ =	strace $0x80000047;
	s12 =	smin.u32 s12, $0x17710;
	s1 =	sadd.s32 s6, s1  }
0xc: {  	[dreg:$0x9] =	wrdreg s31;
	s10 =	smin.u32 s3, $0x132C50;
	s3 =	simm.s32 $0x1  }
0xd: {  	s8 =	smin.u32 s26, $0x132C50;
	s24 =	sadd.s32 $0xFFFFFD80, s12;
	s29 =	sadd.s32 $0x61A0, s1  }
0xe: {  	s30 =	sadd.s32 $0xC340, s1;
	s6 =	sadd.s32 $0x124E0, s1;
	[dreg:$0x5] =	wrdreg s1  }
0xf: {  	s9 =	sadd.s32 $0x249C0, s1;
	s26 =	sadd.s32 $0x30D00, s1;
	[dreg:$0x7] =	wrdreg s29  }
0x10: {  	s31 =	sadd.s32 $0x49380, s1;
	s11 =	smul.u32 $0xC4EC4EC5, s10;
	[dreg:$0x8] =	wrdreg s30  }
0x11: {  	s10 =	sshrl.u32 s10, $0x3;
	s8 =	smulhi.u32 $0x13B13B14, s8;
	[dreg:$0xa] =	wrdreg s6  }
0x12: {  	s28 =	sshrl.u32 s24, $0x3;
	s25 =	ssub.s32 s7, s24;
	[dreg:$0xd] =	wrdreg s9  }
0x13: {  	s7 =	sadd.s32 $0x18680, s1;
	[dreg:$0xf] =	wrdreg s26;
	s29 =	sadd.s32 $0x3D040, s1  }
0x14: {  	s30 =	sadd.s32 $0x431E0, s1;
	[dreg:$0x13] =	wrdreg s31;
	s6 =	simm.s32 $0x1180  }
0x15: {  	s9 =	simm.s32 $0xB400;
	v0 =	vmov s24;
	s24 =	simm.s32 $0x0;
	p1 =	sgt.u32 s11, $0x13B13B13  }
0x16: {  	s5 =	sadd.s32 s5, s10;
	[dreg:$0xb] =	wrdreg s7;
	p0 =	por !p0, !p1  }
0x17: {  	[dreg:$0x11] =	wrdreg s29;
	s11 =	simm.s32 $0x1;
	p0 =	por !p0, !p0  }
0x18: {  	s4 =	sadd.s32 s4, s28;
	[dreg:$0x12] =	wrdreg s30;
	s11 =	simm.s32 @!p0 $0x0  }
0x19: {  	s10 =	sadd.s32 $0x2AB60, s1;
	[dreg:$0x4] =	wrdreg s5;
	s0 =	sor.u32 s0, s11  }
0x1a: {  	s28 =	sadd.s32 $0x36EA0, s1;
	[dreg:$0x6] =	wrdreg s4;
	s0 =	ssub.s32 s0, s8  }
0x1b: {  	s4 =	ssub.s32 $0x1170, s25;
	[dreg:$0xe] =	wrdreg s10;
	s0 =	smul.u32 $0xD, s0  }
0x1c: {  	[dreg:$0x10] =	wrdreg s28;
	s10 =	simm.s32 $0x2;
	s8 =	sadd.s32 $0x1E820, s1  }
0x1d: {  	[dreg:$0xc] =	wrdreg s8;
	s8 =	simm.s32 $0x3;
	s11 =	sadd.s32 $0x5B0, s0  }
0x1e: {  	s12 =	sadd.s32 $0x5B1, s0;
	s13 =	sadd.s32 $0x5B2, s0;
	s14 =	sadd.s32 $0x5B3, s0  }
0x1f: {  	v2 =	vlaneseq.u32;
	s15 =	sadd.s32 $0x5B4, s0;
	s16 =	sadd.s32 $0x5B5, s0;
	s17 =	sadd.s32 $0x5B6, s0  }
0x20: {  	v2 =	vmul.u32 $0xD, v2;
	s18 =	sadd.s32 $0x5B7, s0;
	s19 =	sadd.s32 $0x5B8, s0;
	s20 =	sadd.s32 $0x5B9, s0  }
0x21: {  	v1 =	vmov s25;
	s21 =	sadd.s32 $0x5BA, s0;
	s22 =	sadd.s32 $0x5BB, s0;
	s23 =	sadd.s32 $0x5BC, s0  }
.LBB2_1:
0x22: {  	s0 =	rddreg [dreg:$0x4]  }
0x23: {  	[tilespmem:s6], [sflag:$0x1] =	stream.linear.gather [hbm4b:s0+s2], $0xA280, $0x38;
	[tilespmem:$0x1F900] =	vst v63  }
0x24: {  	s31 =	rddreg [dreg:$0x6]  }
0x25: {  	[tilespmem:s2], [sflag:$0x3] =	stream.linear.gather [hbm4b:s31+s2], $0x1180, $0x38;
	[tilespmem:$0x1F900] =	vst v63  }
0x26: {  	s25 =	simm.s32 $0x60;
	_ =	swait.ge [sflag:s8], $0x1180  }
0x27: {  	p0 =	sgt.s32 s4, $0x60;
	s26 =	smov.u32 s4;
	[sflag:s8] =	ssyncset.done $0x0  }
0x28: {  	s26 =	smov.u32 @p0 s25;
	[sflag:s8] =	ssyncadd.s32 $0xFFFFEE80  }
0x29: {  	v4 =	vld.idx.msk [tilespmem:v1+s26+$0x0 ss:$0x1], $0xffff;
	_ =	sdelay $0x4  }
0x2a: {  	[tilespmem:s9+$0x12C60] =	vst v4  }
0x2b: {  	[tilespmem:s9+$0x60] =	vst v4  }
0x2c: {  	[tilespmem:s9+$0x1960] =	vst v4  }
0x2d: {  	[tilespmem:s9+$0x3260] =	vst v4  }
0x2e: {  	[tilespmem:s9+$0x4B60] =	vst v4  }
0x2f: {  	[tilespmem:s9+$0x6460] =	vst v4  }
0x30: {  	s25 =	simm.s32 $0x0;
	p0 =	sgt.s32 s4, $0x0;
	s26 =	smov.u32 s4;
	[tilespmem:s9+$0x7D60] =	vst v4  }
0x31: {  	s26 =	smov.u32 @p0 s25;
	[tilespmem:s9+$0x9660] =	vst v4  }
0x32: {  	v3 =	vld.idx.msk [tilespmem:v1+s26+$0x0 ss:$0x1], $0xffff;
	[tilespmem:s9+$0xAF60] =	vst v4  }
0x33: {  	[tilespmem:s9+$0xC860] =	vst v4  }
0x34: {  	[tilespmem:s9+$0xE160] =	vst v4  }
0x35: {  	[tilespmem:s9+$0xFA60] =	vst v4  }
0x36: {  	[tilespmem:s9+$0x11360] =	vst v4  }
0x37: {  	[tilespmem:s9+$0x0] =	vst v3  }
0x38: {  	[tilespmem:s9+$0x1900] =	vst v3  }
0x39: {  	[tilespmem:s9+$0x3200] =	vst v3  }
0x3a: {  	[tilespmem:s9+$0x4B00] =	vst v3  }
0x3b: {  	[tilespmem:s9+$0x6400] =	vst v3  }
0x3c: {  	[tilespmem:s9+$0x7D00] =	vst v3  }
0x3d: {  	s25 =	simm.s32 $0x10;
	p0 =	sgt.s32 s4, $0x10;
	s26 =	smov.u32 s4;
	[tilespmem:s9+$0x9600] =	vst v3  }
0x3e: {  	s26 =	smov.u32 @p0 s25;
	[tilespmem:s9+$0xAF00] =	vst v3  }
0x3f: {  	v5 =	vld.idx.msk [tilespmem:v1+s26+$0x0 ss:$0x1], $0xffff;
	[tilespmem:s9+$0xC800] =	vst v3  }
0x40: {  	[tilespmem:s9+$0xE100] =	vst v3  }
0x41: {  	[tilespmem:s9+$0xFA00] =	vst v3  }
0x42: {  	[tilespmem:s9+$0x11300] =	vst v3  }
0x43: {  	[tilespmem:s9+$0x12C00] =	vst v3  }
0x44: {  	[tilespmem:s9+$0x10] =	vst v5  }
0x45: {  	[tilespmem:s9+$0x1910] =	vst v5  }
0x46: {  	[tilespmem:s9+$0x3210] =	vst v5  }
0x47: {  	[tilespmem:s9+$0x4B10] =	vst v5  }
0x48: {  	[tilespmem:s9+$0x6410] =	vst v5  }
0x49: {  	[tilespmem:s9+$0x7D10] =	vst v5  }
0x4a: {  	s25 =	simm.s32 $0x20;
	p0 =	sgt.s32 s4, $0x20;
	s26 =	smov.u32 s4;
	[tilespmem:s9+$0x9610] =	vst v5  }
0x4b: {  	s26 =	smov.u32 @p0 s25;
	[tilespmem:s9+$0xAF10] =	vst v5  }
0x4c: {  	v3 =	vld.idx.msk [tilespmem:v1+s26+$0x0 ss:$0x1], $0xffff;
	[tilespmem:s9+$0xC810] =	vst v5  }
0x4d: {  	[tilespmem:s9+$0xE110] =	vst v5  }
0x4e: {  	[tilespmem:s9+$0xFA10] =	vst v5  }
0x4f: {  	[tilespmem:s9+$0x11310] =	vst v5  }
0x50: {  	[tilespmem:s9+$0x12C10] =	vst v5  }
0x51: {  	[tilespmem:s9+$0x20] =	vst v3  }
0x52: {  	[tilespmem:s9+$0x1920] =	vst v3  }
0x53: {  	[tilespmem:s9+$0x3220] =	vst v3  }
0x54: {  	[tilespmem:s9+$0x4B20] =	vst v3  }
0x55: {  	[tilespmem:s9+$0x6420] =	vst v3  }
0x56: {  	[tilespmem:s9+$0x7D20] =	vst v3  }
0x57: {  	s25 =	simm.s32 $0x30;
	p0 =	sgt.s32 s4, $0x30;
	s26 =	smov.u32 s4;
	[tilespmem:s9+$0x9620] =	vst v3  }
0x58: {  	s26 =	smov.u32 @p0 s25;
	[tilespmem:s9+$0xAF20] =	vst v3  }
0x59: {  	v5 =	vld.idx.msk [tilespmem:v1+s26+$0x0 ss:$0x1], $0xffff;
	[tilespmem:s9+$0xC820] =	vst v3  }
0x5a: {  	[tilespmem:s9+$0xE120] =	vst v3  }
0x5b: {  	[tilespmem:s9+$0xFA20] =	vst v3  }
0x5c: {  	[tilespmem:s9+$0x11320] =	vst v3  }
0x5d: {  	[tilespmem:s9+$0x12C20] =	vst v3  }
0x5e: {  	[tilespmem:s9+$0x30] =	vst v5  }
0x5f: {  	[tilespmem:s9+$0x1930] =	vst v5  }
0x60: {  	[tilespmem:s9+$0x3230] =	vst v5  }
0x61: {  	[tilespmem:s9+$0x4B30] =	vst v5  }
0x62: {  	[tilespmem:s9+$0x6430] =	vst v5  }
0x63: {  	[tilespmem:s9+$0x7D30] =	vst v5  }
0x64: {  	s25 =	simm.s32 $0x40;
	p0 =	sgt.s32 s4, $0x40;
	s26 =	smov.u32 s4;
	[tilespmem:s9+$0x9630] =	vst v5  }
0x65: {  	s26 =	smov.u32 @p0 s25;
	[tilespmem:s9+$0xAF30] =	vst v5  }
0x66: {  	v3 =	vld.idx.msk [tilespmem:v1+s26+$0x0 ss:$0x1], $0xffff;
	[tilespmem:s9+$0xC830] =	vst v5  }
0x67: {  	[tilespmem:s9+$0xE130] =	vst v5  }
0x68: {  	[tilespmem:s9+$0xFA30] =	vst v5  }
0x69: {  	[tilespmem:s9+$0x11330] =	vst v5  }
0x6a: {  	[tilespmem:s9+$0x12C30] =	vst v5  }
0x6b: {  	[tilespmem:s9+$0x40] =	vst v3  }
0x6c: {  	[tilespmem:s9+$0x1940] =	vst v3  }
0x6d: {  	[tilespmem:s9+$0x3240] =	vst v3  }
0x6e: {  	[tilespmem:s9+$0x4B40] =	vst v3  }
0x6f: {  	[tilespmem:s9+$0x6440] =	vst v3  }
0x70: {  	[tilespmem:s9+$0x7D40] =	vst v3  }
0x71: {  	s25 =	simm.s32 $0x50;
	p0 =	sgt.s32 s4, $0x50;
	s26 =	smov.u32 s4;
	[tilespmem:s9+$0x9640] =	vst v3  }
0x72: {  	s26 =	smov.u32 @p0 s25;
	[tilespmem:s9+$0xAF40] =	vst v3  }
0x73: {  	v5 =	vld.idx.msk [tilespmem:v1+s26+$0x0 ss:$0x1], $0xffff;
	[tilespmem:s9+$0xC840] =	vst v3  }
0x74: {  	[tilespmem:s9+$0xE140] =	vst v3  }
0x75: {  	[tilespmem:s9+$0xFA40] =	vst v3  }
0x76: {  	[tilespmem:s9+$0x11340] =	vst v3  }
0x77: {  	[tilespmem:s9+$0x12C40] =	vst v3  }
0x78: {  	[tilespmem:s9+$0x50] =	vst v5  }
0x79: {  	[tilespmem:s9+$0x1950] =	vst v5  }
0x7a: {  	[tilespmem:s9+$0x3250] =	vst v5  }
0x7b: {  	[tilespmem:s9+$0x4B50] =	vst v5  }
0x7c: {  	[tilespmem:s9+$0x6450] =	vst v5  }
0x7d: {  	[tilespmem:s9+$0x7D50] =	vst v5  }
0x7e: {  	s25 =	simm.s32 $0x70;
	p0 =	sgt.s32 s4, $0x70;
	s26 =	smov.u32 s4;
	[tilespmem:s9+$0x9650] =	vst v5  }
0x7f: {  	s26 =	smov.u32 @p0 s25;
	[tilespmem:s9+$0xAF50] =	vst v5  }
0x80: {  	v3 =	vld.idx.msk [tilespmem:v1+s26+$0x0 ss:$0x1], $0xffff;
	[tilespmem:s9+$0xC850] =	vst v5  }
0x81: {  	[tilespmem:s9+$0xE150] =	vst v5  }
0x82: {  	[tilespmem:s9+$0xFA50] =	vst v5  }
0x83: {  	[tilespmem:s9+$0x11350] =	vst v5  }
0x84: {  	[tilespmem:s9+$0x12C50] =	vst v5  }
0x85: {  	[tilespmem:s9+$0x70] =	vst v3  }
0x86: {  	[tilespmem:s9+$0x1970] =	vst v3  }
0x87: {  	[tilespmem:s9+$0x3270] =	vst v3  }
0x88: {  	s28 =	simm.s32 $0xF0;
	s25 =	simm.s32 $0xB400;
	s26 =	simm.s32 $0x0;
	[tilespmem:s9+$0x4B70] =	vst v3  }
.LBB2_2:
0x89: {  	[tilespmem:s25+$0x6470] =	vst v3  }
0x8a: {  	s30 =	sadd.s32 $0xFFFFFFF0, s28;
	[tilespmem:s25+$0x7D70] =	vst v3  }
0x8b: {  	s7 =	smov.u32 s4;
	[tilespmem:s25+$0x9670] =	vst v3;
	p1 =	slt.s32 s30, s4  }
0x8c: {  	[tilespmem:s25+$0xAF70] =	vst v3;
	s7 =	smov.u32 @p1 s30  }
0x8d: {  	[tilespmem:s25+$0xC870] =	vst v3;
	v4 =	vld.idx.msk [tilespmem:v1+s7+$0x0 ss:$0x1], $0xffff  }
0x8e: {  	[tilespmem:s25+$0xE170] =	vst v3  }
0x8f: {  	[tilespmem:s25+$0xFA70] =	vst v3  }
0x90: {  	[tilespmem:s25+$0x11370] =	vst v3  }
0x91: {  	[tilespmem:s25+$0x12C70] =	vst v3;
	s25 =	sadd.s32 $0x100, s25  }
0x92: {  	[tilespmem:s25+$0x12C60] =	vst v4  }
0x93: {  	[tilespmem:s25+$0x60] =	vst v4  }
0x94: {  	[tilespmem:s25+$0x1960] =	vst v4  }
0x95: {  	s26 =	sadd.s32 $0x8, s26;
	[tilespmem:s25+$0x3260] =	vst v4  }
0x96: {  	p0 =	slt.u32 s26, $0xC0;
	[tilespmem:s25+$0x4B60] =	vst v4  }
0x97: {  	s0 =	simm.s32 @!p0 $0x0;
	s30 =	sadd.s32 $0xFFFFFF90, s28;
	[tilespmem:s25+$0x6460] =	vst v4  }
0x98: {  	s0 =	simm.s32 @p0 $0x1;
	p0 =	slt.s32 s30, s4;
	s7 =	smov.u32 s4;
	[tilespmem:s25+$0x7D60] =	vst v4  }
0x99: {  	s7 =	smov.u32 @p0 s30;
	[tilespmem:s25+$0x9660] =	vst v4  }
0x9a: {  	v7 =	vld.idx.msk [tilespmem:v1+s7+$0x0 ss:$0x1], $0xffff;
	[tilespmem:s25+$0xAF60] =	vst v4  }
0x9b: {  	[tilespmem:s25+$0xC860] =	vst v4  }
0x9c: {  	[tilespmem:s25+$0xE160] =	vst v4  }
0x9d: {  	[tilespmem:s25+$0xFA60] =	vst v4  }
0x9e: {  	[tilespmem:s25+$0x11360] =	vst v4  }
0x9f: {  	[tilespmem:s25+$0x0] =	vst v7  }
0xa0: {  	[tilespmem:s25+$0x1900] =	vst v7  }
0xa1: {  	[tilespmem:s25+$0x3200] =	vst v7  }
0xa2: {  	[tilespmem:s25+$0x4B00] =	vst v7  }
0xa3: {  	[tilespmem:s25+$0x6400] =	vst v7  }
0xa4: {  	s29 =	sadd.s32 $0xFFFFFFA0, s28;
	[tilespmem:s25+$0x7D00] =	vst v7  }
0xa5: {  	p4 =	slt.s32 s29, s4;
	s30 =	smov.u32 s4;
	[tilespmem:s25+$0x9600] =	vst v7  }
0xa6: {  	s30 =	smov.u32 @p4 s29;
	[tilespmem:s25+$0xAF00] =	vst v7  }
0xa7: {  	v8 =	vld.idx.msk [tilespmem:v1+s30+$0x0 ss:$0x1], $0xffff;
	[tilespmem:s25+$0xC800] =	vst v7  }
0xa8: {  	[tilespmem:s25+$0xE100] =	vst v7  }
0xa9: {  	[tilespmem:s25+$0xFA00] =	vst v7  }
0xaa: {  	[tilespmem:s25+$0x11300] =	vst v7  }
0xab: {  	[tilespmem:s25+$0x12C00] =	vst v7  }
0xac: {  	[tilespmem:s25+$0x10] =	vst v8  }
0xad: {  	[tilespmem:s25+$0x1910] =	vst v8  }
0xae: {  	[tilespmem:s25+$0x3210] =	vst v8  }
0xaf: {  	[tilespmem:s25+$0x4B10] =	vst v8  }
0xb0: {  	[tilespmem:s25+$0x6410] =	vst v8  }
0xb1: {  	s31 =	sadd.s32 $0xFFFFFFB0, s28;
	[tilespmem:s25+$0x7D10] =	vst v8  }
0xb2: {  	p6 =	slt.s32 s31, s4;
	s7 =	smov.u32 s4;
	[tilespmem:s25+$0x9610] =	vst v8  }
0xb3: {  	s7 =	smov.u32 @p6 s31;
	[tilespmem:s25+$0xAF10] =	vst v8  }
0xb4: {  	v9 =	vld.idx.msk [tilespmem:v1+s7+$0x0 ss:$0x1], $0xffff;
	[tilespmem:s25+$0xC810] =	vst v8  }
0xb5: {  	[tilespmem:s25+$0xE110] =	vst v8  }
0xb6: {  	[tilespmem:s25+$0xFA10] =	vst v8  }
0xb7: {  	[tilespmem:s25+$0x11310] =	vst v8  }
0xb8: {  	[tilespmem:s25+$0x12C10] =	vst v8  }
0xb9: {  	[tilespmem:s25+$0x20] =	vst v9  }
0xba: {  	[tilespmem:s25+$0x1920] =	vst v9  }
0xbb: {  	[tilespmem:s25+$0x3220] =	vst v9  }
0xbc: {  	[tilespmem:s25+$0x4B20] =	vst v9  }
0xbd: {  	[tilespmem:s25+$0x6420] =	vst v9  }
0xbe: {  	s1 =	sadd.s32 $0xFFFFFFC0, s28;
	[tilespmem:s25+$0x7D20] =	vst v9  }
0xbf: {  	p5 =	slt.s32 s1, s4;
	s29 =	smov.u32 s4;
	[tilespmem:s25+$0x9620] =	vst v9  }
0xc0: {  	s29 =	smov.u32 @p5 s1;
	[tilespmem:s25+$0xAF20] =	vst v9  }
0xc1: {  	v10 =	vld.idx.msk [tilespmem:v1+s29+$0x0 ss:$0x1], $0xffff;
	[tilespmem:s25+$0xC820] =	vst v9  }
0xc2: {  	[tilespmem:s25+$0xE120] =	vst v9  }
0xc3: {  	[tilespmem:s25+$0xFA20] =	vst v9  }
0xc4: {  	[tilespmem:s25+$0x11320] =	vst v9  }
0xc5: {  	[tilespmem:s25+$0x12C20] =	vst v9  }
0xc6: {  	[tilespmem:s25+$0x30] =	vst v10  }
0xc7: {  	[tilespmem:s25+$0x1930] =	vst v10  }
0xc8: {  	[tilespmem:s25+$0x3230] =	vst v10  }
0xc9: {  	[tilespmem:s25+$0x4B30] =	vst v10  }
0xca: {  	[tilespmem:s25+$0x6430] =	vst v10  }
0xcb: {  	[smem:$0x7FD] =	sst s0;
	s0 =	sadd.s32 $0xFFFFFFD0, s28;
	[tilespmem:s25+$0x7D30] =	vst v10  }
0xcc: {  	p3 =	slt.s32 s0, s4;
	s1 =	smov.u32 s4;
	[tilespmem:s25+$0x9630] =	vst v10  }
0xcd: {  	s1 =	smov.u32 @p3 s0;
	[tilespmem:s25+$0xAF30] =	vst v10  }
0xce: {  	v6 =	vld.idx.msk [tilespmem:v1+s1+$0x0 ss:$0x1], $0xffff;
	[tilespmem:s25+$0xC830] =	vst v10  }
0xcf: {  	[tilespmem:s25+$0xE130] =	vst v10  }
0xd0: {  	[tilespmem:s25+$0xFA30] =	vst v10  }
0xd1: {  	[tilespmem:s25+$0x11330] =	vst v10  }
0xd2: {  	[tilespmem:s25+$0x12C30] =	vst v10  }
0xd3: {  	[tilespmem:s25+$0x40] =	vst v6  }
0xd4: {  	[tilespmem:s25+$0x1940] =	vst v6  }
0xd5: {  	[tilespmem:s25+$0x3240] =	vst v6  }
0xd6: {  	[tilespmem:s25+$0x4B40] =	vst v6  }
0xd7: {  	[tilespmem:s25+$0x6440] =	vst v6  }
0xd8: {  	s5 =	sadd.s32 $0xFFFFFFE0, s28;
	[tilespmem:s25+$0x7D40] =	vst v6  }
0xd9: {  	p2 =	slt.s32 s5, s4;
	s0 =	smov.u32 s4;
	[tilespmem:s25+$0x9640] =	vst v6  }
0xda: {  	s0 =	smov.u32 @p2 s5;
	[tilespmem:s25+$0xAF40] =	vst v6  }
0xdb: {  	v5 =	vld.idx.msk [tilespmem:v1+s0+$0x0 ss:$0x1], $0xffff;
	[tilespmem:s25+$0xC840] =	vst v6  }
0xdc: {  	[tilespmem:s25+$0xE140] =	vst v6  }
0xdd: {  	[tilespmem:s25+$0xFA40] =	vst v6  }
0xde: {  	[tilespmem:s25+$0x11340] =	vst v6  }
0xdf: {  	[tilespmem:s25+$0x12C40] =	vst v6  }
0xe0: {  	[tilespmem:s25+$0x50] =	vst v5  }
0xe1: {  	[tilespmem:s25+$0x1950] =	vst v5  }
0xe2: {  	[tilespmem:s25+$0x3250] =	vst v5  }
0xe3: {  	[tilespmem:s25+$0x4B50] =	vst v5  }
0xe4: {  	[tilespmem:s25+$0x6450] =	vst v5  }
0xe5: {  	[tilespmem:s25+$0x7D50] =	vst v5  }
0xe6: {  	p1 =	slt.s32 s28, s4;
	s5 =	smov.u32 s4;
	[tilespmem:s25+$0x9650] =	vst v5  }
0xe7: {  	s5 =	smov.u32 @p1 s28;
	[tilespmem:s25+$0xAF50] =	vst v5  }
0xe8: {  	s31 =	sld [smem:$0x7FD];
	v3 =	vld.idx.msk [tilespmem:v1+s5+$0x0 ss:$0x1], $0xffff;
	[tilespmem:s25+$0xC850] =	vst v5  }
0xe9: {  	[tilespmem:s25+$0xE150] =	vst v5  }
0xea: {  	[tilespmem:s25+$0xFA50] =	vst v5  }
0xeb: {  	p0 =	seq.s32 s31, $0x1;
	[tilespmem:s25+$0x11350] =	vst v5  }
.Ltmp0:
0xec: {  	[tilespmem:s25+$0x12C50] =	vst v5;
	(pc) =	sbr.rel @p0 .LBB2_2-.Ltmp0, $4  }
0xed: {  	[tilespmem:s25+$0x70] =	vst v3  }
0xee: {  	[tilespmem:s25+$0x1970] =	vst v3  }
0xef: {  	[tilespmem:s25+$0x3270] =	vst v3  }
0xf0: {  	s28 =	sadd.s32 $0x80, s28;
	[tilespmem:s25+$0x4B70] =	vst v3  }
0xf1: {  	[tilespmem:s25+$0x6470] =	vst v3  }
0xf2: {  	[tilespmem:s25+$0x7D70] =	vst v3  }
0xf3: {  	[tilespmem:s25+$0x9670] =	vst v3  }
0xf4: {  	[tilespmem:s25+$0xAF70] =	vst v3  }
0xf5: {  	[tilespmem:s25+$0xC870] =	vst v3  }
0xf6: {  	s0 =	sadd.s32 $0xFFFFFA50, s11;
	[tilespmem:s25+$0xE170] =	vst v3;
	s1 =	sadd.s32 $0xFFFFFF30, s11  }
0xf7: {  	[tilespmem:s25+$0xFA70] =	vst v3;
	v6 =	vadd.s32 s11, v2;
	v4 =	vadd.s32 s0, v2;
	v5 =	vadd.s32 s1, v2  }
0xf8: {  	[tilespmem:s25+$0x11370] =	vst v3;
	s1 =	sadd.s32 $0xFFFFFB20, s11;
	vm1 =	vlt.s32 v6, $0xA27F;
	vm0 =	vlt.s32 v4, $0xA27F;
	vm14 =	vlt.s32 v5, $0xA27F  }
0xf9: {  	[tilespmem:s25+$0x12C70] =	vst v3;
	v6 =	vnsel vm1, $0xA27F, v6;
	v3 =	vnsel vm14, $0xA27F, v5;
	v5 =	vadd.s32 s1, v2  }
0xfa: {  	s5 =	sadd.s32 $0xFFFFFBF0, s11;
	v4 =	vnsel vm0, $0xA27F, v4;
	vm15 =	vlt.s32 v5, $0xA27F  }
0xfb: {  	s7 =	sadd.s32 $0xFFFFFCC0, s11;
	s25 =	sadd.s32 $0xFFFFFD90, s11;
	_ =	swait.ge [sflag:s3], $0xA280;
	v7 =	vadd.s32 s5, v2;
	v5 =	vnsel vm15, $0xA27F, v5  }
0xfc: {  	s26 =	sadd.s32 $0xFFFFFE60, s11;
	v8 =	vadd.s32 s7, v2;
	v9 =	vadd.s32 s25, v2;
	[sflag:s3] =	ssyncset.done $0x0;
	vm4 =	vlt.s32 v7, $0xA27F  }
0xfd: {  	v10 =	vadd.s32 s26, v2;
	s26 =	sadd.s32 $0x680, s11;
	vm5 =	vlt.s32 v8, $0xA27F;
	[sflag:s3] =	ssyncadd.s32 $0xFFFF5D80;
	v7 =	vnsel vm4, $0xA27F, v7  }
0xfe: {  	vm6 =	vlt.s32 v9, $0xA27F;
	s30 =	sadd.s32 $0xFFFFFA50, s26;
	v8 =	vnsel vm5, $0xA27F, v8;
	v6 =	vld.idx.msk [tilespmem:v6+s6+$0x0], $0xffff  }
0xff: {  	vm7 =	vlt.s32 v10, $0xA27F;
	s31 =	sadd.s32 $0xFFFFFF30, s26;
	v9 =	vnsel vm6, $0xA27F, v9;
	v11 =	vadd.s32 s30, v2;
	v4 =	vld.idx.msk [tilespmem:v4+s6+$0x0], $0xffff  }
0x100: {  	v10 =	vnsel vm7, $0xA27F, v10;
	v12 =	vadd.s32 s31, v2;
	vm8 =	vlt.s32 v11, $0xA27F;
	v5 =	vld.idx.msk [tilespmem:v5+s6+$0x0], $0xffff  }
0x101: {  	vm9 =	vlt.s32 v12, $0xA27F;
	v11 =	vnsel vm8, $0xA27F, v11;
	v3 =	vld.idx.msk [tilespmem:v3+s6+$0x0], $0xffff  }
0x102: {  	v12 =	vnsel vm9, $0xA27F, v12;
	v7 =	vld.idx.msk [tilespmem:v7+s6+$0x0], $0xffff  }
0x103: {  	v8 =	vld.idx.msk [tilespmem:v8+s6+$0x0], $0xffff;
	v6 =	vsub.s32 v6, v0  }
0x104: {  	v13 =	vld.idx.msk [tilespmem:v9+s6+$0x0], $0xffff;
	v4 =	vsub.s32 v4, v0  }
0x105: {  	s5 =	sadd.s32 $0xFFFFFB20, s26;
	v9 =	vadd.s32 s26, v2;
	v16 =	vld.idx.msk [tilespmem:v10+s6+$0x0], $0xffff;
	v5 =	vsub.s32 v5, v0  }
0x106: {  	v14 =	vadd.s32 s5, v2;
	vm10 =	vlt.s32 v9, $0xA27F;
	v18 =	vld.idx.msk [tilespmem:v11+s6+$0x0], $0xffff;
	v3 =	vsub.s32 v3, v0  }
0x107: {  	vm11 =	vlt.s32 v14, $0xA27F;
	v9 =	vnsel vm10, $0xA27F, v9;
	v12 =	vld.idx.msk [tilespmem:v12+s6+$0x0], $0xffff  }
0x108: {  	s7 =	sadd.s32 $0xFFFFFBF0, s26;
	v14 =	vnsel vm11, $0xA27F, v14;
	v6 =	vld.idx.msk [tilespmem:v6+s2+$0x0], $0xffff  }
0x109: {  	s25 =	sadd.s32 $0xFFFFFCC0, s26;
	v15 =	vadd.s32 s7, v2;
	v8 =	vsub.s32 v8, v0;
	v4 =	vld.idx.msk [tilespmem:v4+s2+$0x0], $0xffff  }
0x10a: {  	vm12 =	vlt.s32 v15, $0xA27F;
	v19 =	vsub.s32 v7, v0;
	v17 =	vld.idx.msk [tilespmem:v5+s2+$0x0], $0xffff;
	v5 =	vadd.s32 s25, v2  }
0x10b: {  	v15 =	vnsel vm12, $0xA27F, v15;
	v3 =	vld.idx.msk [tilespmem:v3+s2+$0x0], $0xffff;
	vm13 =	vlt.s32 v5, $0xA27F  }
0x10c: {  	s31 =	sadd.s32 $0xFFFFFD90, s26;
	v10 =	vld.idx.msk [tilespmem:v9+s6+$0x0], $0xffff;
	v20 =	vnsel vm13, $0xA27F, v5  }
0x10d: {  	v7 =	vadd.s32 s31, v2;
	v11 =	vsub.s32 v13, v0;
	v9 =	vld.idx.msk [tilespmem:v14+s6+$0x0], $0xffff;
	s25 =	simm.s32 $0xB4F0  }
0x10e: {  	s30 =	sadd.s32 $0xFFFFFE60, s26;
	vm14 =	vlt.s32 v7, $0xA27F;
	v14 =	vsub.s32 v16, v0;
	v5 =	vld.idx.msk [tilespmem:v8+s2+$0x0], $0xffff;
	[tilespmem:s25+$0x0] =	vst v6  }
0x10f: {  	v7 =	vnsel vm14, $0xA27F, v7;
	v8 =	vadd.s32 s30, v2;
	v6 =	vld.idx.msk [tilespmem:v19+s2+$0x0], $0xffff;
	[tilespmem:s25+$0xFFFFFF90] =	vst v4  }
0x110: {  	v13 =	vsub.s32 v18, v0;
	vm15 =	vlt.s32 v8, $0xA27F;
	[tilespmem:s25+$0xFFFFFFF0] =	vst v3;
	v3 =	vld.idx.msk [tilespmem:v15+s6+$0x0], $0xffff  }
0x111: {  	s28 =	simm.s32 $0x8;
	s29 =	sadd.s32 $0x680, s26;
	s26 =	simm.s32 $0xB5F0;
	v12 =	vsub.s32 v12, v0;
	v4 =	vnsel vm15, $0xA27F, v8;
	[tilespmem:s25+$0xFFFFFFA0] =	vst v17;
	v8 =	vld.idx.msk [tilespmem:v20+s6+$0x0], $0xffff  }
.LBB2_4:
0x112: {  	s0 =	sadd.s32 $0xFFFFFA50, s29;
	s1 =	sadd.s32 $0xFFFFFE60, s29;
	s5 =	sadd.s32 $0xFFFFFF30, s29;
	v15 =	vadd.s32 s29, v2;
	v10 =	vsub.s32 v10, v0;
	v11 =	vld.idx.msk [tilespmem:v11+s2+$0x0], $0xffff  }
0x113: {  	s7 =	sadd.s32 $0xFFFFFD90, s29;
	s28 =	sadd.s32 $0x8, s28;
	v16 =	vadd.s32 s0, v2;
	s0 =	sadd.s32 $0xFFFFFB20, s29;
	v17 =	vadd.s32 s5, v2;
	vm0 =	vlt.s32 v15, $0xA27F;
	[tilespmem:s25+$0xFFFFFFC0] =	vst v5;
	v5 =	vld.idx.msk [tilespmem:v14+s2+$0x0], $0xffff  }
0x114: {  	p0 =	slt.u32 s28, $0xC0;
	v9 =	vsub.s32 v9, v0;
	vm1 =	vlt.s32 v16, $0xA27F;
	v14 =	vadd.s32 s0, v2;
	s0 =	sadd.s32 $0xFFFFFBF0, s29;
	v7 =	vld.idx.msk [tilespmem:v7+s6+$0x0], $0xffff  }
0x115: {  	v16 =	vnsel vm1, $0xA27F, v16;
	v18 =	vadd.s32 s0, v2;
	s0 =	sadd.s32 $0xFFFFFCC0, s29;
	vm1 =	vlt.s32 v17, $0xA27F;
	v13 =	vld.idx.msk [tilespmem:v13+s2+$0x0], $0xffff  }
0x116: {  	vm2 =	vlt.s32 v14, $0xA27F;
	vm3 =	vlt.s32 v18, $0xA27F;
	v17 =	vnsel vm1, $0xA27F, v17;
	v12 =	vld.idx.msk [tilespmem:v12+s2+$0x0], $0xffff;
	[tilespmem:s25+$0xFFFFFFB0] =	vst v6  }
0x117: {  	v15 =	vnsel vm0, $0xA27F, v15;
	v6 =	vnsel vm3, $0xA27F, v18;
	v18 =	vadd.s32 s0, v2;
	v19 =	vld.idx.msk [tilespmem:v10+s2+$0x0], $0xffff  }
0x118: {  	v14 =	vnsel vm2, $0xA27F, v14;
	v8 =	vsub.s32 v8, v0;
	vm0 =	vlt.s32 v18, $0xA27F;
	v20 =	vld.idx.msk [tilespmem:v4+s6+$0x0], $0xffff;
	[tilespmem:s25+$0xFFFFFFD0] =	vst v11  }
0x119: {  	v10 =	vadd.s32 s1, v2;
	v4 =	vadd.s32 s7, v2;
	v18 =	vnsel vm0, $0xA27F, v18;
	v21 =	vld.idx.msk [tilespmem:v9+s2+$0x0], $0xffff;
	[tilespmem:s25+$0xFFFFFFE0] =	vst v5;
	s25 =	smov.u32 s26  }
0x11a: {  	vm1 =	vlt.s32 v10, $0xA27F;
	vm0 =	vlt.s32 v4, $0xA27F;
	v11 =	vsub.s32 v7, v0;
	v16 =	vld.idx.msk [tilespmem:v16+s6+$0x0], $0xffff  }
0x11b: {  	v22 =	vsub.s32 v3, v0;
	v7 =	vnsel vm0, $0xA27F, v4;
	v4 =	vnsel vm1, $0xA27F, v10;
	v17 =	vld.idx.msk [tilespmem:v17+s6+$0x0], $0xffff;
	[tilespmem:s26+$0xFFFFFF90] =	vst v13  }
0x11c: {  	v10 =	vld.idx.msk [tilespmem:v15+s6+$0x0], $0xffff;
	[tilespmem:s26+$0xFFFFFFF0] =	vst v12  }
.Ltmp1:
0x11d: {  	v5 =	vld.idx.msk [tilespmem:v8+s2+$0x0], $0xffff;
	[tilespmem:s26+$0x0] =	vst v19;
	(pc) =	sbr.rel @p0 .LBB2_4-.Ltmp1, $4  }
0x11e: {  	v9 =	vld.idx.msk [tilespmem:v14+s6+$0x0], $0xffff;
	v14 =	vsub.s32 v20, v0  }
0x11f: {  	v3 =	vld.idx.msk [tilespmem:v6+s6+$0x0], $0xffff;
	[tilespmem:s26+$0xFFFFFFA0] =	vst v21  }
0x120: {  	v13 =	vsub.s32 v16, v0;
	v6 =	vld.idx.msk [tilespmem:v22+s2+$0x0], $0xffff  }
0x121: {  	s29 =	sadd.s32 $0x680, s29;
	s26 =	sadd.s32 $0x100, s26;
	v12 =	vsub.s32 v17, v0;
	v8 =	vld.idx.msk [tilespmem:v18+s6+$0x0], $0xffff  }
0x122: {  	_ =	sdelay $0x3  }
0x123: {  	v7 =	vld.idx.msk [tilespmem:v7+s6+$0x0], $0xffff  }
0x124: {  	v4 =	vld.idx.msk [tilespmem:v4+s6+$0x0], $0xffff  }
0x125: {  	v10 =	vsub.s32 v10, v0  }
0x126: {  	v11 =	vld.idx.msk [tilespmem:v11+s2+$0x0], $0xffff;
	v9 =	vsub.s32 v9, v0  }
0x127: {  	v14 =	vld.idx.msk [tilespmem:v14+s2+$0x0], $0xffff;
	v3 =	vsub.s32 v3, v0  }
0x128: {  	[tilespmem:s25+$0xFFFFFFC0] =	vst v5;
	v5 =	vld.idx.msk [tilespmem:v12+s2+$0x0], $0xffff;
	v7 =	vsub.s32 v7, v0  }
0x129: {  	v13 =	vld.idx.msk [tilespmem:v13+s2+$0x0], $0xffff;
	v4 =	vsub.s32 v4, v0  }
0x12a: {  	[tilespmem:s25+$0xFFFFFFB0] =	vst v6;
	v8 =	vsub.s32 v8, v0;
	v6 =	vld.idx.msk [tilespmem:v10+s2+$0x0], $0xffff  }
0x12b: {  	[tilespmem:s25+$0xFFFFFFD0] =	vst v11;
	v9 =	vld.idx.msk [tilespmem:v9+s2+$0x0], $0xffff  }
0x12c: {  	[tilespmem:s25+$0xFFFFFFE0] =	vst v14;
	v3 =	vld.idx.msk [tilespmem:v3+s2+$0x0], $0xffff  }
0x12d: {  	[tilespmem:s26+$0xFFFFFFF0] =	vst v5;
	v5 =	vld.idx.msk [tilespmem:v7+s2+$0x0], $0xffff  }
0x12e: {  	[tilespmem:s26+$0xFFFFFF90] =	vst v13;
	v4 =	vld.idx.msk [tilespmem:v4+s2+$0x0], $0xffff  }
0x12f: {  	s0 =	sadd.s32 $0xFFFFFA50, s12;
	v8 =	vld.idx.msk [tilespmem:v8+s2+$0x0], $0xffff;
	[tilespmem:s26+$0x0] =	vst v6  }
0x130: {  	s1 =	sadd.s32 $0xFFFFFF30, s12;
	v6 =	vadd.s32 s0, v2;
	[tilespmem:s26+$0xFFFFFFA0] =	vst v9  }
0x131: {  	v7 =	vadd.s32 s1, v2;
	vm0 =	vlt.s32 v6, $0xA27F;
	[tilespmem:s26+$0xFFFFFFB0] =	vst v3  }
0x132: {  	s31 =	sadd.s32 $0xFFFFFB20, s12;
	vm14 =	vlt.s32 v7, $0xA27F;
	v3 =	vadd.s32 s12, v2;
	v6 =	vnsel vm0, $0xA27F, v6;
	[tilespmem:s26+$0xFFFFFFD0] =	vst v5  }
0x133: {  	s25 =	sadd.s32 $0xFFFFFD90, s12;
	vm1 =	vlt.s32 v3, $0xA27F;
	v5 =	vnsel vm14, $0xA27F, v7;
	[tilespmem:s26+$0xFFFFFFE0] =	vst v4;
	v4 =	vadd.s32 s31, v2  }
0x134: {  	s5 =	sadd.s32 $0xFFFFFBF0, s12;
	v9 =	vadd.s32 s25, v2;
	[tilespmem:s26+$0xFFFFFFC0] =	vst v8;
	v3 =	vnsel vm1, $0xA27F, v3;
	vm15 =	vlt.s32 v4, $0xA27F  }
0x135: {  	s7 =	sadd.s32 $0xFFFFFCC0, s12;
	vm6 =	vlt.s32 v9, $0xA27F;
	s26 =	sadd.s32 $0xFFFFFE60, s12;
	s1 =	rddreg [dreg:$0x5];
	v4 =	vnsel vm15, $0xA27F, v4  }
0x136: {  	v9 =	vnsel vm6, $0xA27F, v9;
	v8 =	vadd.s32 s7, v2;
	[hbm4b:s1+s2] =	stream.linear.scatter [tilespmem:s9], [sflag:$0x2], $0x1900, $0x38;
	[tilespmem:$0x1F900] =	vst v63  }
0x137: {  	v7 =	vadd.s32 s5, v2;
	vm5 =	vlt.s32 v8, $0xA27F;
	v10 =	vadd.s32 s26, v2;
	s26 =	sadd.s32 $0x680, s12;
	v6 =	vld.idx.msk [tilespmem:v6+s6+$0x0], $0xffff  }
0x138: {  	vm4 =	vlt.s32 v7, $0xA27F;
	v8 =	vnsel vm5, $0xA27F, v8;
	s30 =	sadd.s32 $0xFFFFFA50, s26;
	v5 =	vld.idx.msk [tilespmem:v5+s6+$0x0], $0xffff  }
0x139: {  	v7 =	vnsel vm4, $0xA27F, v7;
	vm7 =	vlt.s32 v10, $0xA27F;
	v11 =	vadd.s32 s30, v2;
	v3 =	vld.idx.msk [tilespmem:v3+s6+$0x0], $0xffff  }
0x13a: {  	v10 =	vnsel vm7, $0xA27F, v10;
	vm8 =	vlt.s32 v11, $0xA27F;
	v4 =	vld.idx.msk [tilespmem:v4+s6+$0x0], $0xffff  }
0x13b: {  	v11 =	vnsel vm8, $0xA27F, v11  }
0x13c: {  	v13 =	vld.idx.msk [tilespmem:v9+s6+$0x0], $0xffff;
	v6 =	vsub.s32 v6, v0  }
0x13d: {  	s31 =	sadd.s32 $0xFFFFFF30, s26;
	v8 =	vld.idx.msk [tilespmem:v8+s6+$0x0], $0xffff;
	v5 =	vsub.s32 v5, v0  }
0x13e: {  	v12 =	vadd.s32 s31, v2;
	v7 =	vld.idx.msk [tilespmem:v7+s6+$0x0], $0xffff;
	v3 =	vsub.s32 v3, v0  }
0x13f: {  	v9 =	vadd.s32 s26, v2;
	vm9 =	vlt.s32 v12, $0xA27F;
	v16 =	vld.idx.msk [tilespmem:v10+s6+$0x0], $0xffff;
	v4 =	vsub.s32 v4, v0  }
0x140: {  	vm10 =	vlt.s32 v9, $0xA27F;
	v12 =	vnsel vm9, $0xA27F, v12;
	v19 =	vld.idx.msk [tilespmem:v11+s6+$0x0], $0xffff  }
0x141: {  	s5 =	sadd.s32 $0xFFFFFB20, s26;
	v9 =	vnsel vm10, $0xA27F, v9;
	v6 =	vld.idx.msk [tilespmem:v6+s2+$0x0], $0xffff  }
0x142: {  	s7 =	sadd.s32 $0xFFFFFBF0, s26;
	v8 =	vsub.s32 v8, v0;
	v14 =	vld.idx.msk [tilespmem:v5+s2+$0x0], $0xffff;
	v5 =	vadd.s32 s5, v2  }
0x143: {  	s25 =	sadd.s32 $0xFFFFFCC0, s26;
	v20 =	vsub.s32 v7, v0;
	v15 =	vld.idx.msk [tilespmem:v3+s2+$0x0], $0xffff;
	v3 =	vadd.s32 s7, v2;
	vm11 =	vlt.s32 v5, $0xA27F  }
0x144: {  	vm12 =	vlt.s32 v3, $0xA27F;
	v17 =	vnsel vm11, $0xA27F, v5;
	v18 =	vld.idx.msk [tilespmem:v4+s2+$0x0], $0xffff;
	v4 =	vadd.s32 s25, v2  }
0x145: {  	v12 =	vld.idx.msk [tilespmem:v12+s6+$0x0], $0xffff;
	v3 =	vnsel vm12, $0xA27F, v3;
	vm13 =	vlt.s32 v4, $0xA27F  }
0x146: {  	s31 =	sadd.s32 $0xFFFFFD90, s26;
	v10 =	vld.idx.msk [tilespmem:v9+s6+$0x0], $0xffff;
	s25 =	simm.s32 $0xCDF0;
	v21 =	vnsel vm13, $0xA27F, v4  }
0x147: {  	v11 =	vsub.s32 v13, v0;
	v5 =	vld.idx.msk [tilespmem:v8+s2+$0x0], $0xffff;
	[tilespmem:s25+$0xFFFFFF90] =	vst v6;
	v4 =	vadd.s32 s31, v2  }
0x148: {  	s30 =	sadd.s32 $0xFFFFFE60, s26;
	v6 =	vld.idx.msk [tilespmem:v20+s2+$0x0], $0xffff;
	vm14 =	vlt.s32 v4, $0xA27F;
	[tilespmem:s25+$0xFFFFFFF0] =	vst v14;
	v14 =	vsub.s32 v16, v0  }
0x149: {  	v8 =	vadd.s32 s30, v2;
	v7 =	vnsel vm14, $0xA27F, v4;
	v9 =	vld.idx.msk [tilespmem:v17+s6+$0x0], $0xffff  }
0x14a: {  	v13 =	vsub.s32 v19, v0;
	vm15 =	vlt.s32 v8, $0xA27F;
	[tilespmem:s25+$0x0] =	vst v15;
	v3 =	vld.idx.msk [tilespmem:v3+s6+$0x0], $0xffff  }
0x14b: {  	s28 =	simm.s32 $0x8;
	s29 =	sadd.s32 $0x680, s26;
	s26 =	simm.s32 $0xCEF0;
	v12 =	vsub.s32 v12, v0;
	v4 =	vnsel vm15, $0xA27F, v8;
	[tilespmem:s25+$0xFFFFFFA0] =	vst v18;
	v8 =	vld.idx.msk [tilespmem:v21+s6+$0x0], $0xffff  }
.LBB2_6:
0x14c: {  	s0 =	sadd.s32 $0xFFFFFA50, s29;
	s1 =	sadd.s32 $0xFFFFFE60, s29;
	s5 =	sadd.s32 $0xFFFFFF30, s29;
	v15 =	vadd.s32 s29, v2;
	v10 =	vsub.s32 v10, v0;
	v11 =	vld.idx.msk [tilespmem:v11+s2+$0x0], $0xffff  }
0x14d: {  	s7 =	sadd.s32 $0xFFFFFD90, s29;
	s28 =	sadd.s32 $0x8, s28;
	v16 =	vadd.s32 s0, v2;
	s0 =	sadd.s32 $0xFFFFFB20, s29;
	v17 =	vadd.s32 s5, v2;
	vm0 =	vlt.s32 v15, $0xA27F;
	[tilespmem:s25+$0xFFFFFFC0] =	vst v5;
	v5 =	vld.idx.msk [tilespmem:v14+s2+$0x0], $0xffff  }
0x14e: {  	p0 =	slt.u32 s28, $0xC0;
	v9 =	vsub.s32 v9, v0;
	vm1 =	vlt.s32 v16, $0xA27F;
	v14 =	vadd.s32 s0, v2;
	s0 =	sadd.s32 $0xFFFFFBF0, s29;
	v7 =	vld.idx.msk [tilespmem:v7+s6+$0x0], $0xffff  }
0x14f: {  	v16 =	vnsel vm1, $0xA27F, v16;
	v18 =	vadd.s32 s0, v2;
	s0 =	sadd.s32 $0xFFFFFCC0, s29;
	vm1 =	vlt.s32 v17, $0xA27F;
	v13 =	vld.idx.msk [tilespmem:v13+s2+$0x0], $0xffff  }
0x150: {  	vm2 =	vlt.s32 v14, $0xA27F;
	vm3 =	vlt.s32 v18, $0xA27F;
	v17 =	vnsel vm1, $0xA27F, v17;
	v12 =	vld.idx.msk [tilespmem:v12+s2+$0x0], $0xffff;
	[tilespmem:s25+$0xFFFFFFB0] =	vst v6  }
0x151: {  	v15 =	vnsel vm0, $0xA27F, v15;
	v6 =	vnsel vm3, $0xA27F, v18;
	v18 =	vadd.s32 s0, v2;
	v19 =	vld.idx.msk [tilespmem:v10+s2+$0x0], $0xffff  }
0x152: {  	v14 =	vnsel vm2, $0xA27F, v14;
	v8 =	vsub.s32 v8, v0;
	vm0 =	vlt.s32 v18, $0xA27F;
	v20 =	vld.idx.msk [tilespmem:v4+s6+$0x0], $0xffff;
	[tilespmem:s25+$0xFFFFFFD0] =	vst v11  }
0x153: {  	v10 =	vadd.s32 s1, v2;
	v4 =	vadd.s32 s7, v2;
	v18 =	vnsel vm0, $0xA27F, v18;
	v21 =	vld.idx.msk [tilespmem:v9+s2+$0x0], $0xffff;
	[tilespmem:s25+$0xFFFFFFE0] =	vst v5;
	s25 =	smov.u32 s26  }
0x154: {  	vm1 =	vlt.s32 v10, $0xA27F;
	vm0 =	vlt.s32 v4, $0xA27F;
	v11 =	vsub.s32 v7, v0;
	v16 =	vld.idx.msk [tilespmem:v16+s6+$0x0], $0xffff  }
0x155: {  	v22 =	vsub.s32 v3, v0;
	v7 =	vnsel vm0, $0xA27F, v4;
	v4 =	vnsel vm1, $0xA27F, v10;
	v17 =	vld.idx.msk [tilespmem:v17+s6+$0x0], $0xffff;
	[tilespmem:s26+$0xFFFFFF90] =	vst v13  }
0x156: {  	v10 =	vld.idx.msk [tilespmem:v15+s6+$0x0], $0xffff;
	[tilespmem:s26+$0xFFFFFFF0] =	vst v12  }
.Ltmp2:
0x157: {  	v5 =	vld.idx.msk [tilespmem:v8+s2+$0x0], $0xffff;
	[tilespmem:s26+$0x0] =	vst v19;
	(pc) =	sbr.rel @p0 .LBB2_6-.Ltmp2, $4  }
0x158: {  	v9 =	vld.idx.msk [tilespmem:v14+s6+$0x0], $0xffff;
	v14 =	vsub.s32 v20, v0  }
0x159: {  	v3 =	vld.idx.msk [tilespmem:v6+s6+$0x0], $0xffff;
	[tilespmem:s26+$0xFFFFFFA0] =	vst v21  }
0x15a: {  	v13 =	vsub.s32 v16, v0;
	v6 =	vld.idx.msk [tilespmem:v22+s2+$0x0], $0xffff  }
0x15b: {  	s29 =	sadd.s32 $0x680, s29;
	s26 =	sadd.s32 $0x100, s26;
	v12 =	vsub.s32 v17, v0;
	v8 =	vld.idx.msk [tilespmem:v18+s6+$0x0], $0xffff  }
0x15c: {  	_ =	sdelay $0x3  }
0x15d: {  	v7 =	vld.idx.msk [tilespmem:v7+s6+$0x0], $0xffff  }
0x15e: {  	v4 =	vld.idx.msk [tilespmem:v4+s6+$0x0], $0xffff  }
0x15f: {  	v10 =	vsub.s32 v10, v0  }
0x160: {  	v11 =	vld.idx.msk [tilespmem:v11+s2+$0x0], $0xffff;
	v9 =	vsub.s32 v9, v0  }
0x161: {  	v14 =	vld.idx.msk [tilespmem:v14+s2+$0x0], $0xffff;
	v3 =	vsub.s32 v3, v0  }
0x162: {  	[tilespmem:s25+$0xFFFFFFC0] =	vst v5;
	v5 =	vld.idx.msk [tilespmem:v12+s2+$0x0], $0xffff;
	v7 =	vsub.s32 v7, v0  }
0x163: {  	v13 =	vld.idx.msk [tilespmem:v13+s2+$0x0], $0xffff;
	v4 =	vsub.s32 v4, v0  }
0x164: {  	[tilespmem:s25+$0xFFFFFFB0] =	vst v6;
	v8 =	vsub.s32 v8, v0;
	v6 =	vld.idx.msk [tilespmem:v10+s2+$0x0], $0xffff  }
0x165: {  	[tilespmem:s25+$0xFFFFFFD0] =	vst v11;
	v9 =	vld.idx.msk [tilespmem:v9+s2+$0x0], $0xffff  }
0x166: {  	[tilespmem:s25+$0xFFFFFFE0] =	vst v14;
	v3 =	vld.idx.msk [tilespmem:v3+s2+$0x0], $0xffff  }
0x167: {  	[tilespmem:s26+$0xFFFFFFF0] =	vst v5;
	v5 =	vld.idx.msk [tilespmem:v7+s2+$0x0], $0xffff  }
0x168: {  	[tilespmem:s26+$0xFFFFFF90] =	vst v13;
	v4 =	vld.idx.msk [tilespmem:v4+s2+$0x0], $0xffff  }
0x169: {  	s0 =	sadd.s32 $0xFFFFFA50, s13;
	v8 =	vld.idx.msk [tilespmem:v8+s2+$0x0], $0xffff;
	[tilespmem:s26+$0x0] =	vst v6  }
0x16a: {  	s1 =	sadd.s32 $0xFFFFFF30, s13;
	v6 =	vadd.s32 s0, v2;
	[tilespmem:s26+$0xFFFFFFA0] =	vst v9  }
0x16b: {  	v7 =	vadd.s32 s1, v2;
	vm0 =	vlt.s32 v6, $0xA27F;
	[tilespmem:s26+$0xFFFFFFB0] =	vst v3  }
0x16c: {  	s25 =	sadd.s32 $0xFFFFFB20, s13;
	vm14 =	vlt.s32 v7, $0xA27F;
	v3 =	vadd.s32 s13, v2;
	v6 =	vnsel vm0, $0xA27F, v6;
	[tilespmem:s26+$0xFFFFFFD0] =	vst v5  }
0x16d: {  	vm1 =	vlt.s32 v3, $0xA27F;
	v5 =	vnsel vm14, $0xA27F, v7;
	[tilespmem:s26+$0xFFFFFFE0] =	vst v4;
	v4 =	vadd.s32 s25, v2  }
0x16e: {  	s31 =	simm.s32 $0xCD00;
	s5 =	sadd.s32 $0xFFFFFBF0, s13;
	s7 =	sadd.s32 $0xFFFFFCC0, s13;
	[tilespmem:s26+$0xFFFFFFC0] =	vst v8;
	v3 =	vnsel vm1, $0xA27F, v3;
	vm15 =	vlt.s32 v4, $0xA27F  }
0x16f: {  	v8 =	vadd.s32 s7, v2;
	v7 =	vadd.s32 s5, v2;
	s25 =	sadd.s32 $0xFFFFFD90, s13;
	s26 =	sadd.s32 $0xFFFFFE60, s13;
	s30 =	rddreg [dreg:$0x7];
	v4 =	vnsel vm15, $0xA27F, v4  }
0x170: {  	vm5 =	vlt.s32 v8, $0xA27F;
	vm4 =	vlt.s32 v7, $0xA27F;
	[hbm4b:s30+s2] =	stream.linear.scatter [tilespmem:s31], [sflag:$0x2], $0x1900, $0x38;
	[tilespmem:$0x1F900] =	vst v63  }
0x171: {  	v9 =	vadd.s32 s25, v2;
	v8 =	vnsel vm5, $0xA27F, v8;
	v10 =	vadd.s32 s26, v2;
	s26 =	sadd.s32 $0x680, s13;
	v6 =	vld.idx.msk [tilespmem:v6+s6+$0x0], $0xffff  }
0x172: {  	v7 =	vnsel vm4, $0xA27F, v7;
	vm6 =	vlt.s32 v9, $0xA27F;
	s30 =	sadd.s32 $0xFFFFFA50, s26;
	v5 =	vld.idx.msk [tilespmem:v5+s6+$0x0], $0xffff  }
0x173: {  	vm7 =	vlt.s32 v10, $0xA27F;
	v9 =	vnsel vm6, $0xA27F, v9;
	v11 =	vadd.s32 s30, v2;
	v3 =	vld.idx.msk [tilespmem:v3+s6+$0x0], $0xffff  }
0x174: {  	v10 =	vnsel vm7, $0xA27F, v10;
	vm8 =	vlt.s32 v11, $0xA27F;
	v4 =	vld.idx.msk [tilespmem:v4+s6+$0x0], $0xffff  }
0x175: {  	v11 =	vnsel vm8, $0xA27F, v11  }
0x176: {  	v8 =	vld.idx.msk [tilespmem:v8+s6+$0x0], $0xffff;
	v6 =	vsub.s32 v6, v0  }
0x177: {  	s31 =	sadd.s32 $0xFFFFFF30, s26;
	v7 =	vld.idx.msk [tilespmem:v7+s6+$0x0], $0xffff;
	v5 =	vsub.s32 v5, v0  }
0x178: {  	v12 =	vadd.s32 s31, v2;
	v13 =	vld.idx.msk [tilespmem:v9+s6+$0x0], $0xffff;
	v3 =	vsub.s32 v3, v0  }
0x179: {  	vm9 =	vlt.s32 v12, $0xA27F;
	v9 =	vadd.s32 s26, v2;
	v16 =	vld.idx.msk [tilespmem:v10+s6+$0x0], $0xffff;
	v4 =	vsub.s32 v4, v0  }
0x17a: {  	v12 =	vnsel vm9, $0xA27F, v12;
	vm10 =	vlt.s32 v9, $0xA27F;
	v19 =	vld.idx.msk [tilespmem:v11+s6+$0x0], $0xffff  }
0x17b: {  	s5 =	sadd.s32 $0xFFFFFB20, s26;
	v9 =	vnsel vm10, $0xA27F, v9;
	v6 =	vld.idx.msk [tilespmem:v6+s2+$0x0], $0xffff  }
0x17c: {  	s7 =	sadd.s32 $0xFFFFFBF0, s26;
	v8 =	vsub.s32 v8, v0;
	v14 =	vld.idx.msk [tilespmem:v5+s2+$0x0], $0xffff;
	v5 =	vadd.s32 s5, v2  }
0x17d: {  	s25 =	sadd.s32 $0xFFFFFCC0, s26;
	v20 =	vsub.s32 v7, v0;
	v15 =	vld.idx.msk [tilespmem:v3+s2+$0x0], $0xffff;
	v3 =	vadd.s32 s7, v2;
	vm11 =	vlt.s32 v5, $0xA27F  }
0x17e: {  	vm12 =	vlt.s32 v3, $0xA27F;
	v17 =	vnsel vm11, $0xA27F, v5;
	v18 =	vld.idx.msk [tilespmem:v4+s2+$0x0], $0xffff;
	v4 =	vadd.s32 s25, v2  }
0x17f: {  	v12 =	vld.idx.msk [tilespmem:v12+s6+$0x0], $0xffff;
	v3 =	vnsel vm12, $0xA27F, v3;
	vm13 =	vlt.s32 v4, $0xA27F  }
0x180: {  	s31 =	sadd.s32 $0xFFFFFD90, s26;
	v10 =	vld.idx.msk [tilespmem:v9+s6+$0x0], $0xffff;
	s25 =	simm.s32 $0xE6F0;
	v21 =	vnsel vm13, $0xA27F, v4  }
0x181: {  	v11 =	vsub.s32 v13, v0;
	v5 =	vld.idx.msk [tilespmem:v8+s2+$0x0], $0xffff;
	[tilespmem:s25+$0xFFFFFF90] =	vst v6;
	v4 =	vadd.s32 s31, v2  }
0x182: {  	s30 =	sadd.s32 $0xFFFFFE60, s26;
	v6 =	vld.idx.msk [tilespmem:v20+s2+$0x0], $0xffff;
	vm14 =	vlt.s32 v4, $0xA27F;
	[tilespmem:s25+$0xFFFFFFF0] =	vst v14;
	v14 =	vsub.s32 v16, v0  }
0x183: {  	v8 =	vadd.s32 s30, v2;
	v7 =	vnsel vm14, $0xA27F, v4;
	v9 =	vld.idx.msk [tilespmem:v17+s6+$0x0], $0xffff  }
0x184: {  	v13 =	vsub.s32 v19, v0;
	vm15 =	vlt.s32 v8, $0xA27F;
	[tilespmem:s25+$0x0] =	vst v15;
	v3 =	vld.idx.msk [tilespmem:v3+s6+$0x0], $0xffff  }
0x185: {  	s28 =	simm.s32 $0x8;
	s29 =	sadd.s32 $0x680, s26;
	s26 =	simm.s32 $0xE7F0;
	v12 =	vsub.s32 v12, v0;
	v4 =	vnsel vm15, $0xA27F, v8;
	[tilespmem:s25+$0xFFFFFFA0] =	vst v18;
	v8 =	vld.idx.msk [tilespmem:v21+s6+$0x0], $0xffff  }
.LBB2_8:
0x186: {  	s0 =	sadd.s32 $0xFFFFFA50, s29;
	s1 =	sadd.s32 $0xFFFFFE60, s29;
	s5 =	sadd.s32 $0xFFFFFF30, s29;
	v15 =	vadd.s32 s29, v2;
	v10 =	vsub.s32 v10, v0;
	v11 =	vld.idx.msk [tilespmem:v11+s2+$0x0], $0xffff  }
0x187: {  	s7 =	sadd.s32 $0xFFFFFD90, s29;
	s28 =	sadd.s32 $0x8, s28;
	v16 =	vadd.s32 s0, v2;
	s0 =	sadd.s32 $0xFFFFFB20, s29;
	v17 =	vadd.s32 s5, v2;
	vm0 =	vlt.s32 v15, $0xA27F;
	[tilespmem:s25+$0xFFFFFFC0] =	vst v5;
	v5 =	vld.idx.msk [tilespmem:v14+s2+$0x0], $0xffff  }
0x188: {  	p0 =	slt.u32 s28, $0xC0;
	v9 =	vsub.s32 v9, v0;
	vm1 =	vlt.s32 v16, $0xA27F;
	v14 =	vadd.s32 s0, v2;
	s0 =	sadd.s32 $0xFFFFFBF0, s29;
	v7 =	vld.idx.msk [tilespmem:v7+s6+$0x0], $0xffff  }
0x189: {  	v16 =	vnsel vm1, $0xA27F, v16;
	v18 =	vadd.s32 s0, v2;
	s0 =	sadd.s32 $0xFFFFFCC0, s29;
	vm1 =	vlt.s32 v17, $0xA27F;
	v13 =	vld.idx.msk [tilespmem:v13+s2+$0x0], $0xffff  }
0x18a: {  	vm2 =	vlt.s32 v14, $0xA27F;
	vm3 =	vlt.s32 v18, $0xA27F;
	v17 =	vnsel vm1, $0xA27F, v17;
	v12 =	vld.idx.msk [tilespmem:v12+s2+$0x0], $0xffff;
	[tilespmem:s25+$0xFFFFFFB0] =	vst v6  }
0x18b: {  	v15 =	vnsel vm0, $0xA27F, v15;
	v6 =	vnsel vm3, $0xA27F, v18;
	v18 =	vadd.s32 s0, v2;
	v19 =	vld.idx.msk [tilespmem:v10+s2+$0x0], $0xffff  }
0x18c: {  	v14 =	vnsel vm2, $0xA27F, v14;
	v8 =	vsub.s32 v8, v0;
	vm0 =	vlt.s32 v18, $0xA27F;
	v20 =	vld.idx.msk [tilespmem:v4+s6+$0x0], $0xffff;
	[tilespmem:s25+$0xFFFFFFD0] =	vst v11  }
0x18d: {  	v10 =	vadd.s32 s1, v2;
	v4 =	vadd.s32 s7, v2;
	v18 =	vnsel vm0, $0xA27F, v18;
	v21 =	vld.idx.msk [tilespmem:v9+s2+$0x0], $0xffff;
	[tilespmem:s25+$0xFFFFFFE0] =	vst v5;
	s25 =	smov.u32 s26  }
0x18e: {  	vm1 =	vlt.s32 v10, $0xA27F;
	vm0 =	vlt.s32 v4, $0xA27F;
	v11 =	vsub.s32 v7, v0;
	v16 =	vld.idx.msk [tilespmem:v16+s6+$0x0], $0xffff  }
0x18f: {  	v22 =	vsub.s32 v3, v0;
	v7 =	vnsel vm0, $0xA27F, v4;
	v4 =	vnsel vm1, $0xA27F, v10;
	v17 =	vld.idx.msk [tilespmem:v17+s6+$0x0], $0xffff;
	[tilespmem:s26+$0xFFFFFF90] =	vst v13  }
0x190: {  	v10 =	vld.idx.msk [tilespmem:v15+s6+$0x0], $0xffff;
	[tilespmem:s26+$0xFFFFFFF0] =	vst v12  }
.Ltmp3:
0x191: {  	v5 =	vld.idx.msk [tilespmem:v8+s2+$0x0], $0xffff;
	[tilespmem:s26+$0x0] =	vst v19;
	(pc) =	sbr.rel @p0 .LBB2_8-.Ltmp3, $4  }
0x192: {  	v9 =	vld.idx.msk [tilespmem:v14+s6+$0x0], $0xffff;
	v14 =	vsub.s32 v20, v0  }
0x193: {  	v3 =	vld.idx.msk [tilespmem:v6+s6+$0x0], $0xffff;
	[tilespmem:s26+$0xFFFFFFA0] =	vst v21  }
0x194: {  	v13 =	vsub.s32 v16, v0;
	v6 =	vld.idx.msk [tilespmem:v22+s2+$0x0], $0xffff  }
0x195: {  	s29 =	sadd.s32 $0x680, s29;
	s26 =	sadd.s32 $0x100, s26;
	v12 =	vsub.s32 v17, v0;
	v8 =	vld.idx.msk [tilespmem:v18+s6+$0x0], $0xffff  }
0x196: {  	_ =	sdelay $0x3  }
0x197: {  	v7 =	vld.idx.msk [tilespmem:v7+s6+$0x0], $0xffff  }
0x198: {  	v4 =	vld.idx.msk [tilespmem:v4+s6+$0x0], $0xffff  }
0x199: {  	v10 =	vsub.s32 v10, v0  }
0x19a: {  	v11 =	vld.idx.msk [tilespmem:v11+s2+$0x0], $0xffff;
	v9 =	vsub.s32 v9, v0  }
0x19b: {  	v14 =	vld.idx.msk [tilespmem:v14+s2+$0x0], $0xffff;
	v3 =	vsub.s32 v3, v0  }
0x19c: {  	[tilespmem:s25+$0xFFFFFFC0] =	vst v5;
	v5 =	vld.idx.msk [tilespmem:v12+s2+$0x0], $0xffff;
	v7 =	vsub.s32 v7, v0  }
0x19d: {  	v13 =	vld.idx.msk [tilespmem:v13+s2+$0x0], $0xffff;
	v4 =	vsub.s32 v4, v0  }
0x19e: {  	[tilespmem:s25+$0xFFFFFFB0] =	vst v6;
	v8 =	vsub.s32 v8, v0;
	v6 =	vld.idx.msk [tilespmem:v10+s2+$0x0], $0xffff  }
0x19f: {  	[tilespmem:s25+$0xFFFFFFD0] =	vst v11;
	v9 =	vld.idx.msk [tilespmem:v9+s2+$0x0], $0xffff  }
0x1a0: {  	[tilespmem:s25+$0xFFFFFFE0] =	vst v14;
	v3 =	vld.idx.msk [tilespmem:v3+s2+$0x0], $0xffff  }
0x1a1: {  	[tilespmem:s26+$0xFFFFFFF0] =	vst v5;
	v5 =	vld.idx.msk [tilespmem:v7+s2+$0x0], $0xffff  }
0x1a2: {  	[tilespmem:s26+$0xFFFFFF90] =	vst v13;
	v4 =	vld.idx.msk [tilespmem:v4+s2+$0x0], $0xffff  }
0x1a3: {  	s0 =	sadd.s32 $0xFFFFFA50, s14;
	v8 =	vld.idx.msk [tilespmem:v8+s2+$0x0], $0xffff;
	[tilespmem:s26+$0x0] =	vst v6  }
0x1a4: {  	s1 =	sadd.s32 $0xFFFFFF30, s14;
	v6 =	vadd.s32 s0, v2;
	[tilespmem:s26+$0xFFFFFFA0] =	vst v9  }
0x1a5: {  	v7 =	vadd.s32 s1, v2;
	vm0 =	vlt.s32 v6, $0xA27F;
	[tilespmem:s26+$0xFFFFFFB0] =	vst v3  }
0x1a6: {  	s25 =	sadd.s32 $0xFFFFFB20, s14;
	vm14 =	vlt.s32 v7, $0xA27F;
	v3 =	vadd.s32 s14, v2;
	v6 =	vnsel vm0, $0xA27F, v6;
	[tilespmem:s26+$0xFFFFFFD0] =	vst v5  }
0x1a7: {  	vm1 =	vlt.s32 v3, $0xA27F;
	v5 =	vnsel vm14, $0xA27F, v7;
	[tilespmem:s26+$0xFFFFFFE0] =	vst v4;
	v4 =	vadd.s32 s25, v2  }
0x1a8: {  	s31 =	simm.s32 $0xE600;
	s5 =	sadd.s32 $0xFFFFFBF0, s14;
	s7 =	sadd.s32 $0xFFFFFCC0, s14;
	[tilespmem:s26+$0xFFFFFFC0] =	vst v8;
	v3 =	vnsel vm1, $0xA27F, v3;
	vm15 =	vlt.s32 v4, $0xA27F  }
0x1a9: {  	v8 =	vadd.s32 s7, v2;
	v7 =	vadd.s32 s5, v2;
	s25 =	sadd.s32 $0xFFFFFD90, s14;
	s26 =	sadd.s32 $0xFFFFFE60, s14;
	s30 =	rddreg [dreg:$0x8];
	v4 =	vnsel vm15, $0xA27F, v4  }
0x1aa: {  	vm5 =	vlt.s32 v8, $0xA27F;
	vm4 =	vlt.s32 v7, $0xA27F;
	[hbm4b:s30+s2] =	stream.linear.scatter [tilespmem:s31], [sflag:$0x2], $0x1900, $0x38;
	[tilespmem:$0x1F900] =	vst v63  }
0x1ab: {  	v9 =	vadd.s32 s25, v2;
	v8 =	vnsel vm5, $0xA27F, v8;
	v10 =	vadd.s32 s26, v2;
	s26 =	sadd.s32 $0x680, s14;
	v6 =	vld.idx.msk [tilespmem:v6+s6+$0x0], $0xffff  }
0x1ac: {  	v7 =	vnsel vm4, $0xA27F, v7;
	vm6 =	vlt.s32 v9, $0xA27F;
	s30 =	sadd.s32 $0xFFFFFA50, s26;
	v5 =	vld.idx.msk [tilespmem:v5+s6+$0x0], $0xffff  }
0x1ad: {  	vm7 =	vlt.s32 v10, $0xA27F;
	v9 =	vnsel vm6, $0xA27F, v9;
	v11 =	vadd.s32 s30, v2;
	v3 =	vld.idx.msk [tilespmem:v3+s6+$0x0], $0xffff  }
0x1ae: {  	v10 =	vnsel vm7, $0xA27F, v10;
	vm8 =	vlt.s32 v11, $0xA27F;
	v4 =	vld.idx.msk [tilespmem:v4+s6+$0x0], $0xffff  }
0x1af: {  	v11 =	vnsel vm8, $0xA27F, v11  }
0x1b0: {  	v8 =	vld.idx.msk [tilespmem:v8+s6+$0x0], $0xffff;
	v6 =	vsub.s32 v6, v0  }
0x1b1: {  	s31 =	sadd.s32 $0xFFFFFF30, s26;
	v7 =	vld.idx.msk [tilespmem:v7+s6+$0x0], $0xffff;
	v5 =	vsub.s32 v5, v0  }
0x1b2: {  	v12 =	vadd.s32 s31, v2;
	v13 =	vld.idx.msk [tilespmem:v9+s6+$0x0], $0xffff;
	v3 =	vsub.s32 v3, v0  }
0x1b3: {  	vm9 =	vlt.s32 v12, $0xA27F;
	v9 =	vadd.s32 s26, v2;
	v16 =	vld.idx.msk [tilespmem:v10+s6+$0x0], $0xffff;
	v4 =	vsub.s32 v4, v0  }
0x1b4: {  	v12 =	vnsel vm9, $0xA27F, v12;
	vm10 =	vlt.s32 v9, $0xA27F;
	v19 =	vld.idx.msk [tilespmem:v11+s6+$0x0], $0xffff  }
0x1b5: {  	s5 =	sadd.s32 $0xFFFFFB20, s26;
	v9 =	vnsel vm10, $0xA27F, v9;
	v6 =	vld.idx.msk [tilespmem:v6+s2+$0x0], $0xffff  }
0x1b6: {  	s7 =	sadd.s32 $0xFFFFFBF0, s26;
	v8 =	vsub.s32 v8, v0;
	v14 =	vld.idx.msk [tilespmem:v5+s2+$0x0], $0xffff;
	v5 =	vadd.s32 s5, v2  }
0x1b7: {  	s25 =	sadd.s32 $0xFFFFFCC0, s26;
	v20 =	vsub.s32 v7, v0;
	v15 =	vld.idx.msk [tilespmem:v3+s2+$0x0], $0xffff;
	v3 =	vadd.s32 s7, v2;
	vm11 =	vlt.s32 v5, $0xA27F  }
0x1b8: {  	vm12 =	vlt.s32 v3, $0xA27F;
	v17 =	vnsel vm11, $0xA27F, v5;
	v18 =	vld.idx.msk [tilespmem:v4+s2+$0x0], $0xffff;
	v4 =	vadd.s32 s25, v2  }
0x1b9: {  	v12 =	vld.idx.msk [tilespmem:v12+s6+$0x0], $0xffff;
	v3 =	vnsel vm12, $0xA27F, v3;
	vm13 =	vlt.s32 v4, $0xA27F  }
0x1ba: {  	s31 =	sadd.s32 $0xFFFFFD90, s26;
	v10 =	vld.idx.msk [tilespmem:v9+s6+$0x0], $0xffff;
	s25 =	simm.s32 $0xFFF0;
	v21 =	vnsel vm13, $0xA27F, v4  }
0x1bb: {  	v11 =	vsub.s32 v13, v0;
	v5 =	vld.idx.msk [tilespmem:v8+s2+$0x0], $0xffff;
	[tilespmem:s25+$0xFFFFFF90] =	vst v6;
	v4 =	vadd.s32 s31, v2  }
0x1bc: {  	s30 =	sadd.s32 $0xFFFFFE60, s26;
	v6 =	vld.idx.msk [tilespmem:v20+s2+$0x0], $0xffff;
	vm14 =	vlt.s32 v4, $0xA27F;
	[tilespmem:s25+$0xFFFFFFF0] =	vst v14;
	v14 =	vsub.s32 v16, v0  }
0x1bd: {  	v8 =	vadd.s32 s30, v2;
	v7 =	vnsel vm14, $0xA27F, v4;
	v9 =	vld.idx.msk [tilespmem:v17+s6+$0x0], $0xffff  }
0x1be: {  	v13 =	vsub.s32 v19, v0;
	vm15 =	vlt.s32 v8, $0xA27F;
	[tilespmem:s25+$0x0] =	vst v15;
	v3 =	vld.idx.msk [tilespmem:v3+s6+$0x0], $0xffff  }
0x1bf: {  	s28 =	simm.s32 $0x8;
	s29 =	sadd.s32 $0x680, s26;
	s26 =	simm.s32 $0x100F0;
	v12 =	vsub.s32 v12, v0;
	v4 =	vnsel vm15, $0xA27F, v8;
	[tilespmem:s25+$0xFFFFFFA0] =	vst v18;
	v8 =	vld.idx.msk [tilespmem:v21+s6+$0x0], $0xffff  }
.LBB2_10:
0x1c0: {  	s0 =	sadd.s32 $0xFFFFFA50, s29;
	s1 =	sadd.s32 $0xFFFFFE60, s29;
	s5 =	sadd.s32 $0xFFFFFF30, s29;
	v15 =	vadd.s32 s29, v2;
	v10 =	vsub.s32 v10, v0;
	v11 =	vld.idx.msk [tilespmem:v11+s2+$0x0], $0xffff  }
0x1c1: {  	s7 =	sadd.s32 $0xFFFFFD90, s29;
	s28 =	sadd.s32 $0x8, s28;
	v16 =	vadd.s32 s0, v2;
	s0 =	sadd.s32 $0xFFFFFB20, s29;
	v17 =	vadd.s32 s5, v2;
	vm0 =	vlt.s32 v15, $0xA27F;
	[tilespmem:s25+$0xFFFFFFC0] =	vst v5;
	v5 =	vld.idx.msk [tilespmem:v14+s2+$0x0], $0xffff  }
0x1c2: {  	p0 =	slt.u32 s28, $0xC0;
	v9 =	vsub.s32 v9, v0;
	vm1 =	vlt.s32 v16, $0xA27F;
	v14 =	vadd.s32 s0, v2;
	s0 =	sadd.s32 $0xFFFFFBF0, s29;
	v7 =	vld.idx.msk [tilespmem:v7+s6+$0x0], $0xffff  }
0x1c3: {  	v16 =	vnsel vm1, $0xA27F, v16;
	v18 =	vadd.s32 s0, v2;
	s0 =	sadd.s32 $0xFFFFFCC0, s29;
	vm1 =	vlt.s32 v17, $0xA27F;
	v13 =	vld.idx.msk [tilespmem:v13+s2+$0x0], $0xffff  }
0x1c4: {  	vm2 =	vlt.s32 v14, $0xA27F;
	vm3 =	vlt.s32 v18, $0xA27F;
	v17 =	vnsel vm1, $0xA27F, v17;
	v12 =	vld.idx.msk [tilespmem:v12+s2+$0x0], $0xffff;
	[tilespmem:s25+$0xFFFFFFB0] =	vst v6  }
0x1c5: {  	v15 =	vnsel vm0, $0xA27F, v15;
	v6 =	vnsel vm3, $0xA27F, v18;
	v18 =	vadd.s32 s0, v2;
	v19 =	vld.idx.msk [tilespmem:v10+s2+$0x0], $0xffff  }
0x1c6: {  	v14 =	vnsel vm2, $0xA27F, v14;
	v8 =	vsub.s32 v8, v0;
	vm0 =	vlt.s32 v18, $0xA27F;
	v20 =	vld.idx.msk [tilespmem:v4+s6+$0x0], $0xffff;
	[tilespmem:s25+$0xFFFFFFD0] =	vst v11  }
0x1c7: {  	v10 =	vadd.s32 s1, v2;
	v4 =	vadd.s32 s7, v2;
	v18 =	vnsel vm0, $0xA27F, v18;
	v21 =	vld.idx.msk [tilespmem:v9+s2+$0x0], $0xffff;
	[tilespmem:s25+$0xFFFFFFE0] =	vst v5;
	s25 =	smov.u32 s26  }
0x1c8: {  	vm1 =	vlt.s32 v10, $0xA27F;
	vm0 =	vlt.s32 v4, $0xA27F;
	v11 =	vsub.s32 v7, v0;
	v16 =	vld.idx.msk [tilespmem:v16+s6+$0x0], $0xffff  }
0x1c9: {  	v22 =	vsub.s32 v3, v0;
	v7 =	vnsel vm0, $0xA27F, v4;
	v4 =	vnsel vm1, $0xA27F, v10;
	v17 =	vld.idx.msk [tilespmem:v17+s6+$0x0], $0xffff;
	[tilespmem:s26+$0xFFFFFF90] =	vst v13  }
0x1ca: {  	v10 =	vld.idx.msk [tilespmem:v15+s6+$0x0], $0xffff;
	[tilespmem:s26+$0xFFFFFFF0] =	vst v12  }
.Ltmp4:
0x1cb: {  	v5 =	vld.idx.msk [tilespmem:v8+s2+$0x0], $0xffff;
	[tilespmem:s26+$0x0] =	vst v19;
	(pc) =	sbr.rel @p0 .LBB2_10-.Ltmp4, $4  }
0x1cc: {  	v9 =	vld.idx.msk [tilespmem:v14+s6+$0x0], $0xffff;
	v14 =	vsub.s32 v20, v0  }
0x1cd: {  	v3 =	vld.idx.msk [tilespmem:v6+s6+$0x0], $0xffff;
	[tilespmem:s26+$0xFFFFFFA0] =	vst v21  }
0x1ce: {  	v13 =	vsub.s32 v16, v0;
	v6 =	vld.idx.msk [tilespmem:v22+s2+$0x0], $0xffff  }
0x1cf: {  	s29 =	sadd.s32 $0x680, s29;
	s26 =	sadd.s32 $0x100, s26;
	v12 =	vsub.s32 v17, v0;
	v8 =	vld.idx.msk [tilespmem:v18+s6+$0x0], $0xffff  }
0x1d0: {  	_ =	sdelay $0x3  }
0x1d1: {  	v7 =	vld.idx.msk [tilespmem:v7+s6+$0x0], $0xffff  }
0x1d2: {  	v4 =	vld.idx.msk [tilespmem:v4+s6+$0x0], $0xffff  }
0x1d3: {  	v10 =	vsub.s32 v10, v0  }
0x1d4: {  	v11 =	vld.idx.msk [tilespmem:v11+s2+$0x0], $0xffff;
	v9 =	vsub.s32 v9, v0  }
0x1d5: {  	v14 =	vld.idx.msk [tilespmem:v14+s2+$0x0], $0xffff;
	v3 =	vsub.s32 v3, v0  }
0x1d6: {  	[tilespmem:s25+$0xFFFFFFC0] =	vst v5;
	v5 =	vld.idx.msk [tilespmem:v12+s2+$0x0], $0xffff;
	v7 =	vsub.s32 v7, v0  }
0x1d7: {  	v13 =	vld.idx.msk [tilespmem:v13+s2+$0x0], $0xffff;
	v4 =	vsub.s32 v4, v0  }
0x1d8: {  	[tilespmem:s25+$0xFFFFFFB0] =	vst v6;
	v8 =	vsub.s32 v8, v0;
	v6 =	vld.idx.msk [tilespmem:v10+s2+$0x0], $0xffff  }
0x1d9: {  	[tilespmem:s25+$0xFFFFFFD0] =	vst v11;
	v9 =	vld.idx.msk [tilespmem:v9+s2+$0x0], $0xffff  }
0x1da: {  	[tilespmem:s25+$0xFFFFFFE0] =	vst v14;
	v3 =	vld.idx.msk [tilespmem:v3+s2+$0x0], $0xffff  }
0x1db: {  	[tilespmem:s26+$0xFFFFFFF0] =	vst v5;
	v5 =	vld.idx.msk [tilespmem:v7+s2+$0x0], $0xffff  }
0x1dc: {  	[tilespmem:s26+$0xFFFFFF90] =	vst v13;
	v4 =	vld.idx.msk [tilespmem:v4+s2+$0x0], $0xffff  }
0x1dd: {  	s0 =	sadd.s32 $0xFFFFFA50, s15;
	v8 =	vld.idx.msk [tilespmem:v8+s2+$0x0], $0xffff;
	[tilespmem:s26+$0x0] =	vst v6  }
0x1de: {  	s1 =	sadd.s32 $0xFFFFFF30, s15;
	v6 =	vadd.s32 s0, v2;
	[tilespmem:s26+$0xFFFFFFA0] =	vst v9  }
0x1df: {  	v7 =	vadd.s32 s1, v2;
	vm0 =	vlt.s32 v6, $0xA27F;
	[tilespmem:s26+$0xFFFFFFB0] =	vst v3  }
0x1e0: {  	s25 =	sadd.s32 $0xFFFFFB20, s15;
	vm14 =	vlt.s32 v7, $0xA27F;
	v3 =	vadd.s32 s15, v2;
	v6 =	vnsel vm0, $0xA27F, v6;
	[tilespmem:s26+$0xFFFFFFD0] =	vst v5  }
0x1e1: {  	vm1 =	vlt.s32 v3, $0xA27F;
	v5 =	vnsel vm14, $0xA27F, v7;
	[tilespmem:s26+$0xFFFFFFE0] =	vst v4;
	v4 =	vadd.s32 s25, v2  }
0x1e2: {  	s31 =	simm.s32 $0xFF00;
	s5 =	sadd.s32 $0xFFFFFBF0, s15;
	s7 =	sadd.s32 $0xFFFFFCC0, s15;
	[tilespmem:s26+$0xFFFFFFC0] =	vst v8;
	v3 =	vnsel vm1, $0xA27F, v3;
	vm15 =	vlt.s32 v4, $0xA27F  }
0x1e3: {  	v8 =	vadd.s32 s7, v2;
	v7 =	vadd.s32 s5, v2;
	s25 =	sadd.s32 $0xFFFFFD90, s15;
	s26 =	sadd.s32 $0xFFFFFE60, s15;
	s30 =	rddreg [dreg:$0xa];
	v4 =	vnsel vm15, $0xA27F, v4  }
0x1e4: {  	vm5 =	vlt.s32 v8, $0xA27F;
	vm4 =	vlt.s32 v7, $0xA27F;
	[hbm4b:s30+s2] =	stream.linear.scatter [tilespmem:s31], [sflag:$0x2], $0x1900, $0x38;
	[tilespmem:$0x1F900] =	vst v63  }
0x1e5: {  	v9 =	vadd.s32 s25, v2;
	v8 =	vnsel vm5, $0xA27F, v8;
	v10 =	vadd.s32 s26, v2;
	s26 =	sadd.s32 $0x680, s15;
	v6 =	vld.idx.msk [tilespmem:v6+s6+$0x0], $0xffff  }
0x1e6: {  	v7 =	vnsel vm4, $0xA27F, v7;
	vm6 =	vlt.s32 v9, $0xA27F;
	s30 =	sadd.s32 $0xFFFFFA50, s26;
	v5 =	vld.idx.msk [tilespmem:v5+s6+$0x0], $0xffff  }
0x1e7: {  	vm7 =	vlt.s32 v10, $0xA27F;
	v9 =	vnsel vm6, $0xA27F, v9;
	v11 =	vadd.s32 s30, v2;
	v3 =	vld.idx.msk [tilespmem:v3+s6+$0x0], $0xffff  }
0x1e8: {  	v10 =	vnsel vm7, $0xA27F, v10;
	vm8 =	vlt.s32 v11, $0xA27F;
	v4 =	vld.idx.msk [tilespmem:v4+s6+$0x0], $0xffff  }
0x1e9: {  	v11 =	vnsel vm8, $0xA27F, v11  }
0x1ea: {  	v8 =	vld.idx.msk [tilespmem:v8+s6+$0x0], $0xffff;
	v6 =	vsub.s32 v6, v0  }
0x1eb: {  	s31 =	sadd.s32 $0xFFFFFF30, s26;
	v7 =	vld.idx.msk [tilespmem:v7+s6+$0x0], $0xffff;
	v5 =	vsub.s32 v5, v0  }
0x1ec: {  	v12 =	vadd.s32 s31, v2;
	v13 =	vld.idx.msk [tilespmem:v9+s6+$0x0], $0xffff;
	v3 =	vsub.s32 v3, v0  }
0x1ed: {  	vm9 =	vlt.s32 v12, $0xA27F;
	v9 =	vadd.s32 s26, v2;
	v16 =	vld.idx.msk [tilespmem:v10+s6+$0x0], $0xffff;
	v4 =	vsub.s32 v4, v0  }
0x1ee: {  	v12 =	vnsel vm9, $0xA27F, v12;
	vm10 =	vlt.s32 v9, $0xA27F;
	v19 =	vld.idx.msk [tilespmem:v11+s6+$0x0], $0xffff  }
0x1ef: {  	s5 =	sadd.s32 $0xFFFFFB20, s26;
	v9 =	vnsel vm10, $0xA27F, v9;
	v6 =	vld.idx.msk [tilespmem:v6+s2+$0x0], $0xffff  }
0x1f0: {  	s7 =	sadd.s32 $0xFFFFFBF0, s26;
	v8 =	vsub.s32 v8, v0;
	v14 =	vld.idx.msk [tilespmem:v5+s2+$0x0], $0xffff;
	v5 =	vadd.s32 s5, v2  }
0x1f1: {  	s25 =	sadd.s32 $0xFFFFFCC0, s26;
	v20 =	vsub.s32 v7, v0;
	v15 =	vld.idx.msk [tilespmem:v3+s2+$0x0], $0xffff;
	v3 =	vadd.s32 s7, v2;
	vm11 =	vlt.s32 v5, $0xA27F  }
0x1f2: {  	vm12 =	vlt.s32 v3, $0xA27F;
	v17 =	vnsel vm11, $0xA27F, v5;
	v18 =	vld.idx.msk [tilespmem:v4+s2+$0x0], $0xffff;
	v4 =	vadd.s32 s25, v2  }
0x1f3: {  	v12 =	vld.idx.msk [tilespmem:v12+s6+$0x0], $0xffff;
	v3 =	vnsel vm12, $0xA27F, v3;
	vm13 =	vlt.s32 v4, $0xA27F  }
0x1f4: {  	s31 =	sadd.s32 $0xFFFFFD90, s26;
	v10 =	vld.idx.msk [tilespmem:v9+s6+$0x0], $0xffff;
	s25 =	simm.s32 $0x118F0;
	v21 =	vnsel vm13, $0xA27F, v4  }
0x1f5: {  	v11 =	vsub.s32 v13, v0;
	v5 =	vld.idx.msk [tilespmem:v8+s2+$0x0], $0xffff;
	[tilespmem:s25+$0xFFFFFF90] =	vst v6;
	v4 =	vadd.s32 s31, v2  }
0x1f6: {  	s30 =	sadd.s32 $0xFFFFFE60, s26;
	v6 =	vld.idx.msk [tilespmem:v20+s2+$0x0], $0xffff;
	vm14 =	vlt.s32 v4, $0xA27F;
	[tilespmem:s25+$0xFFFFFFF0] =	vst v14;
	v14 =	vsub.s32 v16, v0  }
0x1f7: {  	v8 =	vadd.s32 s30, v2;
	v7 =	vnsel vm14, $0xA27F, v4;
	v9 =	vld.idx.msk [tilespmem:v17+s6+$0x0], $0xffff  }
0x1f8: {  	v13 =	vsub.s32 v19, v0;
	vm15 =	vlt.s32 v8, $0xA27F;
	[tilespmem:s25+$0x0] =	vst v15;
	v3 =	vld.idx.msk [tilespmem:v3+s6+$0x0], $0xffff  }
0x1f9: {  	s28 =	simm.s32 $0x8;
	s29 =	sadd.s32 $0x680, s26;
	s26 =	simm.s32 $0x119F0;
	v12 =	vsub.s32 v12, v0;
	v4 =	vnsel vm15, $0xA27F, v8;
	[tilespmem:s25+$0xFFFFFFA0] =	vst v18;
	v8 =	vld.idx.msk [tilespmem:v21+s6+$0x0], $0xffff  }
.LBB2_12:
0x1fa: {  	s0 =	sadd.s32 $0xFFFFFA50, s29;
	s1 =	sadd.s32 $0xFFFFFE60, s29;
	s5 =	sadd.s32 $0xFFFFFF30, s29;
	v15 =	vadd.s32 s29, v2;
	v10 =	vsub.s32 v10, v0;
	v11 =	vld.idx.msk [tilespmem:v11+s2+$0x0], $0xffff  }
0x1fb: {  	s7 =	sadd.s32 $0xFFFFFD90, s29;
	s28 =	sadd.s32 $0x8, s28;
	v16 =	vadd.s32 s0, v2;
	s0 =	sadd.s32 $0xFFFFFB20, s29;
	v17 =	vadd.s32 s5, v2;
	vm0 =	vlt.s32 v15, $0xA27F;
	[tilespmem:s25+$0xFFFFFFC0] =	vst v5;
	v5 =	vld.idx.msk [tilespmem:v14+s2+$0x0], $0xffff  }
0x1fc: {  	p0 =	slt.u32 s28, $0xC0;
	v9 =	vsub.s32 v9, v0;
	vm1 =	vlt.s32 v16, $0xA27F;
	v14 =	vadd.s32 s0, v2;
	s0 =	sadd.s32 $0xFFFFFBF0, s29;
	v7 =	vld.idx.msk [tilespmem:v7+s6+$0x0], $0xffff  }
0x1fd: {  	v16 =	vnsel vm1, $0xA27F, v16;
	v18 =	vadd.s32 s0, v2;
	s0 =	sadd.s32 $0xFFFFFCC0, s29;
	vm1 =	vlt.s32 v17, $0xA27F;
	v13 =	vld.idx.msk [tilespmem:v13+s2+$0x0], $0xffff  }
0x1fe: {  	vm2 =	vlt.s32 v14, $0xA27F;
	vm3 =	vlt.s32 v18, $0xA27F;
	v17 =	vnsel vm1, $0xA27F, v17;
	v12 =	vld.idx.msk [tilespmem:v12+s2+$0x0], $0xffff;
	[tilespmem:s25+$0xFFFFFFB0] =	vst v6  }
0x1ff: {  	v15 =	vnsel vm0, $0xA27F, v15;
	v6 =	vnsel vm3, $0xA27F, v18;
	v18 =	vadd.s32 s0, v2;
	v19 =	vld.idx.msk [tilespmem:v10+s2+$0x0], $0xffff  }
0x200: {  	v14 =	vnsel vm2, $0xA27F, v14;
	v8 =	vsub.s32 v8, v0;
	vm0 =	vlt.s32 v18, $0xA27F;
	v20 =	vld.idx.msk [tilespmem:v4+s6+$0x0], $0xffff;
	[tilespmem:s25+$0xFFFFFFD0] =	vst v11  }
0x201: {  	v10 =	vadd.s32 s1, v2;
	v4 =	vadd.s32 s7, v2;
	v18 =	vnsel vm0, $0xA27F, v18;
	v21 =	vld.idx.msk [tilespmem:v9+s2+$0x0], $0xffff;
	[tilespmem:s25+$0xFFFFFFE0] =	vst v5;
	s25 =	smov.u32 s26  }
0x202: {  	vm1 =	vlt.s32 v10, $0xA27F;
	vm0 =	vlt.s32 v4, $0xA27F;
	v11 =	vsub.s32 v7, v0;
	v16 =	vld.idx.msk [tilespmem:v16+s6+$0x0], $0xffff  }
0x203: {  	v22 =	vsub.s32 v3, v0;
	v7 =	vnsel vm0, $0xA27F, v4;
	v4 =	vnsel vm1, $0xA27F, v10;
	v17 =	vld.idx.msk [tilespmem:v17+s6+$0x0], $0xffff;
	[tilespmem:s26+$0xFFFFFF90] =	vst v13  }
0x204: {  	v10 =	vld.idx.msk [tilespmem:v15+s6+$0x0], $0xffff;
	[tilespmem:s26+$0xFFFFFFF0] =	vst v12  }
.Ltmp5:
0x205: {  	v5 =	vld.idx.msk [tilespmem:v8+s2+$0x0], $0xffff;
	[tilespmem:s26+$0x0] =	vst v19;
	(pc) =	sbr.rel @p0 .LBB2_12-.Ltmp5, $4  }
0x206: {  	v9 =	vld.idx.msk [tilespmem:v14+s6+$0x0], $0xffff;
	v14 =	vsub.s32 v20, v0  }
0x207: {  	v3 =	vld.idx.msk [tilespmem:v6+s6+$0x0], $0xffff;
	[tilespmem:s26+$0xFFFFFFA0] =	vst v21  }
0x208: {  	v13 =	vsub.s32 v16, v0;
	v6 =	vld.idx.msk [tilespmem:v22+s2+$0x0], $0xffff  }
0x209: {  	s29 =	sadd.s32 $0x680, s29;
	s26 =	sadd.s32 $0x100, s26;
	v12 =	vsub.s32 v17, v0;
	v8 =	vld.idx.msk [tilespmem:v18+s6+$0x0], $0xffff  }
0x20a: {  	_ =	sdelay $0x3  }
0x20b: {  	v7 =	vld.idx.msk [tilespmem:v7+s6+$0x0], $0xffff  }
0x20c: {  	v4 =	vld.idx.msk [tilespmem:v4+s6+$0x0], $0xffff  }
0x20d: {  	v10 =	vsub.s32 v10, v0  }
0x20e: {  	v11 =	vld.idx.msk [tilespmem:v11+s2+$0x0], $0xffff;
	v9 =	vsub.s32 v9, v0  }
0x20f: {  	v14 =	vld.idx.msk [tilespmem:v14+s2+$0x0], $0xffff;
	v3 =	vsub.s32 v3, v0  }
0x210: {  	[tilespmem:s25+$0xFFFFFFC0] =	vst v5;
	v5 =	vld.idx.msk [tilespmem:v12+s2+$0x0], $0xffff;
	v7 =	vsub.s32 v7, v0  }
0x211: {  	v13 =	vld.idx.msk [tilespmem:v13+s2+$0x0], $0xffff;
	v4 =	vsub.s32 v4, v0  }
0x212: {  	[tilespmem:s25+$0xFFFFFFB0] =	vst v6;
	v8 =	vsub.s32 v8, v0;
	v6 =	vld.idx.msk [tilespmem:v10+s2+$0x0], $0xffff  }
0x213: {  	[tilespmem:s25+$0xFFFFFFD0] =	vst v11;
	v9 =	vld.idx.msk [tilespmem:v9+s2+$0x0], $0xffff  }
0x214: {  	[tilespmem:s25+$0xFFFFFFE0] =	vst v14;
	v3 =	vld.idx.msk [tilespmem:v3+s2+$0x0], $0xffff  }
0x215: {  	[tilespmem:s26+$0xFFFFFFF0] =	vst v5;
	v5 =	vld.idx.msk [tilespmem:v7+s2+$0x0], $0xffff  }
0x216: {  	[tilespmem:s26+$0xFFFFFF90] =	vst v13;
	v4 =	vld.idx.msk [tilespmem:v4+s2+$0x0], $0xffff  }
0x217: {  	s0 =	sadd.s32 $0xFFFFFA50, s16;
	v8 =	vld.idx.msk [tilespmem:v8+s2+$0x0], $0xffff;
	[tilespmem:s26+$0x0] =	vst v6  }
0x218: {  	s1 =	sadd.s32 $0xFFFFFF30, s16;
	v6 =	vadd.s32 s0, v2;
	[tilespmem:s26+$0xFFFFFFA0] =	vst v9  }
0x219: {  	v7 =	vadd.s32 s1, v2;
	vm0 =	vlt.s32 v6, $0xA27F;
	[tilespmem:s26+$0xFFFFFFB0] =	vst v3  }
0x21a: {  	s25 =	sadd.s32 $0xFFFFFB20, s16;
	vm14 =	vlt.s32 v7, $0xA27F;
	v3 =	vadd.s32 s16, v2;
	v6 =	vnsel vm0, $0xA27F, v6;
	[tilespmem:s26+$0xFFFFFFD0] =	vst v5  }
0x21b: {  	vm1 =	vlt.s32 v3, $0xA27F;
	v5 =	vnsel vm14, $0xA27F, v7;
	[tilespmem:s26+$0xFFFFFFE0] =	vst v4;
	v4 =	vadd.s32 s25, v2  }
0x21c: {  	s31 =	simm.s32 $0x11800;
	s5 =	sadd.s32 $0xFFFFFBF0, s16;
	s7 =	sadd.s32 $0xFFFFFCC0, s16;
	[tilespmem:s26+$0xFFFFFFC0] =	vst v8;
	v3 =	vnsel vm1, $0xA27F, v3;
	vm15 =	vlt.s32 v4, $0xA27F  }
0x21d: {  	v8 =	vadd.s32 s7, v2;
	v7 =	vadd.s32 s5, v2;
	s25 =	sadd.s32 $0xFFFFFD90, s16;
	s26 =	sadd.s32 $0xFFFFFE60, s16;
	s30 =	rddreg [dreg:$0xb];
	v4 =	vnsel vm15, $0xA27F, v4  }
0x21e: {  	vm5 =	vlt.s32 v8, $0xA27F;
	vm4 =	vlt.s32 v7, $0xA27F;
	[hbm4b:s30+s2] =	stream.linear.scatter [tilespmem:s31], [sflag:$0x2], $0x1900, $0x38;
	[tilespmem:$0x1F900] =	vst v63  }
0x21f: {  	v9 =	vadd.s32 s25, v2;
	v8 =	vnsel vm5, $0xA27F, v8;
	v10 =	vadd.s32 s26, v2;
	s26 =	sadd.s32 $0x680, s16;
	v6 =	vld.idx.msk [tilespmem:v6+s6+$0x0], $0xffff  }
0x220: {  	v7 =	vnsel vm4, $0xA27F, v7;
	vm6 =	vlt.s32 v9, $0xA27F;
	s30 =	sadd.s32 $0xFFFFFA50, s26;
	v5 =	vld.idx.msk [tilespmem:v5+s6+$0x0], $0xffff  }
0x221: {  	vm7 =	vlt.s32 v10, $0xA27F;
	v9 =	vnsel vm6, $0xA27F, v9;
	v11 =	vadd.s32 s30, v2;
	v3 =	vld.idx.msk [tilespmem:v3+s6+$0x0], $0xffff  }
0x222: {  	v10 =	vnsel vm7, $0xA27F, v10;
	vm8 =	vlt.s32 v11, $0xA27F;
	v4 =	vld.idx.msk [tilespmem:v4+s6+$0x0], $0xffff  }
0x223: {  	v11 =	vnsel vm8, $0xA27F, v11  }
0x224: {  	v8 =	vld.idx.msk [tilespmem:v8+s6+$0x0], $0xffff;
	v6 =	vsub.s32 v6, v0  }
0x225: {  	s31 =	sadd.s32 $0xFFFFFF30, s26;
	v7 =	vld.idx.msk [tilespmem:v7+s6+$0x0], $0xffff;
	v5 =	vsub.s32 v5, v0  }
0x226: {  	v12 =	vadd.s32 s31, v2;
	v13 =	vld.idx.msk [tilespmem:v9+s6+$0x0], $0xffff;
	v3 =	vsub.s32 v3, v0  }
0x227: {  	vm9 =	vlt.s32 v12, $0xA27F;
	v9 =	vadd.s32 s26, v2;
	v16 =	vld.idx.msk [tilespmem:v10+s6+$0x0], $0xffff;
	v4 =	vsub.s32 v4, v0  }
0x228: {  	v12 =	vnsel vm9, $0xA27F, v12;
	vm10 =	vlt.s32 v9, $0xA27F;
	v19 =	vld.idx.msk [tilespmem:v11+s6+$0x0], $0xffff  }
0x229: {  	s5 =	sadd.s32 $0xFFFFFB20, s26;
	v9 =	vnsel vm10, $0xA27F, v9;
	v6 =	vld.idx.msk [tilespmem:v6+s2+$0x0], $0xffff  }
0x22a: {  	s7 =	sadd.s32 $0xFFFFFBF0, s26;
	v8 =	vsub.s32 v8, v0;
	v14 =	vld.idx.msk [tilespmem:v5+s2+$0x0], $0xffff;
	v5 =	vadd.s32 s5, v2  }
0x22b: {  	s25 =	sadd.s32 $0xFFFFFCC0, s26;
	v20 =	vsub.s32 v7, v0;
	v15 =	vld.idx.msk [tilespmem:v3+s2+$0x0], $0xffff;
	v3 =	vadd.s32 s7, v2;
	vm11 =	vlt.s32 v5, $0xA27F  }
0x22c: {  	vm12 =	vlt.s32 v3, $0xA27F;
	v17 =	vnsel vm11, $0xA27F, v5;
	v18 =	vld.idx.msk [tilespmem:v4+s2+$0x0], $0xffff;
	v4 =	vadd.s32 s25, v2  }
0x22d: {  	v12 =	vld.idx.msk [tilespmem:v12+s6+$0x0], $0xffff;
	v3 =	vnsel vm12, $0xA27F, v3;
	vm13 =	vlt.s32 v4, $0xA27F  }
0x22e: {  	s31 =	sadd.s32 $0xFFFFFD90, s26;
	v10 =	vld.idx.msk [tilespmem:v9+s6+$0x0], $0xffff;
	s25 =	simm.s32 $0x131F0;
	v21 =	vnsel vm13, $0xA27F, v4  }
0x22f: {  	v11 =	vsub.s32 v13, v0;
	v5 =	vld.idx.msk [tilespmem:v8+s2+$0x0], $0xffff;
	[tilespmem:s25+$0xFFFFFF90] =	vst v6;
	v4 =	vadd.s32 s31, v2  }
0x230: {  	s30 =	sadd.s32 $0xFFFFFE60, s26;
	v6 =	vld.idx.msk [tilespmem:v20+s2+$0x0], $0xffff;
	vm14 =	vlt.s32 v4, $0xA27F;
	[tilespmem:s25+$0xFFFFFFF0] =	vst v14;
	v14 =	vsub.s32 v16, v0  }
0x231: {  	v8 =	vadd.s32 s30, v2;
	v7 =	vnsel vm14, $0xA27F, v4;
	v9 =	vld.idx.msk [tilespmem:v17+s6+$0x0], $0xffff  }
0x232: {  	v13 =	vsub.s32 v19, v0;
	vm15 =	vlt.s32 v8, $0xA27F;
	[tilespmem:s25+$0x0] =	vst v15;
	v3 =	vld.idx.msk [tilespmem:v3+s6+$0x0], $0xffff  }
0x233: {  	s28 =	simm.s32 $0x8;
	s29 =	sadd.s32 $0x680, s26;
	s26 =	simm.s32 $0x132F0;
	v12 =	vsub.s32 v12, v0;
	v4 =	vnsel vm15, $0xA27F, v8;
	[tilespmem:s25+$0xFFFFFFA0] =	vst v18;
	v8 =	vld.idx.msk [tilespmem:v21+s6+$0x0], $0xffff  }
.LBB2_14:
0x234: {  	s0 =	sadd.s32 $0xFFFFFA50, s29;
	s1 =	sadd.s32 $0xFFFFFE60, s29;
	s5 =	sadd.s32 $0xFFFFFF30, s29;
	v15 =	vadd.s32 s29, v2;
	v10 =	vsub.s32 v10, v0;
	v11 =	vld.idx.msk [tilespmem:v11+s2+$0x0], $0xffff  }
0x235: {  	s7 =	sadd.s32 $0xFFFFFD90, s29;
	s28 =	sadd.s32 $0x8, s28;
	v16 =	vadd.s32 s0, v2;
	s0 =	sadd.s32 $0xFFFFFB20, s29;
	v17 =	vadd.s32 s5, v2;
	vm0 =	vlt.s32 v15, $0xA27F;
	[tilespmem:s25+$0xFFFFFFC0] =	vst v5;
	v5 =	vld.idx.msk [tilespmem:v14+s2+$0x0], $0xffff  }
0x236: {  	p0 =	slt.u32 s28, $0xC0;
	v9 =	vsub.s32 v9, v0;
	vm1 =	vlt.s32 v16, $0xA27F;
	v14 =	vadd.s32 s0, v2;
	s0 =	sadd.s32 $0xFFFFFBF0, s29;
	v7 =	vld.idx.msk [tilespmem:v7+s6+$0x0], $0xffff  }
0x237: {  	v16 =	vnsel vm1, $0xA27F, v16;
	v18 =	vadd.s32 s0, v2;
	s0 =	sadd.s32 $0xFFFFFCC0, s29;
	vm1 =	vlt.s32 v17, $0xA27F;
	v13 =	vld.idx.msk [tilespmem:v13+s2+$0x0], $0xffff  }
0x238: {  	vm2 =	vlt.s32 v14, $0xA27F;
	vm3 =	vlt.s32 v18, $0xA27F;
	v17 =	vnsel vm1, $0xA27F, v17;
	v12 =	vld.idx.msk [tilespmem:v12+s2+$0x0], $0xffff;
	[tilespmem:s25+$0xFFFFFFB0] =	vst v6  }
0x239: {  	v15 =	vnsel vm0, $0xA27F, v15;
	v6 =	vnsel vm3, $0xA27F, v18;
	v18 =	vadd.s32 s0, v2;
	v19 =	vld.idx.msk [tilespmem:v10+s2+$0x0], $0xffff  }
0x23a: {  	v14 =	vnsel vm2, $0xA27F, v14;
	v8 =	vsub.s32 v8, v0;
	vm0 =	vlt.s32 v18, $0xA27F;
	v20 =	vld.idx.msk [tilespmem:v4+s6+$0x0], $0xffff;
	[tilespmem:s25+$0xFFFFFFD0] =	vst v11  }
0x23b: {  	v10 =	vadd.s32 s1, v2;
	v4 =	vadd.s32 s7, v2;
	v18 =	vnsel vm0, $0xA27F, v18;
	v21 =	vld.idx.msk [tilespmem:v9+s2+$0x0], $0xffff;
	[tilespmem:s25+$0xFFFFFFE0] =	vst v5;
	s25 =	smov.u32 s26  }
0x23c: {  	vm1 =	vlt.s32 v10, $0xA27F;
	vm0 =	vlt.s32 v4, $0xA27F;
	v11 =	vsub.s32 v7, v0;
	v16 =	vld.idx.msk [tilespmem:v16+s6+$0x0], $0xffff  }
0x23d: {  	v22 =	vsub.s32 v3, v0;
	v7 =	vnsel vm0, $0xA27F, v4;
	v4 =	vnsel vm1, $0xA27F, v10;
	v17 =	vld.idx.msk [tilespmem:v17+s6+$0x0], $0xffff;
	[tilespmem:s26+$0xFFFFFF90] =	vst v13  }
0x23e: {  	v10 =	vld.idx.msk [tilespmem:v15+s6+$0x0], $0xffff;
	[tilespmem:s26+$0xFFFFFFF0] =	vst v12  }
.Ltmp6:
0x23f: {  	v5 =	vld.idx.msk [tilespmem:v8+s2+$0x0], $0xffff;
	[tilespmem:s26+$0x0] =	vst v19;
	(pc) =	sbr.rel @p0 .LBB2_14-.Ltmp6, $4  }
0x240: {  	v9 =	vld.idx.msk [tilespmem:v14+s6+$0x0], $0xffff;
	v14 =	vsub.s32 v20, v0  }
0x241: {  	v3 =	vld.idx.msk [tilespmem:v6+s6+$0x0], $0xffff;
	[tilespmem:s26+$0xFFFFFFA0] =	vst v21  }
0x242: {  	v13 =	vsub.s32 v16, v0;
	v6 =	vld.idx.msk [tilespmem:v22+s2+$0x0], $0xffff  }
0x243: {  	s29 =	sadd.s32 $0x680, s29;
	s26 =	sadd.s32 $0x100, s26;
	v12 =	vsub.s32 v17, v0;
	v8 =	vld.idx.msk [tilespmem:v18+s6+$0x0], $0xffff  }
0x244: {  	_ =	sdelay $0x3  }
0x245: {  	v7 =	vld.idx.msk [tilespmem:v7+s6+$0x0], $0xffff  }
0x246: {  	v4 =	vld.idx.msk [tilespmem:v4+s6+$0x0], $0xffff  }
0x247: {  	v10 =	vsub.s32 v10, v0  }
0x248: {  	v11 =	vld.idx.msk [tilespmem:v11+s2+$0x0], $0xffff;
	v9 =	vsub.s32 v9, v0  }
0x249: {  	v14 =	vld.idx.msk [tilespmem:v14+s2+$0x0], $0xffff;
	v3 =	vsub.s32 v3, v0  }
0x24a: {  	[tilespmem:s25+$0xFFFFFFC0] =	vst v5;
	v5 =	vld.idx.msk [tilespmem:v12+s2+$0x0], $0xffff;
	v7 =	vsub.s32 v7, v0  }
0x24b: {  	v13 =	vld.idx.msk [tilespmem:v13+s2+$0x0], $0xffff;
	v4 =	vsub.s32 v4, v0  }
0x24c: {  	[tilespmem:s25+$0xFFFFFFB0] =	vst v6;
	v8 =	vsub.s32 v8, v0;
	v6 =	vld.idx.msk [tilespmem:v10+s2+$0x0], $0xffff  }
0x24d: {  	[tilespmem:s25+$0xFFFFFFD0] =	vst v11;
	v9 =	vld.idx.msk [tilespmem:v9+s2+$0x0], $0xffff  }
0x24e: {  	[tilespmem:s25+$0xFFFFFFE0] =	vst v14;
	v3 =	vld.idx.msk [tilespmem:v3+s2+$0x0], $0xffff  }
0x24f: {  	[tilespmem:s26+$0xFFFFFFF0] =	vst v5;
	v5 =	vld.idx.msk [tilespmem:v7+s2+$0x0], $0xffff  }
0x250: {  	[tilespmem:s26+$0xFFFFFF90] =	vst v13;
	v4 =	vld.idx.msk [tilespmem:v4+s2+$0x0], $0xffff  }
0x251: {  	s0 =	sadd.s32 $0xFFFFFA50, s17;
	v8 =	vld.idx.msk [tilespmem:v8+s2+$0x0], $0xffff;
	[tilespmem:s26+$0x0] =	vst v6  }
0x252: {  	s1 =	sadd.s32 $0xFFFFFF30, s17;
	v6 =	vadd.s32 s0, v2;
	[tilespmem:s26+$0xFFFFFFA0] =	vst v9  }
0x253: {  	v7 =	vadd.s32 s1, v2;
	vm0 =	vlt.s32 v6, $0xA27F;
	[tilespmem:s26+$0xFFFFFFB0] =	vst v3  }
0x254: {  	s25 =	sadd.s32 $0xFFFFFB20, s17;
	vm14 =	vlt.s32 v7, $0xA27F;
	v3 =	vadd.s32 s17, v2;
	v6 =	vnsel vm0, $0xA27F, v6;
	[tilespmem:s26+$0xFFFFFFD0] =	vst v5  }
0x255: {  	vm1 =	vlt.s32 v3, $0xA27F;
	v5 =	vnsel vm14, $0xA27F, v7;
	[tilespmem:s26+$0xFFFFFFE0] =	vst v4;
	v4 =	vadd.s32 s25, v2  }
0x256: {  	s31 =	simm.s32 $0x13100;
	s5 =	sadd.s32 $0xFFFFFBF0, s17;
	s7 =	sadd.s32 $0xFFFFFCC0, s17;
	[tilespmem:s26+$0xFFFFFFC0] =	vst v8;
	v3 =	vnsel vm1, $0xA27F, v3;
	vm15 =	vlt.s32 v4, $0xA27F  }
0x257: {  	v8 =	vadd.s32 s7, v2;
	v7 =	vadd.s32 s5, v2;
	s25 =	sadd.s32 $0xFFFFFD90, s17;
	s26 =	sadd.s32 $0xFFFFFE60, s17;
	s30 =	rddreg [dreg:$0xc];
	v4 =	vnsel vm15, $0xA27F, v4  }
0x258: {  	vm5 =	vlt.s32 v8, $0xA27F;
	vm4 =	vlt.s32 v7, $0xA27F;
	[hbm4b:s30+s2] =	stream.linear.scatter [tilespmem:s31], [sflag:$0x2], $0x1900, $0x38;
	[tilespmem:$0x1F900] =	vst v63  }
0x259: {  	v9 =	vadd.s32 s25, v2;
	v8 =	vnsel vm5, $0xA27F, v8;
	v10 =	vadd.s32 s26, v2;
	s26 =	sadd.s32 $0x680, s17;
	v6 =	vld.idx.msk [tilespmem:v6+s6+$0x0], $0xffff  }
0x25a: {  	v7 =	vnsel vm4, $0xA27F, v7;
	vm6 =	vlt.s32 v9, $0xA27F;
	s30 =	sadd.s32 $0xFFFFFA50, s26;
	v5 =	vld.idx.msk [tilespmem:v5+s6+$0x0], $0xffff  }
0x25b: {  	vm7 =	vlt.s32 v10, $0xA27F;
	v9 =	vnsel vm6, $0xA27F, v9;
	v11 =	vadd.s32 s30, v2;
	v3 =	vld.idx.msk [tilespmem:v3+s6+$0x0], $0xffff  }
0x25c: {  	v10 =	vnsel vm7, $0xA27F, v10;
	vm8 =	vlt.s32 v11, $0xA27F;
	v4 =	vld.idx.msk [tilespmem:v4+s6+$0x0], $0xffff  }
0x25d: {  	v11 =	vnsel vm8, $0xA27F, v11  }
0x25e: {  	v8 =	vld.idx.msk [tilespmem:v8+s6+$0x0], $0xffff;
	v6 =	vsub.s32 v6, v0  }
0x25f: {  	s31 =	sadd.s32 $0xFFFFFF30, s26;
	v7 =	vld.idx.msk [tilespmem:v7+s6+$0x0], $0xffff;
	v5 =	vsub.s32 v5, v0  }
0x260: {  	v12 =	vadd.s32 s31, v2;
	v13 =	vld.idx.msk [tilespmem:v9+s6+$0x0], $0xffff;
	v3 =	vsub.s32 v3, v0  }
0x261: {  	vm9 =	vlt.s32 v12, $0xA27F;
	v9 =	vadd.s32 s26, v2;
	v16 =	vld.idx.msk [tilespmem:v10+s6+$0x0], $0xffff;
	v4 =	vsub.s32 v4, v0  }
0x262: {  	v12 =	vnsel vm9, $0xA27F, v12;
	vm10 =	vlt.s32 v9, $0xA27F;
	v19 =	vld.idx.msk [tilespmem:v11+s6+$0x0], $0xffff  }
0x263: {  	s5 =	sadd.s32 $0xFFFFFB20, s26;
	v9 =	vnsel vm10, $0xA27F, v9;
	v6 =	vld.idx.msk [tilespmem:v6+s2+$0x0], $0xffff  }
0x264: {  	s7 =	sadd.s32 $0xFFFFFBF0, s26;
	v8 =	vsub.s32 v8, v0;
	v14 =	vld.idx.msk [tilespmem:v5+s2+$0x0], $0xffff;
	v5 =	vadd.s32 s5, v2  }
0x265: {  	s25 =	sadd.s32 $0xFFFFFCC0, s26;
	v20 =	vsub.s32 v7, v0;
	v15 =	vld.idx.msk [tilespmem:v3+s2+$0x0], $0xffff;
	v3 =	vadd.s32 s7, v2;
	vm11 =	vlt.s32 v5, $0xA27F  }
0x266: {  	vm12 =	vlt.s32 v3, $0xA27F;
	v17 =	vnsel vm11, $0xA27F, v5;
	v18 =	vld.idx.msk [tilespmem:v4+s2+$0x0], $0xffff;
	v4 =	vadd.s32 s25, v2  }
0x267: {  	v12 =	vld.idx.msk [tilespmem:v12+s6+$0x0], $0xffff;
	v3 =	vnsel vm12, $0xA27F, v3;
	vm13 =	vlt.s32 v4, $0xA27F  }
0x268: {  	s31 =	sadd.s32 $0xFFFFFD90, s26;
	v10 =	vld.idx.msk [tilespmem:v9+s6+$0x0], $0xffff;
	s25 =	simm.s32 $0x14AF0;
	v21 =	vnsel vm13, $0xA27F, v4  }
0x269: {  	v11 =	vsub.s32 v13, v0;
	v5 =	vld.idx.msk [tilespmem:v8+s2+$0x0], $0xffff;
	[tilespmem:s25+$0xFFFFFF90] =	vst v6;
	v4 =	vadd.s32 s31, v2  }
0x26a: {  	s30 =	sadd.s32 $0xFFFFFE60, s26;
	v6 =	vld.idx.msk [tilespmem:v20+s2+$0x0], $0xffff;
	vm14 =	vlt.s32 v4, $0xA27F;
	[tilespmem:s25+$0xFFFFFFF0] =	vst v14;
	v14 =	vsub.s32 v16, v0  }
0x26b: {  	v8 =	vadd.s32 s30, v2;
	v7 =	vnsel vm14, $0xA27F, v4;
	v9 =	vld.idx.msk [tilespmem:v17+s6+$0x0], $0xffff  }
0x26c: {  	v13 =	vsub.s32 v19, v0;
	vm15 =	vlt.s32 v8, $0xA27F;
	[tilespmem:s25+$0x0] =	vst v15;
	v3 =	vld.idx.msk [tilespmem:v3+s6+$0x0], $0xffff  }
0x26d: {  	s28 =	simm.s32 $0x8;
	s29 =	sadd.s32 $0x680, s26;
	s26 =	simm.s32 $0x14BF0;
	v12 =	vsub.s32 v12, v0;
	v4 =	vnsel vm15, $0xA27F, v8;
	[tilespmem:s25+$0xFFFFFFA0] =	vst v18;
	v8 =	vld.idx.msk [tilespmem:v21+s6+$0x0], $0xffff  }
.LBB2_16:
0x26e: {  	s0 =	sadd.s32 $0xFFFFFA50, s29;
	s1 =	sadd.s32 $0xFFFFFE60, s29;
	s5 =	sadd.s32 $0xFFFFFF30, s29;
	v15 =	vadd.s32 s29, v2;
	v10 =	vsub.s32 v10, v0;
	v11 =	vld.idx.msk [tilespmem:v11+s2+$0x0], $0xffff  }
0x26f: {  	s7 =	sadd.s32 $0xFFFFFD90, s29;
	s28 =	sadd.s32 $0x8, s28;
	v16 =	vadd.s32 s0, v2;
	s0 =	sadd.s32 $0xFFFFFB20, s29;
	v17 =	vadd.s32 s5, v2;
	vm0 =	vlt.s32 v15, $0xA27F;
	[tilespmem:s25+$0xFFFFFFC0] =	vst v5;
	v5 =	vld.idx.msk [tilespmem:v14+s2+$0x0], $0xffff  }
0x270: {  	p0 =	slt.u32 s28, $0xC0;
	v9 =	vsub.s32 v9, v0;
	vm1 =	vlt.s32 v16, $0xA27F;
	v14 =	vadd.s32 s0, v2;
	s0 =	sadd.s32 $0xFFFFFBF0, s29;
	v7 =	vld.idx.msk [tilespmem:v7+s6+$0x0], $0xffff  }
0x271: {  	v16 =	vnsel vm1, $0xA27F, v16;
	v18 =	vadd.s32 s0, v2;
	s0 =	sadd.s32 $0xFFFFFCC0, s29;
	vm1 =	vlt.s32 v17, $0xA27F;
	v13 =	vld.idx.msk [tilespmem:v13+s2+$0x0], $0xffff  }
0x272: {  	vm2 =	vlt.s32 v14, $0xA27F;
	vm3 =	vlt.s32 v18, $0xA27F;
	v17 =	vnsel vm1, $0xA27F, v17;
	v12 =	vld.idx.msk [tilespmem:v12+s2+$0x0], $0xffff;
	[tilespmem:s25+$0xFFFFFFB0] =	vst v6  }
0x273: {  	v15 =	vnsel vm0, $0xA27F, v15;
	v6 =	vnsel vm3, $0xA27F, v18;
	v18 =	vadd.s32 s0, v2;
	v19 =	vld.idx.msk [tilespmem:v10+s2+$0x0], $0xffff  }
0x274: {  	v14 =	vnsel vm2, $0xA27F, v14;
	v8 =	vsub.s32 v8, v0;
	vm0 =	vlt.s32 v18, $0xA27F;
	v20 =	vld.idx.msk [tilespmem:v4+s6+$0x0], $0xffff;
	[tilespmem:s25+$0xFFFFFFD0] =	vst v11  }
0x275: {  	v10 =	vadd.s32 s1, v2;
	v4 =	vadd.s32 s7, v2;
	v18 =	vnsel vm0, $0xA27F, v18;
	v21 =	vld.idx.msk [tilespmem:v9+s2+$0x0], $0xffff;
	[tilespmem:s25+$0xFFFFFFE0] =	vst v5;
	s25 =	smov.u32 s26  }
0x276: {  	vm1 =	vlt.s32 v10, $0xA27F;
	vm0 =	vlt.s32 v4, $0xA27F;
	v11 =	vsub.s32 v7, v0;
	v16 =	vld.idx.msk [tilespmem:v16+s6+$0x0], $0xffff  }
0x277: {  	v22 =	vsub.s32 v3, v0;
	v7 =	vnsel vm0, $0xA27F, v4;
	v4 =	vnsel vm1, $0xA27F, v10;
	v17 =	vld.idx.msk [tilespmem:v17+s6+$0x0], $0xffff;
	[tilespmem:s26+$0xFFFFFF90] =	vst v13  }
0x278: {  	v10 =	vld.idx.msk [tilespmem:v15+s6+$0x0], $0xffff;
	[tilespmem:s26+$0xFFFFFFF0] =	vst v12  }
.Ltmp7:
0x279: {  	v5 =	vld.idx.msk [tilespmem:v8+s2+$0x0], $0xffff;
	[tilespmem:s26+$0x0] =	vst v19;
	(pc) =	sbr.rel @p0 .LBB2_16-.Ltmp7, $4  }
0x27a: {  	v9 =	vld.idx.msk [tilespmem:v14+s6+$0x0], $0xffff;
	v14 =	vsub.s32 v20, v0  }
0x27b: {  	v3 =	vld.idx.msk [tilespmem:v6+s6+$0x0], $0xffff;
	[tilespmem:s26+$0xFFFFFFA0] =	vst v21  }
0x27c: {  	v13 =	vsub.s32 v16, v0;
	v6 =	vld.idx.msk [tilespmem:v22+s2+$0x0], $0xffff  }
0x27d: {  	s29 =	sadd.s32 $0x680, s29;
	s26 =	sadd.s32 $0x100, s26;
	v12 =	vsub.s32 v17, v0;
	v8 =	vld.idx.msk [tilespmem:v18+s6+$0x0], $0xffff  }
0x27e: {  	_ =	sdelay $0x3  }
0x27f: {  	v7 =	vld.idx.msk [tilespmem:v7+s6+$0x0], $0xffff  }
0x280: {  	v4 =	vld.idx.msk [tilespmem:v4+s6+$0x0], $0xffff  }
0x281: {  	v10 =	vsub.s32 v10, v0  }
0x282: {  	v11 =	vld.idx.msk [tilespmem:v11+s2+$0x0], $0xffff;
	v9 =	vsub.s32 v9, v0  }
0x283: {  	v14 =	vld.idx.msk [tilespmem:v14+s2+$0x0], $0xffff;
	v3 =	vsub.s32 v3, v0  }
0x284: {  	[tilespmem:s25+$0xFFFFFFC0] =	vst v5;
	v5 =	vld.idx.msk [tilespmem:v12+s2+$0x0], $0xffff;
	v7 =	vsub.s32 v7, v0  }
0x285: {  	v13 =	vld.idx.msk [tilespmem:v13+s2+$0x0], $0xffff;
	v4 =	vsub.s32 v4, v0  }
0x286: {  	[tilespmem:s25+$0xFFFFFFB0] =	vst v6;
	v8 =	vsub.s32 v8, v0;
	v6 =	vld.idx.msk [tilespmem:v10+s2+$0x0], $0xffff  }
0x287: {  	[tilespmem:s25+$0xFFFFFFD0] =	vst v11;
	v9 =	vld.idx.msk [tilespmem:v9+s2+$0x0], $0xffff  }
0x288: {  	[tilespmem:s25+$0xFFFFFFE0] =	vst v14;
	v3 =	vld.idx.msk [tilespmem:v3+s2+$0x0], $0xffff  }
0x289: {  	[tilespmem:s26+$0xFFFFFFF0] =	vst v5;
	v5 =	vld.idx.msk [tilespmem:v7+s2+$0x0], $0xffff  }
0x28a: {  	[tilespmem:s26+$0xFFFFFF90] =	vst v13;
	v4 =	vld.idx.msk [tilespmem:v4+s2+$0x0], $0xffff  }
0x28b: {  	s0 =	sadd.s32 $0xFFFFFA50, s18;
	v8 =	vld.idx.msk [tilespmem:v8+s2+$0x0], $0xffff;
	[tilespmem:s26+$0x0] =	vst v6  }
0x28c: {  	s1 =	sadd.s32 $0xFFFFFF30, s18;
	v6 =	vadd.s32 s0, v2;
	[tilespmem:s26+$0xFFFFFFA0] =	vst v9  }
0x28d: {  	v7 =	vadd.s32 s1, v2;
	vm0 =	vlt.s32 v6, $0xA27F;
	[tilespmem:s26+$0xFFFFFFB0] =	vst v3  }
0x28e: {  	s25 =	sadd.s32 $0xFFFFFB20, s18;
	vm14 =	vlt.s32 v7, $0xA27F;
	v3 =	vadd.s32 s18, v2;
	v6 =	vnsel vm0, $0xA27F, v6;
	[tilespmem:s26+$0xFFFFFFD0] =	vst v5  }
0x28f: {  	vm1 =	vlt.s32 v3, $0xA27F;
	v5 =	vnsel vm14, $0xA27F, v7;
	[tilespmem:s26+$0xFFFFFFE0] =	vst v4;
	v4 =	vadd.s32 s25, v2  }
0x290: {  	s31 =	simm.s32 $0x14A00;
	s5 =	sadd.s32 $0xFFFFFBF0, s18;
	s7 =	sadd.s32 $0xFFFFFCC0, s18;
	[tilespmem:s26+$0xFFFFFFC0] =	vst v8;
	v3 =	vnsel vm1, $0xA27F, v3;
	vm15 =	vlt.s32 v4, $0xA27F  }
0x291: {  	v8 =	vadd.s32 s7, v2;
	v7 =	vadd.s32 s5, v2;
	s25 =	sadd.s32 $0xFFFFFD90, s18;
	s26 =	sadd.s32 $0xFFFFFE60, s18;
	s30 =	rddreg [dreg:$0xd];
	v4 =	vnsel vm15, $0xA27F, v4  }
0x292: {  	vm5 =	vlt.s32 v8, $0xA27F;
	vm4 =	vlt.s32 v7, $0xA27F;
	[hbm4b:s30+s2] =	stream.linear.scatter [tilespmem:s31], [sflag:$0x2], $0x1900, $0x38;
	[tilespmem:$0x1F900] =	vst v63  }
0x293: {  	v9 =	vadd.s32 s25, v2;
	v8 =	vnsel vm5, $0xA27F, v8;
	v10 =	vadd.s32 s26, v2;
	s26 =	sadd.s32 $0x680, s18;
	v6 =	vld.idx.msk [tilespmem:v6+s6+$0x0], $0xffff  }
0x294: {  	v7 =	vnsel vm4, $0xA27F, v7;
	vm6 =	vlt.s32 v9, $0xA27F;
	s30 =	sadd.s32 $0xFFFFFA50, s26;
	v5 =	vld.idx.msk [tilespmem:v5+s6+$0x0], $0xffff  }
0x295: {  	vm7 =	vlt.s32 v10, $0xA27F;
	v9 =	vnsel vm6, $0xA27F, v9;
	v11 =	vadd.s32 s30, v2;
	v3 =	vld.idx.msk [tilespmem:v3+s6+$0x0], $0xffff  }
0x296: {  	v10 =	vnsel vm7, $0xA27F, v10;
	vm8 =	vlt.s32 v11, $0xA27F;
	v4 =	vld.idx.msk [tilespmem:v4+s6+$0x0], $0xffff  }
0x297: {  	v11 =	vnsel vm8, $0xA27F, v11  }
0x298: {  	v8 =	vld.idx.msk [tilespmem:v8+s6+$0x0], $0xffff;
	v6 =	vsub.s32 v6, v0  }
0x299: {  	s31 =	sadd.s32 $0xFFFFFF30, s26;
	v7 =	vld.idx.msk [tilespmem:v7+s6+$0x0], $0xffff;
	v5 =	vsub.s32 v5, v0  }
0x29a: {  	v12 =	vadd.s32 s31, v2;
	v13 =	vld.idx.msk [tilespmem:v9+s6+$0x0], $0xffff;
	v3 =	vsub.s32 v3, v0  }
0x29b: {  	vm9 =	vlt.s32 v12, $0xA27F;
	v9 =	vadd.s32 s26, v2;
	v16 =	vld.idx.msk [tilespmem:v10+s6+$0x0], $0xffff;
	v4 =	vsub.s32 v4, v0  }
0x29c: {  	v12 =	vnsel vm9, $0xA27F, v12;
	vm10 =	vlt.s32 v9, $0xA27F;
	v19 =	vld.idx.msk [tilespmem:v11+s6+$0x0], $0xffff  }
0x29d: {  	s5 =	sadd.s32 $0xFFFFFB20, s26;
	v9 =	vnsel vm10, $0xA27F, v9;
	v6 =	vld.idx.msk [tilespmem:v6+s2+$0x0], $0xffff  }
0x29e: {  	s7 =	sadd.s32 $0xFFFFFBF0, s26;
	v8 =	vsub.s32 v8, v0;
	v14 =	vld.idx.msk [tilespmem:v5+s2+$0x0], $0xffff;
	v5 =	vadd.s32 s5, v2  }
0x29f: {  	s25 =	sadd.s32 $0xFFFFFCC0, s26;
	v20 =	vsub.s32 v7, v0;
	v15 =	vld.idx.msk [tilespmem:v3+s2+$0x0], $0xffff;
	v3 =	vadd.s32 s7, v2;
	vm11 =	vlt.s32 v5, $0xA27F  }
0x2a0: {  	vm12 =	vlt.s32 v3, $0xA27F;
	v17 =	vnsel vm11, $0xA27F, v5;
	v18 =	vld.idx.msk [tilespmem:v4+s2+$0x0], $0xffff;
	v4 =	vadd.s32 s25, v2  }
0x2a1: {  	v12 =	vld.idx.msk [tilespmem:v12+s6+$0x0], $0xffff;
	v3 =	vnsel vm12, $0xA27F, v3;
	vm13 =	vlt.s32 v4, $0xA27F  }
0x2a2: {  	s31 =	sadd.s32 $0xFFFFFD90, s26;
	v10 =	vld.idx.msk [tilespmem:v9+s6+$0x0], $0xffff;
	s25 =	simm.s32 $0x163F0;
	v21 =	vnsel vm13, $0xA27F, v4  }
0x2a3: {  	v11 =	vsub.s32 v13, v0;
	v5 =	vld.idx.msk [tilespmem:v8+s2+$0x0], $0xffff;
	[tilespmem:s25+$0xFFFFFF90] =	vst v6;
	v4 =	vadd.s32 s31, v2  }
0x2a4: {  	s30 =	sadd.s32 $0xFFFFFE60, s26;
	v6 =	vld.idx.msk [tilespmem:v20+s2+$0x0], $0xffff;
	vm14 =	vlt.s32 v4, $0xA27F;
	[tilespmem:s25+$0xFFFFFFF0] =	vst v14;
	v14 =	vsub.s32 v16, v0  }
0x2a5: {  	v8 =	vadd.s32 s30, v2;
	v7 =	vnsel vm14, $0xA27F, v4;
	v9 =	vld.idx.msk [tilespmem:v17+s6+$0x0], $0xffff  }
0x2a6: {  	v13 =	vsub.s32 v19, v0;
	vm15 =	vlt.s32 v8, $0xA27F;
	[tilespmem:s25+$0x0] =	vst v15;
	v3 =	vld.idx.msk [tilespmem:v3+s6+$0x0], $0xffff  }
0x2a7: {  	s28 =	simm.s32 $0x8;
	s29 =	sadd.s32 $0x680, s26;
	s26 =	simm.s32 $0x164F0;
	v12 =	vsub.s32 v12, v0;
	v4 =	vnsel vm15, $0xA27F, v8;
	[tilespmem:s25+$0xFFFFFFA0] =	vst v18;
	v8 =	vld.idx.msk [tilespmem:v21+s6+$0x0], $0xffff  }
.LBB2_18:
0x2a8: {  	s0 =	sadd.s32 $0xFFFFFA50, s29;
	s1 =	sadd.s32 $0xFFFFFE60, s29;
	s5 =	sadd.s32 $0xFFFFFF30, s29;
	v15 =	vadd.s32 s29, v2;
	v10 =	vsub.s32 v10, v0;
	v11 =	vld.idx.msk [tilespmem:v11+s2+$0x0], $0xffff  }
0x2a9: {  	s7 =	sadd.s32 $0xFFFFFD90, s29;
	s28 =	sadd.s32 $0x8, s28;
	v16 =	vadd.s32 s0, v2;
	s0 =	sadd.s32 $0xFFFFFB20, s29;
	v17 =	vadd.s32 s5, v2;
	vm0 =	vlt.s32 v15, $0xA27F;
	[tilespmem:s25+$0xFFFFFFC0] =	vst v5;
	v5 =	vld.idx.msk [tilespmem:v14+s2+$0x0], $0xffff  }
0x2aa: {  	p0 =	slt.u32 s28, $0xC0;
	v9 =	vsub.s32 v9, v0;
	vm1 =	vlt.s32 v16, $0xA27F;
	v14 =	vadd.s32 s0, v2;
	s0 =	sadd.s32 $0xFFFFFBF0, s29;
	v7 =	vld.idx.msk [tilespmem:v7+s6+$0x0], $0xffff  }
0x2ab: {  	v16 =	vnsel vm1, $0xA27F, v16;
	v18 =	vadd.s32 s0, v2;
	s0 =	sadd.s32 $0xFFFFFCC0, s29;
	vm1 =	vlt.s32 v17, $0xA27F;
	v13 =	vld.idx.msk [tilespmem:v13+s2+$0x0], $0xffff  }
0x2ac: {  	vm2 =	vlt.s32 v14, $0xA27F;
	vm3 =	vlt.s32 v18, $0xA27F;
	v17 =	vnsel vm1, $0xA27F, v17;
	v12 =	vld.idx.msk [tilespmem:v12+s2+$0x0], $0xffff;
	[tilespmem:s25+$0xFFFFFFB0] =	vst v6  }
0x2ad: {  	v15 =	vnsel vm0, $0xA27F, v15;
	v6 =	vnsel vm3, $0xA27F, v18;
	v18 =	vadd.s32 s0, v2;
	v19 =	vld.idx.msk [tilespmem:v10+s2+$0x0], $0xffff  }
0x2ae: {  	v14 =	vnsel vm2, $0xA27F, v14;
	v8 =	vsub.s32 v8, v0;
	vm0 =	vlt.s32 v18, $0xA27F;
	v20 =	vld.idx.msk [tilespmem:v4+s6+$0x0], $0xffff;
	[tilespmem:s25+$0xFFFFFFD0] =	vst v11  }
0x2af: {  	v10 =	vadd.s32 s1, v2;
	v4 =	vadd.s32 s7, v2;
	v18 =	vnsel vm0, $0xA27F, v18;
	v21 =	vld.idx.msk [tilespmem:v9+s2+$0x0], $0xffff;
	[tilespmem:s25+$0xFFFFFFE0] =	vst v5;
	s25 =	smov.u32 s26  }
0x2b0: {  	vm1 =	vlt.s32 v10, $0xA27F;
	vm0 =	vlt.s32 v4, $0xA27F;
	v11 =	vsub.s32 v7, v0;
	v16 =	vld.idx.msk [tilespmem:v16+s6+$0x0], $0xffff  }
0x2b1: {  	v22 =	vsub.s32 v3, v0;
	v7 =	vnsel vm0, $0xA27F, v4;
	v4 =	vnsel vm1, $0xA27F, v10;
	v17 =	vld.idx.msk [tilespmem:v17+s6+$0x0], $0xffff;
	[tilespmem:s26+$0xFFFFFF90] =	vst v13  }
0x2b2: {  	v10 =	vld.idx.msk [tilespmem:v15+s6+$0x0], $0xffff;
	[tilespmem:s26+$0xFFFFFFF0] =	vst v12  }
.Ltmp8:
0x2b3: {  	v5 =	vld.idx.msk [tilespmem:v8+s2+$0x0], $0xffff;
	[tilespmem:s26+$0x0] =	vst v19;
	(pc) =	sbr.rel @p0 .LBB2_18-.Ltmp8, $4  }
0x2b4: {  	v9 =	vld.idx.msk [tilespmem:v14+s6+$0x0], $0xffff;
	v14 =	vsub.s32 v20, v0  }
0x2b5: {  	v3 =	vld.idx.msk [tilespmem:v6+s6+$0x0], $0xffff;
	[tilespmem:s26+$0xFFFFFFA0] =	vst v21  }
0x2b6: {  	v13 =	vsub.s32 v16, v0;
	v6 =	vld.idx.msk [tilespmem:v22+s2+$0x0], $0xffff  }
0x2b7: {  	s29 =	sadd.s32 $0x680, s29;
	s26 =	sadd.s32 $0x100, s26;
	v12 =	vsub.s32 v17, v0;
	v8 =	vld.idx.msk [tilespmem:v18+s6+$0x0], $0xffff  }
0x2b8: {  	_ =	sdelay $0x3  }
0x2b9: {  	v7 =	vld.idx.msk [tilespmem:v7+s6+$0x0], $0xffff  }
0x2ba: {  	v4 =	vld.idx.msk [tilespmem:v4+s6+$0x0], $0xffff  }
0x2bb: {  	v10 =	vsub.s32 v10, v0  }
0x2bc: {  	v11 =	vld.idx.msk [tilespmem:v11+s2+$0x0], $0xffff;
	v9 =	vsub.s32 v9, v0  }
0x2bd: {  	v14 =	vld.idx.msk [tilespmem:v14+s2+$0x0], $0xffff;
	v3 =	vsub.s32 v3, v0  }
0x2be: {  	[tilespmem:s25+$0xFFFFFFC0] =	vst v5;
	v5 =	vld.idx.msk [tilespmem:v12+s2+$0x0], $0xffff;
	v7 =	vsub.s32 v7, v0  }
0x2bf: {  	v13 =	vld.idx.msk [tilespmem:v13+s2+$0x0], $0xffff;
	v4 =	vsub.s32 v4, v0  }
0x2c0: {  	[tilespmem:s25+$0xFFFFFFB0] =	vst v6;
	v8 =	vsub.s32 v8, v0;
	v6 =	vld.idx.msk [tilespmem:v10+s2+$0x0], $0xffff  }
0x2c1: {  	[tilespmem:s25+$0xFFFFFFD0] =	vst v11;
	v9 =	vld.idx.msk [tilespmem:v9+s2+$0x0], $0xffff  }
0x2c2: {  	[tilespmem:s25+$0xFFFFFFE0] =	vst v14;
	v3 =	vld.idx.msk [tilespmem:v3+s2+$0x0], $0xffff  }
0x2c3: {  	[tilespmem:s26+$0xFFFFFFF0] =	vst v5;
	v5 =	vld.idx.msk [tilespmem:v7+s2+$0x0], $0xffff  }
0x2c4: {  	[tilespmem:s26+$0xFFFFFF90] =	vst v13;
	v4 =	vld.idx.msk [tilespmem:v4+s2+$0x0], $0xffff  }
0x2c5: {  	s0 =	sadd.s32 $0xFFFFFA50, s19;
	v8 =	vld.idx.msk [tilespmem:v8+s2+$0x0], $0xffff;
	[tilespmem:s26+$0x0] =	vst v6  }
0x2c6: {  	s1 =	sadd.s32 $0xFFFFFF30, s19;
	v6 =	vadd.s32 s0, v2;
	[tilespmem:s26+$0xFFFFFFA0] =	vst v9  }
0x2c7: {  	v7 =	vadd.s32 s1, v2;
	vm0 =	vlt.s32 v6, $0xA27F;
	[tilespmem:s26+$0xFFFFFFB0] =	vst v3  }
0x2c8: {  	s25 =	sadd.s32 $0xFFFFFB20, s19;
	vm14 =	vlt.s32 v7, $0xA27F;
	v3 =	vadd.s32 s19, v2;
	v6 =	vnsel vm0, $0xA27F, v6;
	[tilespmem:s26+$0xFFFFFFD0] =	vst v5  }
0x2c9: {  	vm1 =	vlt.s32 v3, $0xA27F;
	v5 =	vnsel vm14, $0xA27F, v7;
	[tilespmem:s26+$0xFFFFFFE0] =	vst v4;
	v4 =	vadd.s32 s25, v2  }
0x2ca: {  	s31 =	simm.s32 $0x16300;
	s5 =	sadd.s32 $0xFFFFFBF0, s19;
	s7 =	sadd.s32 $0xFFFFFCC0, s19;
	[tilespmem:s26+$0xFFFFFFC0] =	vst v8;
	v3 =	vnsel vm1, $0xA27F, v3;
	vm15 =	vlt.s32 v4, $0xA27F  }
0x2cb: {  	v8 =	vadd.s32 s7, v2;
	v7 =	vadd.s32 s5, v2;
	s25 =	sadd.s32 $0xFFFFFD90, s19;
	s26 =	sadd.s32 $0xFFFFFE60, s19;
	s30 =	rddreg [dreg:$0xe];
	v4 =	vnsel vm15, $0xA27F, v4  }
0x2cc: {  	vm5 =	vlt.s32 v8, $0xA27F;
	vm4 =	vlt.s32 v7, $0xA27F;
	[hbm4b:s30+s2] =	stream.linear.scatter [tilespmem:s31], [sflag:$0x2], $0x1900, $0x38;
	[tilespmem:$0x1F900] =	vst v63  }
0x2cd: {  	v9 =	vadd.s32 s25, v2;
	v8 =	vnsel vm5, $0xA27F, v8;
	v10 =	vadd.s32 s26, v2;
	s26 =	sadd.s32 $0x680, s19;
	v6 =	vld.idx.msk [tilespmem:v6+s6+$0x0], $0xffff  }
0x2ce: {  	v7 =	vnsel vm4, $0xA27F, v7;
	vm6 =	vlt.s32 v9, $0xA27F;
	s30 =	sadd.s32 $0xFFFFFA50, s26;
	v5 =	vld.idx.msk [tilespmem:v5+s6+$0x0], $0xffff  }
0x2cf: {  	vm7 =	vlt.s32 v10, $0xA27F;
	v9 =	vnsel vm6, $0xA27F, v9;
	v11 =	vadd.s32 s30, v2;
	v3 =	vld.idx.msk [tilespmem:v3+s6+$0x0], $0xffff  }
0x2d0: {  	v10 =	vnsel vm7, $0xA27F, v10;
	vm8 =	vlt.s32 v11, $0xA27F;
	v4 =	vld.idx.msk [tilespmem:v4+s6+$0x0], $0xffff  }
0x2d1: {  	v11 =	vnsel vm8, $0xA27F, v11  }
0x2d2: {  	v8 =	vld.idx.msk [tilespmem:v8+s6+$0x0], $0xffff;
	v6 =	vsub.s32 v6, v0  }
0x2d3: {  	s31 =	sadd.s32 $0xFFFFFF30, s26;
	v7 =	vld.idx.msk [tilespmem:v7+s6+$0x0], $0xffff;
	v5 =	vsub.s32 v5, v0  }
0x2d4: {  	v12 =	vadd.s32 s31, v2;
	v13 =	vld.idx.msk [tilespmem:v9+s6+$0x0], $0xffff;
	v3 =	vsub.s32 v3, v0  }
0x2d5: {  	vm9 =	vlt.s32 v12, $0xA27F;
	v9 =	vadd.s32 s26, v2;
	v16 =	vld.idx.msk [tilespmem:v10+s6+$0x0], $0xffff;
	v4 =	vsub.s32 v4, v0  }
0x2d6: {  	v12 =	vnsel vm9, $0xA27F, v12;
	vm10 =	vlt.s32 v9, $0xA27F;
	v19 =	vld.idx.msk [tilespmem:v11+s6+$0x0], $0xffff  }
0x2d7: {  	s5 =	sadd.s32 $0xFFFFFB20, s26;
	v9 =	vnsel vm10, $0xA27F, v9;
	v6 =	vld.idx.msk [tilespmem:v6+s2+$0x0], $0xffff  }
0x2d8: {  	s7 =	sadd.s32 $0xFFFFFBF0, s26;
	v8 =	vsub.s32 v8, v0;
	v14 =	vld.idx.msk [tilespmem:v5+s2+$0x0], $0xffff;
	v5 =	vadd.s32 s5, v2  }
0x2d9: {  	s25 =	sadd.s32 $0xFFFFFCC0, s26;
	v20 =	vsub.s32 v7, v0;
	v15 =	vld.idx.msk [tilespmem:v3+s2+$0x0], $0xffff;
	v3 =	vadd.s32 s7, v2;
	vm11 =	vlt.s32 v5, $0xA27F  }
0x2da: {  	vm12 =	vlt.s32 v3, $0xA27F;
	v17 =	vnsel vm11, $0xA27F, v5;
	v18 =	vld.idx.msk [tilespmem:v4+s2+$0x0], $0xffff;
	v4 =	vadd.s32 s25, v2  }
0x2db: {  	v12 =	vld.idx.msk [tilespmem:v12+s6+$0x0], $0xffff;
	v3 =	vnsel vm12, $0xA27F, v3;
	vm13 =	vlt.s32 v4, $0xA27F  }
0x2dc: {  	s31 =	sadd.s32 $0xFFFFFD90, s26;
	v10 =	vld.idx.msk [tilespmem:v9+s6+$0x0], $0xffff;
	s25 =	simm.s32 $0x17CF0;
	v21 =	vnsel vm13, $0xA27F, v4  }
0x2dd: {  	v11 =	vsub.s32 v13, v0;
	v5 =	vld.idx.msk [tilespmem:v8+s2+$0x0], $0xffff;
	[tilespmem:s25+$0xFFFFFF90] =	vst v6;
	v4 =	vadd.s32 s31, v2  }
0x2de: {  	s30 =	sadd.s32 $0xFFFFFE60, s26;
	v6 =	vld.idx.msk [tilespmem:v20+s2+$0x0], $0xffff;
	vm14 =	vlt.s32 v4, $0xA27F;
	[tilespmem:s25+$0xFFFFFFF0] =	vst v14;
	v14 =	vsub.s32 v16, v0  }
0x2df: {  	v8 =	vadd.s32 s30, v2;
	v7 =	vnsel vm14, $0xA27F, v4;
	v9 =	vld.idx.msk [tilespmem:v17+s6+$0x0], $0xffff  }
0x2e0: {  	v13 =	vsub.s32 v19, v0;
	vm15 =	vlt.s32 v8, $0xA27F;
	[tilespmem:s25+$0x0] =	vst v15;
	v3 =	vld.idx.msk [tilespmem:v3+s6+$0x0], $0xffff  }
0x2e1: {  	s28 =	simm.s32 $0x8;
	s29 =	sadd.s32 $0x680, s26;
	s26 =	simm.s32 $0x17DF0;
	v12 =	vsub.s32 v12, v0;
	v4 =	vnsel vm15, $0xA27F, v8;
	[tilespmem:s25+$0xFFFFFFA0] =	vst v18;
	v8 =	vld.idx.msk [tilespmem:v21+s6+$0x0], $0xffff  }
.LBB2_20:
0x2e2: {  	s0 =	sadd.s32 $0xFFFFFA50, s29;
	s1 =	sadd.s32 $0xFFFFFE60, s29;
	s5 =	sadd.s32 $0xFFFFFF30, s29;
	v15 =	vadd.s32 s29, v2;
	v10 =	vsub.s32 v10, v0;
	v11 =	vld.idx.msk [tilespmem:v11+s2+$0x0], $0xffff  }
0x2e3: {  	s7 =	sadd.s32 $0xFFFFFD90, s29;
	s28 =	sadd.s32 $0x8, s28;
	v16 =	vadd.s32 s0, v2;
	s0 =	sadd.s32 $0xFFFFFB20, s29;
	v17 =	vadd.s32 s5, v2;
	vm0 =	vlt.s32 v15, $0xA27F;
	[tilespmem:s25+$0xFFFFFFC0] =	vst v5;
	v5 =	vld.idx.msk [tilespmem:v14+s2+$0x0], $0xffff  }
0x2e4: {  	p0 =	slt.u32 s28, $0xC0;
	v9 =	vsub.s32 v9, v0;
	vm1 =	vlt.s32 v16, $0xA27F;
	v14 =	vadd.s32 s0, v2;
	s0 =	sadd.s32 $0xFFFFFBF0, s29;
	v7 =	vld.idx.msk [tilespmem:v7+s6+$0x0], $0xffff  }
0x2e5: {  	v16 =	vnsel vm1, $0xA27F, v16;
	v18 =	vadd.s32 s0, v2;
	s0 =	sadd.s32 $0xFFFFFCC0, s29;
	vm1 =	vlt.s32 v17, $0xA27F;
	v13 =	vld.idx.msk [tilespmem:v13+s2+$0x0], $0xffff  }
0x2e6: {  	vm2 =	vlt.s32 v14, $0xA27F;
	vm3 =	vlt.s32 v18, $0xA27F;
	v17 =	vnsel vm1, $0xA27F, v17;
	v12 =	vld.idx.msk [tilespmem:v12+s2+$0x0], $0xffff;
	[tilespmem:s25+$0xFFFFFFB0] =	vst v6  }
0x2e7: {  	v15 =	vnsel vm0, $0xA27F, v15;
	v6 =	vnsel vm3, $0xA27F, v18;
	v18 =	vadd.s32 s0, v2;
	v19 =	vld.idx.msk [tilespmem:v10+s2+$0x0], $0xffff  }
0x2e8: {  	v14 =	vnsel vm2, $0xA27F, v14;
	v8 =	vsub.s32 v8, v0;
	vm0 =	vlt.s32 v18, $0xA27F;
	v20 =	vld.idx.msk [tilespmem:v4+s6+$0x0], $0xffff;
	[tilespmem:s25+$0xFFFFFFD0] =	vst v11  }
0x2e9: {  	v10 =	vadd.s32 s1, v2;
	v4 =	vadd.s32 s7, v2;
	v18 =	vnsel vm0, $0xA27F, v18;
	v21 =	vld.idx.msk [tilespmem:v9+s2+$0x0], $0xffff;
	[tilespmem:s25+$0xFFFFFFE0] =	vst v5;
	s25 =	smov.u32 s26  }
0x2ea: {  	vm1 =	vlt.s32 v10, $0xA27F;
	vm0 =	vlt.s32 v4, $0xA27F;
	v11 =	vsub.s32 v7, v0;
	v16 =	vld.idx.msk [tilespmem:v16+s6+$0x0], $0xffff  }
0x2eb: {  	v22 =	vsub.s32 v3, v0;
	v7 =	vnsel vm0, $0xA27F, v4;
	v4 =	vnsel vm1, $0xA27F, v10;
	v17 =	vld.idx.msk [tilespmem:v17+s6+$0x0], $0xffff;
	[tilespmem:s26+$0xFFFFFF90] =	vst v13  }
0x2ec: {  	v10 =	vld.idx.msk [tilespmem:v15+s6+$0x0], $0xffff;
	[tilespmem:s26+$0xFFFFFFF0] =	vst v12  }
.Ltmp9:
0x2ed: {  	v5 =	vld.idx.msk [tilespmem:v8+s2+$0x0], $0xffff;
	[tilespmem:s26+$0x0] =	vst v19;
	(pc) =	sbr.rel @p0 .LBB2_20-.Ltmp9, $4  }
0x2ee: {  	v9 =	vld.idx.msk [tilespmem:v14+s6+$0x0], $0xffff;
	v14 =	vsub.s32 v20, v0  }
0x2ef: {  	v3 =	vld.idx.msk [tilespmem:v6+s6+$0x0], $0xffff;
	[tilespmem:s26+$0xFFFFFFA0] =	vst v21  }
0x2f0: {  	v13 =	vsub.s32 v16, v0;
	v6 =	vld.idx.msk [tilespmem:v22+s2+$0x0], $0xffff  }
0x2f1: {  	s29 =	sadd.s32 $0x680, s29;
	s26 =	sadd.s32 $0x100, s26;
	v12 =	vsub.s32 v17, v0;
	v8 =	vld.idx.msk [tilespmem:v18+s6+$0x0], $0xffff  }
0x2f2: {  	_ =	sdelay $0x3  }
0x2f3: {  	v7 =	vld.idx.msk [tilespmem:v7+s6+$0x0], $0xffff  }
0x2f4: {  	v4 =	vld.idx.msk [tilespmem:v4+s6+$0x0], $0xffff  }
0x2f5: {  	v10 =	vsub.s32 v10, v0  }
0x2f6: {  	v11 =	vld.idx.msk [tilespmem:v11+s2+$0x0], $0xffff;
	v9 =	vsub.s32 v9, v0  }
0x2f7: {  	v14 =	vld.idx.msk [tilespmem:v14+s2+$0x0], $0xffff;
	v3 =	vsub.s32 v3, v0  }
0x2f8: {  	[tilespmem:s25+$0xFFFFFFC0] =	vst v5;
	v5 =	vld.idx.msk [tilespmem:v12+s2+$0x0], $0xffff;
	v7 =	vsub.s32 v7, v0  }
0x2f9: {  	v13 =	vld.idx.msk [tilespmem:v13+s2+$0x0], $0xffff;
	v4 =	vsub.s32 v4, v0  }
0x2fa: {  	[tilespmem:s25+$0xFFFFFFB0] =	vst v6;
	v8 =	vsub.s32 v8, v0;
	v6 =	vld.idx.msk [tilespmem:v10+s2+$0x0], $0xffff  }
0x2fb: {  	[tilespmem:s25+$0xFFFFFFD0] =	vst v11;
	v9 =	vld.idx.msk [tilespmem:v9+s2+$0x0], $0xffff  }
0x2fc: {  	[tilespmem:s25+$0xFFFFFFE0] =	vst v14;
	v3 =	vld.idx.msk [tilespmem:v3+s2+$0x0], $0xffff  }
0x2fd: {  	[tilespmem:s26+$0xFFFFFFF0] =	vst v5;
	v5 =	vld.idx.msk [tilespmem:v7+s2+$0x0], $0xffff  }
0x2fe: {  	[tilespmem:s26+$0xFFFFFF90] =	vst v13;
	v4 =	vld.idx.msk [tilespmem:v4+s2+$0x0], $0xffff  }
0x2ff: {  	s0 =	sadd.s32 $0xFFFFFA50, s20;
	v8 =	vld.idx.msk [tilespmem:v8+s2+$0x0], $0xffff;
	[tilespmem:s26+$0x0] =	vst v6  }
0x300: {  	s1 =	sadd.s32 $0xFFFFFF30, s20;
	v6 =	vadd.s32 s0, v2;
	[tilespmem:s26+$0xFFFFFFA0] =	vst v9  }
0x301: {  	v7 =	vadd.s32 s1, v2;
	vm0 =	vlt.s32 v6, $0xA27F;
	[tilespmem:s26+$0xFFFFFFB0] =	vst v3  }
0x302: {  	s25 =	sadd.s32 $0xFFFFFB20, s20;
	vm14 =	vlt.s32 v7, $0xA27F;
	v3 =	vadd.s32 s20, v2;
	v6 =	vnsel vm0, $0xA27F, v6;
	[tilespmem:s26+$0xFFFFFFD0] =	vst v5  }
0x303: {  	vm1 =	vlt.s32 v3, $0xA27F;
	v5 =	vnsel vm14, $0xA27F, v7;
	[tilespmem:s26+$0xFFFFFFE0] =	vst v4;
	v4 =	vadd.s32 s25, v2  }
0x304: {  	s31 =	simm.s32 $0x17C00;
	s5 =	sadd.s32 $0xFFFFFBF0, s20;
	s7 =	sadd.s32 $0xFFFFFCC0, s20;
	[tilespmem:s26+$0xFFFFFFC0] =	vst v8;
	v3 =	vnsel vm1, $0xA27F, v3;
	vm15 =	vlt.s32 v4, $0xA27F  }
0x305: {  	v8 =	vadd.s32 s7, v2;
	v7 =	vadd.s32 s5, v2;
	s25 =	sadd.s32 $0xFFFFFD90, s20;
	s26 =	sadd.s32 $0xFFFFFE60, s20;
	s30 =	rddreg [dreg:$0xf];
	v4 =	vnsel vm15, $0xA27F, v4  }
0x306: {  	vm5 =	vlt.s32 v8, $0xA27F;
	vm4 =	vlt.s32 v7, $0xA27F;
	[hbm4b:s30+s2] =	stream.linear.scatter [tilespmem:s31], [sflag:$0x2], $0x1900, $0x38;
	[tilespmem:$0x1F900] =	vst v63  }
0x307: {  	v9 =	vadd.s32 s25, v2;
	v8 =	vnsel vm5, $0xA27F, v8;
	v10 =	vadd.s32 s26, v2;
	s26 =	sadd.s32 $0x680, s20;
	v6 =	vld.idx.msk [tilespmem:v6+s6+$0x0], $0xffff  }
0x308: {  	v7 =	vnsel vm4, $0xA27F, v7;
	vm6 =	vlt.s32 v9, $0xA27F;
	s30 =	sadd.s32 $0xFFFFFA50, s26;
	v5 =	vld.idx.msk [tilespmem:v5+s6+$0x0], $0xffff  }
0x309: {  	vm7 =	vlt.s32 v10, $0xA27F;
	v9 =	vnsel vm6, $0xA27F, v9;
	v11 =	vadd.s32 s30, v2;
	v3 =	vld.idx.msk [tilespmem:v3+s6+$0x0], $0xffff  }
0x30a: {  	v10 =	vnsel vm7, $0xA27F, v10;
	vm8 =	vlt.s32 v11, $0xA27F;
	v4 =	vld.idx.msk [tilespmem:v4+s6+$0x0], $0xffff  }
0x30b: {  	v11 =	vnsel vm8, $0xA27F, v11  }
0x30c: {  	v8 =	vld.idx.msk [tilespmem:v8+s6+$0x0], $0xffff;
	v6 =	vsub.s32 v6, v0  }
0x30d: {  	s31 =	sadd.s32 $0xFFFFFF30, s26;
	v7 =	vld.idx.msk [tilespmem:v7+s6+$0x0], $0xffff;
	v5 =	vsub.s32 v5, v0  }
0x30e: {  	v12 =	vadd.s32 s31, v2;
	v13 =	vld.idx.msk [tilespmem:v9+s6+$0x0], $0xffff;
	v3 =	vsub.s32 v3, v0  }
0x30f: {  	vm9 =	vlt.s32 v12, $0xA27F;
	v9 =	vadd.s32 s26, v2;
	v16 =	vld.idx.msk [tilespmem:v10+s6+$0x0], $0xffff;
	v4 =	vsub.s32 v4, v0  }
0x310: {  	v12 =	vnsel vm9, $0xA27F, v12;
	vm10 =	vlt.s32 v9, $0xA27F;
	v19 =	vld.idx.msk [tilespmem:v11+s6+$0x0], $0xffff  }
0x311: {  	s5 =	sadd.s32 $0xFFFFFB20, s26;
	v9 =	vnsel vm10, $0xA27F, v9;
	v6 =	vld.idx.msk [tilespmem:v6+s2+$0x0], $0xffff  }
0x312: {  	s7 =	sadd.s32 $0xFFFFFBF0, s26;
	v8 =	vsub.s32 v8, v0;
	v14 =	vld.idx.msk [tilespmem:v5+s2+$0x0], $0xffff;
	v5 =	vadd.s32 s5, v2  }
0x313: {  	s25 =	sadd.s32 $0xFFFFFCC0, s26;
	v20 =	vsub.s32 v7, v0;
	v15 =	vld.idx.msk [tilespmem:v3+s2+$0x0], $0xffff;
	v3 =	vadd.s32 s7, v2;
	vm11 =	vlt.s32 v5, $0xA27F  }
0x314: {  	vm12 =	vlt.s32 v3, $0xA27F;
	v17 =	vnsel vm11, $0xA27F, v5;
	v18 =	vld.idx.msk [tilespmem:v4+s2+$0x0], $0xffff;
	v4 =	vadd.s32 s25, v2  }
0x315: {  	v12 =	vld.idx.msk [tilespmem:v12+s6+$0x0], $0xffff;
	v3 =	vnsel vm12, $0xA27F, v3;
	vm13 =	vlt.s32 v4, $0xA27F  }
0x316: {  	s31 =	sadd.s32 $0xFFFFFD90, s26;
	v10 =	vld.idx.msk [tilespmem:v9+s6+$0x0], $0xffff;
	s25 =	simm.s32 $0x195F0;
	v21 =	vnsel vm13, $0xA27F, v4  }
0x317: {  	v11 =	vsub.s32 v13, v0;
	v5 =	vld.idx.msk [tilespmem:v8+s2+$0x0], $0xffff;
	[tilespmem:s25+$0xFFFFFF90] =	vst v6;
	v4 =	vadd.s32 s31, v2  }
0x318: {  	s30 =	sadd.s32 $0xFFFFFE60, s26;
	v6 =	vld.idx.msk [tilespmem:v20+s2+$0x0], $0xffff;
	vm14 =	vlt.s32 v4, $0xA27F;
	[tilespmem:s25+$0xFFFFFFF0] =	vst v14;
	v14 =	vsub.s32 v16, v0  }
0x319: {  	v8 =	vadd.s32 s30, v2;
	v7 =	vnsel vm14, $0xA27F, v4;
	v9 =	vld.idx.msk [tilespmem:v17+s6+$0x0], $0xffff  }
0x31a: {  	v13 =	vsub.s32 v19, v0;
	vm15 =	vlt.s32 v8, $0xA27F;
	[tilespmem:s25+$0x0] =	vst v15;
	v3 =	vld.idx.msk [tilespmem:v3+s6+$0x0], $0xffff  }
0x31b: {  	s28 =	simm.s32 $0x8;
	s29 =	sadd.s32 $0x680, s26;
	s26 =	simm.s32 $0x196F0;
	v12 =	vsub.s32 v12, v0;
	v4 =	vnsel vm15, $0xA27F, v8;
	[tilespmem:s25+$0xFFFFFFA0] =	vst v18;
	v8 =	vld.idx.msk [tilespmem:v21+s6+$0x0], $0xffff  }
.LBB2_22:
0x31c: {  	s0 =	sadd.s32 $0xFFFFFA50, s29;
	s1 =	sadd.s32 $0xFFFFFE60, s29;
	s5 =	sadd.s32 $0xFFFFFF30, s29;
	v15 =	vadd.s32 s29, v2;
	v10 =	vsub.s32 v10, v0;
	v11 =	vld.idx.msk [tilespmem:v11+s2+$0x0], $0xffff  }
0x31d: {  	s7 =	sadd.s32 $0xFFFFFD90, s29;
	s28 =	sadd.s32 $0x8, s28;
	v16 =	vadd.s32 s0, v2;
	s0 =	sadd.s32 $0xFFFFFB20, s29;
	v17 =	vadd.s32 s5, v2;
	vm0 =	vlt.s32 v15, $0xA27F;
	[tilespmem:s25+$0xFFFFFFC0] =	vst v5;
	v5 =	vld.idx.msk [tilespmem:v14+s2+$0x0], $0xffff  }
0x31e: {  	p0 =	slt.u32 s28, $0xC0;
	v9 =	vsub.s32 v9, v0;
	vm1 =	vlt.s32 v16, $0xA27F;
	v14 =	vadd.s32 s0, v2;
	s0 =	sadd.s32 $0xFFFFFBF0, s29;
	v7 =	vld.idx.msk [tilespmem:v7+s6+$0x0], $0xffff  }
0x31f: {  	v16 =	vnsel vm1, $0xA27F, v16;
	v18 =	vadd.s32 s0, v2;
	s0 =	sadd.s32 $0xFFFFFCC0, s29;
	vm1 =	vlt.s32 v17, $0xA27F;
	v13 =	vld.idx.msk [tilespmem:v13+s2+$0x0], $0xffff  }
0x320: {  	vm2 =	vlt.s32 v14, $0xA27F;
	vm3 =	vlt.s32 v18, $0xA27F;
	v17 =	vnsel vm1, $0xA27F, v17;
	v12 =	vld.idx.msk [tilespmem:v12+s2+$0x0], $0xffff;
	[tilespmem:s25+$0xFFFFFFB0] =	vst v6  }
0x321: {  	v15 =	vnsel vm0, $0xA27F, v15;
	v6 =	vnsel vm3, $0xA27F, v18;
	v18 =	vadd.s32 s0, v2;
	v19 =	vld.idx.msk [tilespmem:v10+s2+$0x0], $0xffff  }
0x322: {  	v14 =	vnsel vm2, $0xA27F, v14;
	v8 =	vsub.s32 v8, v0;
	vm0 =	vlt.s32 v18, $0xA27F;
	v20 =	vld.idx.msk [tilespmem:v4+s6+$0x0], $0xffff;
	[tilespmem:s25+$0xFFFFFFD0] =	vst v11  }
0x323: {  	v10 =	vadd.s32 s1, v2;
	v4 =	vadd.s32 s7, v2;
	v18 =	vnsel vm0, $0xA27F, v18;
	v21 =	vld.idx.msk [tilespmem:v9+s2+$0x0], $0xffff;
	[tilespmem:s25+$0xFFFFFFE0] =	vst v5;
	s25 =	smov.u32 s26  }
0x324: {  	vm1 =	vlt.s32 v10, $0xA27F;
	vm0 =	vlt.s32 v4, $0xA27F;
	v11 =	vsub.s32 v7, v0;
	v16 =	vld.idx.msk [tilespmem:v16+s6+$0x0], $0xffff  }
0x325: {  	v22 =	vsub.s32 v3, v0;
	v7 =	vnsel vm0, $0xA27F, v4;
	v4 =	vnsel vm1, $0xA27F, v10;
	v17 =	vld.idx.msk [tilespmem:v17+s6+$0x0], $0xffff;
	[tilespmem:s26+$0xFFFFFF90] =	vst v13  }
0x326: {  	v10 =	vld.idx.msk [tilespmem:v15+s6+$0x0], $0xffff;
	[tilespmem:s26+$0xFFFFFFF0] =	vst v12  }
.Ltmp10:
0x327: {  	v5 =	vld.idx.msk [tilespmem:v8+s2+$0x0], $0xffff;
	[tilespmem:s26+$0x0] =	vst v19;
	(pc) =	sbr.rel @p0 .LBB2_22-.Ltmp10, $4  }
0x328: {  	v9 =	vld.idx.msk [tilespmem:v14+s6+$0x0], $0xffff;
	v14 =	vsub.s32 v20, v0  }
0x329: {  	v3 =	vld.idx.msk [tilespmem:v6+s6+$0x0], $0xffff;
	[tilespmem:s26+$0xFFFFFFA0] =	vst v21  }
0x32a: {  	v13 =	vsub.s32 v16, v0;
	v6 =	vld.idx.msk [tilespmem:v22+s2+$0x0], $0xffff  }
0x32b: {  	s29 =	sadd.s32 $0x680, s29;
	s26 =	sadd.s32 $0x100, s26;
	v12 =	vsub.s32 v17, v0;
	v8 =	vld.idx.msk [tilespmem:v18+s6+$0x0], $0xffff  }
0x32c: {  	_ =	sdelay $0x3  }
0x32d: {  	v7 =	vld.idx.msk [tilespmem:v7+s6+$0x0], $0xffff  }
0x32e: {  	v4 =	vld.idx.msk [tilespmem:v4+s6+$0x0], $0xffff  }
0x32f: {  	v10 =	vsub.s32 v10, v0  }
0x330: {  	v11 =	vld.idx.msk [tilespmem:v11+s2+$0x0], $0xffff;
	v9 =	vsub.s32 v9, v0  }
0x331: {  	v14 =	vld.idx.msk [tilespmem:v14+s2+$0x0], $0xffff;
	v3 =	vsub.s32 v3, v0  }
0x332: {  	[tilespmem:s25+$0xFFFFFFC0] =	vst v5;
	v5 =	vld.idx.msk [tilespmem:v12+s2+$0x0], $0xffff;
	v7 =	vsub.s32 v7, v0  }
0x333: {  	v13 =	vld.idx.msk [tilespmem:v13+s2+$0x0], $0xffff;
	v4 =	vsub.s32 v4, v0  }
0x334: {  	[tilespmem:s25+$0xFFFFFFB0] =	vst v6;
	v8 =	vsub.s32 v8, v0;
	v6 =	vld.idx.msk [tilespmem:v10+s2+$0x0], $0xffff  }
0x335: {  	[tilespmem:s25+$0xFFFFFFD0] =	vst v11;
	v9 =	vld.idx.msk [tilespmem:v9+s2+$0x0], $0xffff  }
0x336: {  	[tilespmem:s25+$0xFFFFFFE0] =	vst v14;
	v3 =	vld.idx.msk [tilespmem:v3+s2+$0x0], $0xffff  }
0x337: {  	[tilespmem:s26+$0xFFFFFFF0] =	vst v5;
	v5 =	vld.idx.msk [tilespmem:v7+s2+$0x0], $0xffff  }
0x338: {  	[tilespmem:s26+$0xFFFFFF90] =	vst v13;
	v4 =	vld.idx.msk [tilespmem:v4+s2+$0x0], $0xffff  }
0x339: {  	s0 =	sadd.s32 $0xFFFFFA50, s21;
	v8 =	vld.idx.msk [tilespmem:v8+s2+$0x0], $0xffff;
	[tilespmem:s26+$0x0] =	vst v6  }
0x33a: {  	s1 =	sadd.s32 $0xFFFFFF30, s21;
	v6 =	vadd.s32 s0, v2;
	[tilespmem:s26+$0xFFFFFFA0] =	vst v9  }
0x33b: {  	v7 =	vadd.s32 s1, v2;
	vm0 =	vlt.s32 v6, $0xA27F;
	[tilespmem:s26+$0xFFFFFFB0] =	vst v3  }
0x33c: {  	s25 =	sadd.s32 $0xFFFFFB20, s21;
	vm14 =	vlt.s32 v7, $0xA27F;
	v3 =	vadd.s32 s21, v2;
	v6 =	vnsel vm0, $0xA27F, v6;
	[tilespmem:s26+$0xFFFFFFD0] =	vst v5  }
0x33d: {  	vm1 =	vlt.s32 v3, $0xA27F;
	v5 =	vnsel vm14, $0xA27F, v7;
	[tilespmem:s26+$0xFFFFFFE0] =	vst v4;
	v4 =	vadd.s32 s25, v2  }
0x33e: {  	s31 =	simm.s32 $0x19500;
	s5 =	sadd.s32 $0xFFFFFBF0, s21;
	s7 =	sadd.s32 $0xFFFFFCC0, s21;
	[tilespmem:s26+$0xFFFFFFC0] =	vst v8;
	v3 =	vnsel vm1, $0xA27F, v3;
	vm15 =	vlt.s32 v4, $0xA27F  }
0x33f: {  	v8 =	vadd.s32 s7, v2;
	v7 =	vadd.s32 s5, v2;
	s25 =	sadd.s32 $0xFFFFFD90, s21;
	s26 =	sadd.s32 $0xFFFFFE60, s21;
	s30 =	rddreg [dreg:$0x10];
	v4 =	vnsel vm15, $0xA27F, v4  }
0x340: {  	vm5 =	vlt.s32 v8, $0xA27F;
	vm4 =	vlt.s32 v7, $0xA27F;
	[hbm4b:s30+s2] =	stream.linear.scatter [tilespmem:s31], [sflag:$0x2], $0x1900, $0x38;
	[tilespmem:$0x1F900] =	vst v63  }
0x341: {  	v9 =	vadd.s32 s25, v2;
	v8 =	vnsel vm5, $0xA27F, v8;
	v10 =	vadd.s32 s26, v2;
	s26 =	sadd.s32 $0x680, s21;
	v6 =	vld.idx.msk [tilespmem:v6+s6+$0x0], $0xffff  }
0x342: {  	v7 =	vnsel vm4, $0xA27F, v7;
	vm6 =	vlt.s32 v9, $0xA27F;
	s30 =	sadd.s32 $0xFFFFFA50, s26;
	v5 =	vld.idx.msk [tilespmem:v5+s6+$0x0], $0xffff  }
0x343: {  	vm7 =	vlt.s32 v10, $0xA27F;
	v9 =	vnsel vm6, $0xA27F, v9;
	v11 =	vadd.s32 s30, v2;
	v3 =	vld.idx.msk [tilespmem:v3+s6+$0x0], $0xffff  }
0x344: {  	v10 =	vnsel vm7, $0xA27F, v10;
	vm8 =	vlt.s32 v11, $0xA27F;
	v4 =	vld.idx.msk [tilespmem:v4+s6+$0x0], $0xffff  }
0x345: {  	v11 =	vnsel vm8, $0xA27F, v11  }
0x346: {  	v8 =	vld.idx.msk [tilespmem:v8+s6+$0x0], $0xffff;
	v6 =	vsub.s32 v6, v0  }
0x347: {  	s31 =	sadd.s32 $0xFFFFFF30, s26;
	v7 =	vld.idx.msk [tilespmem:v7+s6+$0x0], $0xffff;
	v5 =	vsub.s32 v5, v0  }
0x348: {  	v12 =	vadd.s32 s31, v2;
	v13 =	vld.idx.msk [tilespmem:v9+s6+$0x0], $0xffff;
	v3 =	vsub.s32 v3, v0  }
0x349: {  	vm9 =	vlt.s32 v12, $0xA27F;
	v9 =	vadd.s32 s26, v2;
	v16 =	vld.idx.msk [tilespmem:v10+s6+$0x0], $0xffff;
	v4 =	vsub.s32 v4, v0  }
0x34a: {  	v12 =	vnsel vm9, $0xA27F, v12;
	vm10 =	vlt.s32 v9, $0xA27F;
	v19 =	vld.idx.msk [tilespmem:v11+s6+$0x0], $0xffff  }
0x34b: {  	s5 =	sadd.s32 $0xFFFFFB20, s26;
	v9 =	vnsel vm10, $0xA27F, v9;
	v6 =	vld.idx.msk [tilespmem:v6+s2+$0x0], $0xffff  }
0x34c: {  	s7 =	sadd.s32 $0xFFFFFBF0, s26;
	v8 =	vsub.s32 v8, v0;
	v14 =	vld.idx.msk [tilespmem:v5+s2+$0x0], $0xffff;
	v5 =	vadd.s32 s5, v2  }
0x34d: {  	s25 =	sadd.s32 $0xFFFFFCC0, s26;
	v20 =	vsub.s32 v7, v0;
	v15 =	vld.idx.msk [tilespmem:v3+s2+$0x0], $0xffff;
	v3 =	vadd.s32 s7, v2;
	vm11 =	vlt.s32 v5, $0xA27F  }
0x34e: {  	vm12 =	vlt.s32 v3, $0xA27F;
	v17 =	vnsel vm11, $0xA27F, v5;
	v18 =	vld.idx.msk [tilespmem:v4+s2+$0x0], $0xffff;
	v4 =	vadd.s32 s25, v2  }
0x34f: {  	v12 =	vld.idx.msk [tilespmem:v12+s6+$0x0], $0xffff;
	v3 =	vnsel vm12, $0xA27F, v3;
	vm13 =	vlt.s32 v4, $0xA27F  }
0x350: {  	s31 =	sadd.s32 $0xFFFFFD90, s26;
	v10 =	vld.idx.msk [tilespmem:v9+s6+$0x0], $0xffff;
	s25 =	simm.s32 $0x1AEF0;
	v21 =	vnsel vm13, $0xA27F, v4  }
0x351: {  	v11 =	vsub.s32 v13, v0;
	v5 =	vld.idx.msk [tilespmem:v8+s2+$0x0], $0xffff;
	[tilespmem:s25+$0xFFFFFF90] =	vst v6;
	v4 =	vadd.s32 s31, v2  }
0x352: {  	s30 =	sadd.s32 $0xFFFFFE60, s26;
	v6 =	vld.idx.msk [tilespmem:v20+s2+$0x0], $0xffff;
	vm14 =	vlt.s32 v4, $0xA27F;
	[tilespmem:s25+$0xFFFFFFF0] =	vst v14;
	v14 =	vsub.s32 v16, v0  }
0x353: {  	v8 =	vadd.s32 s30, v2;
	v7 =	vnsel vm14, $0xA27F, v4;
	v9 =	vld.idx.msk [tilespmem:v17+s6+$0x0], $0xffff  }
0x354: {  	v13 =	vsub.s32 v19, v0;
	vm15 =	vlt.s32 v8, $0xA27F;
	[tilespmem:s25+$0x0] =	vst v15;
	v3 =	vld.idx.msk [tilespmem:v3+s6+$0x0], $0xffff  }
0x355: {  	s28 =	simm.s32 $0x8;
	s29 =	sadd.s32 $0x680, s26;
	s26 =	simm.s32 $0x1AFF0;
	v12 =	vsub.s32 v12, v0;
	v4 =	vnsel vm15, $0xA27F, v8;
	[tilespmem:s25+$0xFFFFFFA0] =	vst v18;
	v8 =	vld.idx.msk [tilespmem:v21+s6+$0x0], $0xffff  }
.LBB2_24:
0x356: {  	s0 =	sadd.s32 $0xFFFFFA50, s29;
	s1 =	sadd.s32 $0xFFFFFE60, s29;
	s5 =	sadd.s32 $0xFFFFFF30, s29;
	v15 =	vadd.s32 s29, v2;
	v10 =	vsub.s32 v10, v0;
	v11 =	vld.idx.msk [tilespmem:v11+s2+$0x0], $0xffff  }
0x357: {  	s7 =	sadd.s32 $0xFFFFFD90, s29;
	s28 =	sadd.s32 $0x8, s28;
	v16 =	vadd.s32 s0, v2;
	s0 =	sadd.s32 $0xFFFFFB20, s29;
	v17 =	vadd.s32 s5, v2;
	vm0 =	vlt.s32 v15, $0xA27F;
	[tilespmem:s25+$0xFFFFFFC0] =	vst v5;
	v5 =	vld.idx.msk [tilespmem:v14+s2+$0x0], $0xffff  }
0x358: {  	p0 =	slt.u32 s28, $0xC0;
	v9 =	vsub.s32 v9, v0;
	vm1 =	vlt.s32 v16, $0xA27F;
	v14 =	vadd.s32 s0, v2;
	s0 =	sadd.s32 $0xFFFFFBF0, s29;
	v7 =	vld.idx.msk [tilespmem:v7+s6+$0x0], $0xffff  }
0x359: {  	v16 =	vnsel vm1, $0xA27F, v16;
	v18 =	vadd.s32 s0, v2;
	s0 =	sadd.s32 $0xFFFFFCC0, s29;
	vm1 =	vlt.s32 v17, $0xA27F;
	v13 =	vld.idx.msk [tilespmem:v13+s2+$0x0], $0xffff  }
0x35a: {  	vm2 =	vlt.s32 v14, $0xA27F;
	vm3 =	vlt.s32 v18, $0xA27F;
	v17 =	vnsel vm1, $0xA27F, v17;
	v12 =	vld.idx.msk [tilespmem:v12+s2+$0x0], $0xffff;
	[tilespmem:s25+$0xFFFFFFB0] =	vst v6  }
0x35b: {  	v15 =	vnsel vm0, $0xA27F, v15;
	v6 =	vnsel vm3, $0xA27F, v18;
	v18 =	vadd.s32 s0, v2;
	v19 =	vld.idx.msk [tilespmem:v10+s2+$0x0], $0xffff  }
0x35c: {  	v14 =	vnsel vm2, $0xA27F, v14;
	v8 =	vsub.s32 v8, v0;
	vm0 =	vlt.s32 v18, $0xA27F;
	v20 =	vld.idx.msk [tilespmem:v4+s6+$0x0], $0xffff;
	[tilespmem:s25+$0xFFFFFFD0] =	vst v11  }
0x35d: {  	v10 =	vadd.s32 s1, v2;
	v4 =	vadd.s32 s7, v2;
	v18 =	vnsel vm0, $0xA27F, v18;
	v21 =	vld.idx.msk [tilespmem:v9+s2+$0x0], $0xffff;
	[tilespmem:s25+$0xFFFFFFE0] =	vst v5;
	s25 =	smov.u32 s26  }
0x35e: {  	vm1 =	vlt.s32 v10, $0xA27F;
	vm0 =	vlt.s32 v4, $0xA27F;
	v11 =	vsub.s32 v7, v0;
	v16 =	vld.idx.msk [tilespmem:v16+s6+$0x0], $0xffff  }
0x35f: {  	v22 =	vsub.s32 v3, v0;
	v7 =	vnsel vm0, $0xA27F, v4;
	v4 =	vnsel vm1, $0xA27F, v10;
	v17 =	vld.idx.msk [tilespmem:v17+s6+$0x0], $0xffff;
	[tilespmem:s26+$0xFFFFFF90] =	vst v13  }
0x360: {  	v10 =	vld.idx.msk [tilespmem:v15+s6+$0x0], $0xffff;
	[tilespmem:s26+$0xFFFFFFF0] =	vst v12  }
.Ltmp11:
0x361: {  	v5 =	vld.idx.msk [tilespmem:v8+s2+$0x0], $0xffff;
	[tilespmem:s26+$0x0] =	vst v19;
	(pc) =	sbr.rel @p0 .LBB2_24-.Ltmp11, $4  }
0x362: {  	v9 =	vld.idx.msk [tilespmem:v14+s6+$0x0], $0xffff;
	v14 =	vsub.s32 v20, v0  }
0x363: {  	v3 =	vld.idx.msk [tilespmem:v6+s6+$0x0], $0xffff;
	[tilespmem:s26+$0xFFFFFFA0] =	vst v21  }
0x364: {  	v13 =	vsub.s32 v16, v0;
	v6 =	vld.idx.msk [tilespmem:v22+s2+$0x0], $0xffff  }
0x365: {  	s29 =	sadd.s32 $0x680, s29;
	s26 =	sadd.s32 $0x100, s26;
	v12 =	vsub.s32 v17, v0;
	v8 =	vld.idx.msk [tilespmem:v18+s6+$0x0], $0xffff  }
0x366: {  	_ =	sdelay $0x3  }
0x367: {  	v7 =	vld.idx.msk [tilespmem:v7+s6+$0x0], $0xffff  }
0x368: {  	v4 =	vld.idx.msk [tilespmem:v4+s6+$0x0], $0xffff  }
0x369: {  	v10 =	vsub.s32 v10, v0  }
0x36a: {  	v11 =	vld.idx.msk [tilespmem:v11+s2+$0x0], $0xffff;
	v9 =	vsub.s32 v9, v0  }
0x36b: {  	v14 =	vld.idx.msk [tilespmem:v14+s2+$0x0], $0xffff;
	v3 =	vsub.s32 v3, v0  }
0x36c: {  	[tilespmem:s25+$0xFFFFFFC0] =	vst v5;
	v5 =	vld.idx.msk [tilespmem:v12+s2+$0x0], $0xffff;
	v7 =	vsub.s32 v7, v0  }
0x36d: {  	v13 =	vld.idx.msk [tilespmem:v13+s2+$0x0], $0xffff;
	v4 =	vsub.s32 v4, v0  }
0x36e: {  	[tilespmem:s25+$0xFFFFFFB0] =	vst v6;
	v8 =	vsub.s32 v8, v0;
	v6 =	vld.idx.msk [tilespmem:v10+s2+$0x0], $0xffff  }
0x36f: {  	[tilespmem:s25+$0xFFFFFFD0] =	vst v11;
	v9 =	vld.idx.msk [tilespmem:v9+s2+$0x0], $0xffff  }
0x370: {  	[tilespmem:s25+$0xFFFFFFE0] =	vst v14;
	v3 =	vld.idx.msk [tilespmem:v3+s2+$0x0], $0xffff  }
0x371: {  	[tilespmem:s26+$0xFFFFFFF0] =	vst v5;
	v5 =	vld.idx.msk [tilespmem:v7+s2+$0x0], $0xffff  }
0x372: {  	[tilespmem:s26+$0xFFFFFF90] =	vst v13;
	v4 =	vld.idx.msk [tilespmem:v4+s2+$0x0], $0xffff  }
0x373: {  	s0 =	sadd.s32 $0xFFFFFA50, s22;
	v8 =	vld.idx.msk [tilespmem:v8+s2+$0x0], $0xffff;
	[tilespmem:s26+$0x0] =	vst v6  }
0x374: {  	s1 =	sadd.s32 $0xFFFFFF30, s22;
	v6 =	vadd.s32 s0, v2;
	[tilespmem:s26+$0xFFFFFFA0] =	vst v9  }
0x375: {  	v7 =	vadd.s32 s1, v2;
	vm0 =	vlt.s32 v6, $0xA27F;
	[tilespmem:s26+$0xFFFFFFB0] =	vst v3  }
0x376: {  	s25 =	sadd.s32 $0xFFFFFB20, s22;
	vm14 =	vlt.s32 v7, $0xA27F;
	v3 =	vadd.s32 s22, v2;
	v6 =	vnsel vm0, $0xA27F, v6;
	[tilespmem:s26+$0xFFFFFFD0] =	vst v5  }
0x377: {  	vm1 =	vlt.s32 v3, $0xA27F;
	v5 =	vnsel vm14, $0xA27F, v7;
	[tilespmem:s26+$0xFFFFFFE0] =	vst v4;
	v4 =	vadd.s32 s25, v2  }
0x378: {  	s31 =	simm.s32 $0x1AE00;
	s5 =	sadd.s32 $0xFFFFFBF0, s22;
	s7 =	sadd.s32 $0xFFFFFCC0, s22;
	[tilespmem:s26+$0xFFFFFFC0] =	vst v8;
	v3 =	vnsel vm1, $0xA27F, v3;
	vm15 =	vlt.s32 v4, $0xA27F  }
0x379: {  	v8 =	vadd.s32 s7, v2;
	v7 =	vadd.s32 s5, v2;
	s25 =	sadd.s32 $0xFFFFFD90, s22;
	s26 =	sadd.s32 $0xFFFFFE60, s22;
	s30 =	rddreg [dreg:$0x11];
	v4 =	vnsel vm15, $0xA27F, v4  }
0x37a: {  	vm5 =	vlt.s32 v8, $0xA27F;
	vm4 =	vlt.s32 v7, $0xA27F;
	[hbm4b:s30+s2] =	stream.linear.scatter [tilespmem:s31], [sflag:$0x2], $0x1900, $0x38;
	[tilespmem:$0x1F900] =	vst v63  }
0x37b: {  	v9 =	vadd.s32 s25, v2;
	v8 =	vnsel vm5, $0xA27F, v8;
	v10 =	vadd.s32 s26, v2;
	s26 =	sadd.s32 $0x680, s22;
	v6 =	vld.idx.msk [tilespmem:v6+s6+$0x0], $0xffff  }
0x37c: {  	v7 =	vnsel vm4, $0xA27F, v7;
	vm6 =	vlt.s32 v9, $0xA27F;
	s30 =	sadd.s32 $0xFFFFFA50, s26;
	v5 =	vld.idx.msk [tilespmem:v5+s6+$0x0], $0xffff  }
0x37d: {  	vm7 =	vlt.s32 v10, $0xA27F;
	v9 =	vnsel vm6, $0xA27F, v9;
	v11 =	vadd.s32 s30, v2;
	v3 =	vld.idx.msk [tilespmem:v3+s6+$0x0], $0xffff  }
0x37e: {  	v10 =	vnsel vm7, $0xA27F, v10;
	vm8 =	vlt.s32 v11, $0xA27F;
	v4 =	vld.idx.msk [tilespmem:v4+s6+$0x0], $0xffff  }
0x37f: {  	v11 =	vnsel vm8, $0xA27F, v11  }
0x380: {  	v8 =	vld.idx.msk [tilespmem:v8+s6+$0x0], $0xffff;
	v6 =	vsub.s32 v6, v0  }
0x381: {  	s31 =	sadd.s32 $0xFFFFFF30, s26;
	v7 =	vld.idx.msk [tilespmem:v7+s6+$0x0], $0xffff;
	v5 =	vsub.s32 v5, v0  }
0x382: {  	v12 =	vadd.s32 s31, v2;
	v13 =	vld.idx.msk [tilespmem:v9+s6+$0x0], $0xffff;
	v3 =	vsub.s32 v3, v0  }
0x383: {  	vm9 =	vlt.s32 v12, $0xA27F;
	v9 =	vadd.s32 s26, v2;
	v16 =	vld.idx.msk [tilespmem:v10+s6+$0x0], $0xffff;
	v4 =	vsub.s32 v4, v0  }
0x384: {  	v12 =	vnsel vm9, $0xA27F, v12;
	vm10 =	vlt.s32 v9, $0xA27F;
	v19 =	vld.idx.msk [tilespmem:v11+s6+$0x0], $0xffff  }
0x385: {  	s5 =	sadd.s32 $0xFFFFFB20, s26;
	v9 =	vnsel vm10, $0xA27F, v9;
	v6 =	vld.idx.msk [tilespmem:v6+s2+$0x0], $0xffff  }
0x386: {  	s7 =	sadd.s32 $0xFFFFFBF0, s26;
	v8 =	vsub.s32 v8, v0;
	v14 =	vld.idx.msk [tilespmem:v5+s2+$0x0], $0xffff;
	v5 =	vadd.s32 s5, v2  }
0x387: {  	s25 =	sadd.s32 $0xFFFFFCC0, s26;
	v20 =	vsub.s32 v7, v0;
	v15 =	vld.idx.msk [tilespmem:v3+s2+$0x0], $0xffff;
	v3 =	vadd.s32 s7, v2;
	vm11 =	vlt.s32 v5, $0xA27F  }
0x388: {  	vm12 =	vlt.s32 v3, $0xA27F;
	v17 =	vnsel vm11, $0xA27F, v5;
	v18 =	vld.idx.msk [tilespmem:v4+s2+$0x0], $0xffff;
	v4 =	vadd.s32 s25, v2  }
0x389: {  	v12 =	vld.idx.msk [tilespmem:v12+s6+$0x0], $0xffff;
	v3 =	vnsel vm12, $0xA27F, v3;
	vm13 =	vlt.s32 v4, $0xA27F  }
0x38a: {  	s31 =	sadd.s32 $0xFFFFFD90, s26;
	v10 =	vld.idx.msk [tilespmem:v9+s6+$0x0], $0xffff;
	s25 =	simm.s32 $0x1C7F0;
	v21 =	vnsel vm13, $0xA27F, v4  }
0x38b: {  	v11 =	vsub.s32 v13, v0;
	v5 =	vld.idx.msk [tilespmem:v8+s2+$0x0], $0xffff;
	[tilespmem:s25+$0xFFFFFF90] =	vst v6;
	v4 =	vadd.s32 s31, v2  }
0x38c: {  	s30 =	sadd.s32 $0xFFFFFE60, s26;
	v6 =	vld.idx.msk [tilespmem:v20+s2+$0x0], $0xffff;
	vm14 =	vlt.s32 v4, $0xA27F;
	[tilespmem:s25+$0xFFFFFFF0] =	vst v14;
	v14 =	vsub.s32 v16, v0  }
0x38d: {  	v8 =	vadd.s32 s30, v2;
	v7 =	vnsel vm14, $0xA27F, v4;
	v9 =	vld.idx.msk [tilespmem:v17+s6+$0x0], $0xffff  }
0x38e: {  	v13 =	vsub.s32 v19, v0;
	vm15 =	vlt.s32 v8, $0xA27F;
	[tilespmem:s25+$0x0] =	vst v15;
	v3 =	vld.idx.msk [tilespmem:v3+s6+$0x0], $0xffff  }
0x38f: {  	s28 =	simm.s32 $0x8;
	s29 =	sadd.s32 $0x680, s26;
	s26 =	simm.s32 $0x1C8F0;
	v12 =	vsub.s32 v12, v0;
	v4 =	vnsel vm15, $0xA27F, v8;
	[tilespmem:s25+$0xFFFFFFA0] =	vst v18;
	v8 =	vld.idx.msk [tilespmem:v21+s6+$0x0], $0xffff  }
.LBB2_26:
0x390: {  	s0 =	sadd.s32 $0xFFFFFA50, s29;
	s1 =	sadd.s32 $0xFFFFFE60, s29;
	s5 =	sadd.s32 $0xFFFFFF30, s29;
	v15 =	vadd.s32 s29, v2;
	v10 =	vsub.s32 v10, v0;
	v11 =	vld.idx.msk [tilespmem:v11+s2+$0x0], $0xffff  }
0x391: {  	s7 =	sadd.s32 $0xFFFFFD90, s29;
	s28 =	sadd.s32 $0x8, s28;
	v16 =	vadd.s32 s0, v2;
	s0 =	sadd.s32 $0xFFFFFB20, s29;
	v17 =	vadd.s32 s5, v2;
	vm0 =	vlt.s32 v15, $0xA27F;
	[tilespmem:s25+$0xFFFFFFC0] =	vst v5;
	v5 =	vld.idx.msk [tilespmem:v14+s2+$0x0], $0xffff  }
0x392: {  	p0 =	slt.u32 s28, $0xC0;
	v9 =	vsub.s32 v9, v0;
	vm1 =	vlt.s32 v16, $0xA27F;
	v14 =	vadd.s32 s0, v2;
	s0 =	sadd.s32 $0xFFFFFBF0, s29;
	v7 =	vld.idx.msk [tilespmem:v7+s6+$0x0], $0xffff  }
0x393: {  	v16 =	vnsel vm1, $0xA27F, v16;
	v18 =	vadd.s32 s0, v2;
	s0 =	sadd.s32 $0xFFFFFCC0, s29;
	vm1 =	vlt.s32 v17, $0xA27F;
	v13 =	vld.idx.msk [tilespmem:v13+s2+$0x0], $0xffff  }
0x394: {  	vm2 =	vlt.s32 v14, $0xA27F;
	vm3 =	vlt.s32 v18, $0xA27F;
	v17 =	vnsel vm1, $0xA27F, v17;
	v12 =	vld.idx.msk [tilespmem:v12+s2+$0x0], $0xffff;
	[tilespmem:s25+$0xFFFFFFB0] =	vst v6  }
0x395: {  	v15 =	vnsel vm0, $0xA27F, v15;
	v6 =	vnsel vm3, $0xA27F, v18;
	v18 =	vadd.s32 s0, v2;
	v19 =	vld.idx.msk [tilespmem:v10+s2+$0x0], $0xffff  }
0x396: {  	v14 =	vnsel vm2, $0xA27F, v14;
	v8 =	vsub.s32 v8, v0;
	vm0 =	vlt.s32 v18, $0xA27F;
	v20 =	vld.idx.msk [tilespmem:v4+s6+$0x0], $0xffff;
	[tilespmem:s25+$0xFFFFFFD0] =	vst v11  }
0x397: {  	v10 =	vadd.s32 s1, v2;
	v4 =	vadd.s32 s7, v2;
	v18 =	vnsel vm0, $0xA27F, v18;
	v21 =	vld.idx.msk [tilespmem:v9+s2+$0x0], $0xffff;
	[tilespmem:s25+$0xFFFFFFE0] =	vst v5;
	s25 =	smov.u32 s26  }
0x398: {  	vm1 =	vlt.s32 v10, $0xA27F;
	vm0 =	vlt.s32 v4, $0xA27F;
	v11 =	vsub.s32 v7, v0;
	v16 =	vld.idx.msk [tilespmem:v16+s6+$0x0], $0xffff  }
0x399: {  	v22 =	vsub.s32 v3, v0;
	v7 =	vnsel vm0, $0xA27F, v4;
	v4 =	vnsel vm1, $0xA27F, v10;
	v17 =	vld.idx.msk [tilespmem:v17+s6+$0x0], $0xffff;
	[tilespmem:s26+$0xFFFFFF90] =	vst v13  }
0x39a: {  	v10 =	vld.idx.msk [tilespmem:v15+s6+$0x0], $0xffff;
	[tilespmem:s26+$0xFFFFFFF0] =	vst v12  }
.Ltmp12:
0x39b: {  	v5 =	vld.idx.msk [tilespmem:v8+s2+$0x0], $0xffff;
	[tilespmem:s26+$0x0] =	vst v19;
	(pc) =	sbr.rel @p0 .LBB2_26-.Ltmp12, $4  }
0x39c: {  	v9 =	vld.idx.msk [tilespmem:v14+s6+$0x0], $0xffff;
	v14 =	vsub.s32 v20, v0  }
0x39d: {  	v3 =	vld.idx.msk [tilespmem:v6+s6+$0x0], $0xffff;
	[tilespmem:s26+$0xFFFFFFA0] =	vst v21  }
0x39e: {  	v13 =	vsub.s32 v16, v0;
	v6 =	vld.idx.msk [tilespmem:v22+s2+$0x0], $0xffff  }
0x39f: {  	s29 =	sadd.s32 $0x680, s29;
	s26 =	sadd.s32 $0x100, s26;
	v12 =	vsub.s32 v17, v0;
	v8 =	vld.idx.msk [tilespmem:v18+s6+$0x0], $0xffff  }
0x3a0: {  	_ =	sdelay $0x3  }
0x3a1: {  	v7 =	vld.idx.msk [tilespmem:v7+s6+$0x0], $0xffff  }
0x3a2: {  	v4 =	vld.idx.msk [tilespmem:v4+s6+$0x0], $0xffff  }
0x3a3: {  	v10 =	vsub.s32 v10, v0  }
0x3a4: {  	v11 =	vld.idx.msk [tilespmem:v11+s2+$0x0], $0xffff;
	v9 =	vsub.s32 v9, v0  }
0x3a5: {  	v14 =	vld.idx.msk [tilespmem:v14+s2+$0x0], $0xffff;
	v3 =	vsub.s32 v3, v0  }
0x3a6: {  	[tilespmem:s25+$0xFFFFFFC0] =	vst v5;
	v5 =	vld.idx.msk [tilespmem:v12+s2+$0x0], $0xffff;
	v7 =	vsub.s32 v7, v0  }
0x3a7: {  	v13 =	vld.idx.msk [tilespmem:v13+s2+$0x0], $0xffff;
	v4 =	vsub.s32 v4, v0  }
0x3a8: {  	[tilespmem:s25+$0xFFFFFFB0] =	vst v6;
	v8 =	vsub.s32 v8, v0;
	v6 =	vld.idx.msk [tilespmem:v10+s2+$0x0], $0xffff  }
0x3a9: {  	[tilespmem:s25+$0xFFFFFFD0] =	vst v11;
	v9 =	vld.idx.msk [tilespmem:v9+s2+$0x0], $0xffff  }
0x3aa: {  	[tilespmem:s25+$0xFFFFFFE0] =	vst v14;
	v3 =	vld.idx.msk [tilespmem:v3+s2+$0x0], $0xffff  }
0x3ab: {  	[tilespmem:s26+$0xFFFFFFF0] =	vst v5;
	v5 =	vld.idx.msk [tilespmem:v7+s2+$0x0], $0xffff  }
0x3ac: {  	[tilespmem:s26+$0xFFFFFF90] =	vst v13;
	v4 =	vld.idx.msk [tilespmem:v4+s2+$0x0], $0xffff  }
0x3ad: {  	s0 =	sadd.s32 $0xFFFFFA50, s23;
	v8 =	vld.idx.msk [tilespmem:v8+s2+$0x0], $0xffff;
	[tilespmem:s26+$0x0] =	vst v6  }
0x3ae: {  	s1 =	sadd.s32 $0xFFFFFF30, s23;
	v6 =	vadd.s32 s0, v2;
	[tilespmem:s26+$0xFFFFFFA0] =	vst v9  }
0x3af: {  	v7 =	vadd.s32 s1, v2;
	vm0 =	vlt.s32 v6, $0xA27F;
	[tilespmem:s26+$0xFFFFFFB0] =	vst v3  }
0x3b0: {  	s25 =	sadd.s32 $0xFFFFFB20, s23;
	vm14 =	vlt.s32 v7, $0xA27F;
	v3 =	vadd.s32 s23, v2;
	v6 =	vnsel vm0, $0xA27F, v6;
	[tilespmem:s26+$0xFFFFFFD0] =	vst v5  }
0x3b1: {  	vm1 =	vlt.s32 v3, $0xA27F;
	v5 =	vnsel vm14, $0xA27F, v7;
	[tilespmem:s26+$0xFFFFFFE0] =	vst v4;
	v4 =	vadd.s32 s25, v2  }
0x3b2: {  	s31 =	simm.s32 $0x1C700;
	s5 =	sadd.s32 $0xFFFFFBF0, s23;
	s7 =	sadd.s32 $0xFFFFFCC0, s23;
	[tilespmem:s26+$0xFFFFFFC0] =	vst v8;
	v3 =	vnsel vm1, $0xA27F, v3;
	vm15 =	vlt.s32 v4, $0xA27F  }
0x3b3: {  	v8 =	vadd.s32 s7, v2;
	v7 =	vadd.s32 s5, v2;
	s25 =	sadd.s32 $0xFFFFFD90, s23;
	s26 =	sadd.s32 $0xFFFFFE60, s23;
	s30 =	rddreg [dreg:$0x12];
	v4 =	vnsel vm15, $0xA27F, v4  }
0x3b4: {  	vm5 =	vlt.s32 v8, $0xA27F;
	vm4 =	vlt.s32 v7, $0xA27F;
	[hbm4b:s30+s2] =	stream.linear.scatter [tilespmem:s31], [sflag:$0x2], $0x1900, $0x38;
	[tilespmem:$0x1F900] =	vst v63  }
0x3b5: {  	v9 =	vadd.s32 s25, v2;
	v8 =	vnsel vm5, $0xA27F, v8;
	v10 =	vadd.s32 s26, v2;
	s26 =	sadd.s32 $0x680, s23;
	v6 =	vld.idx.msk [tilespmem:v6+s6+$0x0], $0xffff  }
0x3b6: {  	v7 =	vnsel vm4, $0xA27F, v7;
	vm6 =	vlt.s32 v9, $0xA27F;
	s30 =	sadd.s32 $0xFFFFFA50, s26;
	v5 =	vld.idx.msk [tilespmem:v5+s6+$0x0], $0xffff  }
0x3b7: {  	vm7 =	vlt.s32 v10, $0xA27F;
	v9 =	vnsel vm6, $0xA27F, v9;
	v11 =	vadd.s32 s30, v2;
	v3 =	vld.idx.msk [tilespmem:v3+s6+$0x0], $0xffff  }
0x3b8: {  	v10 =	vnsel vm7, $0xA27F, v10;
	vm8 =	vlt.s32 v11, $0xA27F;
	v4 =	vld.idx.msk [tilespmem:v4+s6+$0x0], $0xffff  }
0x3b9: {  	v11 =	vnsel vm8, $0xA27F, v11  }
0x3ba: {  	v8 =	vld.idx.msk [tilespmem:v8+s6+$0x0], $0xffff;
	v6 =	vsub.s32 v6, v0  }
0x3bb: {  	s31 =	sadd.s32 $0xFFFFFF30, s26;
	v7 =	vld.idx.msk [tilespmem:v7+s6+$0x0], $0xffff;
	v5 =	vsub.s32 v5, v0  }
0x3bc: {  	v12 =	vadd.s32 s31, v2;
	v13 =	vld.idx.msk [tilespmem:v9+s6+$0x0], $0xffff;
	v3 =	vsub.s32 v3, v0  }
0x3bd: {  	vm9 =	vlt.s32 v12, $0xA27F;
	v9 =	vadd.s32 s26, v2;
	v16 =	vld.idx.msk [tilespmem:v10+s6+$0x0], $0xffff;
	v4 =	vsub.s32 v4, v0  }
0x3be: {  	v12 =	vnsel vm9, $0xA27F, v12;
	vm10 =	vlt.s32 v9, $0xA27F;
	v19 =	vld.idx.msk [tilespmem:v11+s6+$0x0], $0xffff  }
0x3bf: {  	s5 =	sadd.s32 $0xFFFFFB20, s26;
	v9 =	vnsel vm10, $0xA27F, v9;
	v6 =	vld.idx.msk [tilespmem:v6+s2+$0x0], $0xffff  }
0x3c0: {  	s7 =	sadd.s32 $0xFFFFFBF0, s26;
	v8 =	vsub.s32 v8, v0;
	v14 =	vld.idx.msk [tilespmem:v5+s2+$0x0], $0xffff;
	v5 =	vadd.s32 s5, v2  }
0x3c1: {  	s25 =	sadd.s32 $0xFFFFFCC0, s26;
	v20 =	vsub.s32 v7, v0;
	v15 =	vld.idx.msk [tilespmem:v3+s2+$0x0], $0xffff;
	v3 =	vadd.s32 s7, v2;
	vm11 =	vlt.s32 v5, $0xA27F  }
0x3c2: {  	vm12 =	vlt.s32 v3, $0xA27F;
	v17 =	vnsel vm11, $0xA27F, v5;
	v18 =	vld.idx.msk [tilespmem:v4+s2+$0x0], $0xffff;
	v4 =	vadd.s32 s25, v2  }
0x3c3: {  	v12 =	vld.idx.msk [tilespmem:v12+s6+$0x0], $0xffff;
	v3 =	vnsel vm12, $0xA27F, v3;
	vm13 =	vlt.s32 v4, $0xA27F  }
0x3c4: {  	s31 =	sadd.s32 $0xFFFFFD90, s26;
	v10 =	vld.idx.msk [tilespmem:v9+s6+$0x0], $0xffff;
	s25 =	simm.s32 $0x1E0F0;
	v21 =	vnsel vm13, $0xA27F, v4  }
0x3c5: {  	v11 =	vsub.s32 v13, v0;
	v5 =	vld.idx.msk [tilespmem:v8+s2+$0x0], $0xffff;
	[tilespmem:s25+$0xFFFFFF90] =	vst v6;
	v4 =	vadd.s32 s31, v2  }
0x3c6: {  	s30 =	sadd.s32 $0xFFFFFE60, s26;
	v6 =	vld.idx.msk [tilespmem:v20+s2+$0x0], $0xffff;
	vm14 =	vlt.s32 v4, $0xA27F;
	[tilespmem:s25+$0xFFFFFFF0] =	vst v14;
	v14 =	vsub.s32 v16, v0  }
0x3c7: {  	v8 =	vadd.s32 s30, v2;
	v7 =	vnsel vm14, $0xA27F, v4;
	v9 =	vld.idx.msk [tilespmem:v17+s6+$0x0], $0xffff  }
0x3c8: {  	v13 =	vsub.s32 v19, v0;
	vm15 =	vlt.s32 v8, $0xA27F;
	[tilespmem:s25+$0x0] =	vst v15;
	v3 =	vld.idx.msk [tilespmem:v3+s6+$0x0], $0xffff  }
0x3c9: {  	s28 =	simm.s32 $0x8;
	s29 =	sadd.s32 $0x680, s26;
	s26 =	simm.s32 $0x1E1F0;
	v12 =	vsub.s32 v12, v0;
	v4 =	vnsel vm15, $0xA27F, v8;
	[tilespmem:s25+$0xFFFFFFA0] =	vst v18;
	v8 =	vld.idx.msk [tilespmem:v21+s6+$0x0], $0xffff  }
.LBB2_28:
0x3ca: {  	s0 =	sadd.s32 $0xFFFFFA50, s29;
	s1 =	sadd.s32 $0xFFFFFE60, s29;
	s5 =	sadd.s32 $0xFFFFFF30, s29;
	v15 =	vadd.s32 s29, v2;
	v10 =	vsub.s32 v10, v0;
	v11 =	vld.idx.msk [tilespmem:v11+s2+$0x0], $0xffff  }
0x3cb: {  	s7 =	sadd.s32 $0xFFFFFD90, s29;
	s28 =	sadd.s32 $0x8, s28;
	v16 =	vadd.s32 s0, v2;
	s0 =	sadd.s32 $0xFFFFFB20, s29;
	v17 =	vadd.s32 s5, v2;
	vm0 =	vlt.s32 v15, $0xA27F;
	[tilespmem:s25+$0xFFFFFFC0] =	vst v5;
	v5 =	vld.idx.msk [tilespmem:v14+s2+$0x0], $0xffff  }
0x3cc: {  	p0 =	slt.u32 s28, $0xC0;
	v9 =	vsub.s32 v9, v0;
	vm1 =	vlt.s32 v16, $0xA27F;
	v14 =	vadd.s32 s0, v2;
	s0 =	sadd.s32 $0xFFFFFBF0, s29;
	v7 =	vld.idx.msk [tilespmem:v7+s6+$0x0], $0xffff  }
0x3cd: {  	v16 =	vnsel vm1, $0xA27F, v16;
	v18 =	vadd.s32 s0, v2;
	s0 =	sadd.s32 $0xFFFFFCC0, s29;
	vm1 =	vlt.s32 v17, $0xA27F;
	v13 =	vld.idx.msk [tilespmem:v13+s2+$0x0], $0xffff  }
0x3ce: {  	vm2 =	vlt.s32 v14, $0xA27F;
	vm3 =	vlt.s32 v18, $0xA27F;
	v17 =	vnsel vm1, $0xA27F, v17;
	v12 =	vld.idx.msk [tilespmem:v12+s2+$0x0], $0xffff;
	[tilespmem:s25+$0xFFFFFFB0] =	vst v6  }
0x3cf: {  	v15 =	vnsel vm0, $0xA27F, v15;
	v6 =	vnsel vm3, $0xA27F, v18;
	v18 =	vadd.s32 s0, v2;
	v19 =	vld.idx.msk [tilespmem:v10+s2+$0x0], $0xffff  }
0x3d0: {  	v14 =	vnsel vm2, $0xA27F, v14;
	v8 =	vsub.s32 v8, v0;
	vm0 =	vlt.s32 v18, $0xA27F;
	v20 =	vld.idx.msk [tilespmem:v4+s6+$0x0], $0xffff;
	[tilespmem:s25+$0xFFFFFFD0] =	vst v11  }
0x3d1: {  	v10 =	vadd.s32 s1, v2;
	v4 =	vadd.s32 s7, v2;
	v18 =	vnsel vm0, $0xA27F, v18;
	v21 =	vld.idx.msk [tilespmem:v9+s2+$0x0], $0xffff;
	[tilespmem:s25+$0xFFFFFFE0] =	vst v5;
	s25 =	smov.u32 s26  }
0x3d2: {  	vm1 =	vlt.s32 v10, $0xA27F;
	vm0 =	vlt.s32 v4, $0xA27F;
	v11 =	vsub.s32 v7, v0;
	v16 =	vld.idx.msk [tilespmem:v16+s6+$0x0], $0xffff  }
0x3d3: {  	v22 =	vsub.s32 v3, v0;
	v7 =	vnsel vm0, $0xA27F, v4;
	v4 =	vnsel vm1, $0xA27F, v10;
	v17 =	vld.idx.msk [tilespmem:v17+s6+$0x0], $0xffff;
	[tilespmem:s26+$0xFFFFFF90] =	vst v13  }
0x3d4: {  	v10 =	vld.idx.msk [tilespmem:v15+s6+$0x0], $0xffff;
	[tilespmem:s26+$0xFFFFFFF0] =	vst v12  }
.Ltmp13:
0x3d5: {  	v5 =	vld.idx.msk [tilespmem:v8+s2+$0x0], $0xffff;
	[tilespmem:s26+$0x0] =	vst v19;
	(pc) =	sbr.rel @p0 .LBB2_28-.Ltmp13, $4  }
0x3d6: {  	v9 =	vld.idx.msk [tilespmem:v14+s6+$0x0], $0xffff;
	v14 =	vsub.s32 v20, v0  }
0x3d7: {  	v3 =	vld.idx.msk [tilespmem:v6+s6+$0x0], $0xffff;
	[tilespmem:s26+$0xFFFFFFA0] =	vst v21  }
0x3d8: {  	v13 =	vsub.s32 v16, v0;
	v6 =	vld.idx.msk [tilespmem:v22+s2+$0x0], $0xffff  }
0x3d9: {  	s29 =	sadd.s32 $0x680, s29;
	s26 =	sadd.s32 $0x100, s26;
	v12 =	vsub.s32 v17, v0;
	v8 =	vld.idx.msk [tilespmem:v18+s6+$0x0], $0xffff  }
0x3da: {  	_ =	sdelay $0x3  }
0x3db: {  	v7 =	vld.idx.msk [tilespmem:v7+s6+$0x0], $0xffff  }
0x3dc: {  	v10 =	vsub.s32 v10, v0;
	v4 =	vld.idx.msk [tilespmem:v4+s6+$0x0], $0xffff  }
0x3dd: {  	v11 =	vld.idx.msk [tilespmem:v11+s2+$0x0], $0xffff;
	v9 =	vsub.s32 v9, v0  }
0x3de: {  	v14 =	vld.idx.msk [tilespmem:v14+s2+$0x0], $0xffff;
	v3 =	vsub.s32 v3, v0  }
0x3df: {  	v13 =	vld.idx.msk [tilespmem:v13+s2+$0x0], $0xffff;
	v8 =	vsub.s32 v8, v0  }
0x3e0: {  	[tilespmem:s25+$0xFFFFFFC0] =	vst v5;
	v61 =	vld.idx.msk [tilespmem:v12+s2+$0x0], $0xffff;
	v7 =	vsub.s32 v7, v0  }
0x3e1: {  	[tilespmem:s25+$0xFFFFFFB0] =	vst v6;
	v62 =	vld.idx.msk [tilespmem:v10+s2+$0x0], $0xffff;
	v4 =	vsub.s32 v4, v0  }
0x3e2: {  	[tilespmem:s25+$0xFFFFFFD0] =	vst v11;
	v9 =	vld.idx.msk [tilespmem:v9+s2+$0x0], $0xffff  }
0x3e3: {  	[tilespmem:s25+$0xFFFFFFE0] =	vst v14;
	v3 =	vld.idx.msk [tilespmem:v3+s2+$0x0], $0xffff  }
0x3e4: {  	[tilespmem:s26+$0xFFFFFF90] =	vst v13;
	v8 =	vld.idx.msk [tilespmem:v8+s2+$0x0], $0xffff  }
0x3e5: {  	[tilespmem:s26+$0xFFFFFFF0] =	vst v61;
	v63 =	vld.idx.msk [tilespmem:v7+s2+$0x0], $0xffff  }
0x3e6: {  	[tilespmem:s26+$0x0] =	vst v62;
	v4 =	vld.idx.msk [tilespmem:v4+s2+$0x0], $0xffff  }
0x3e7: {  	[tilespmem:s26+$0xFFFFFFA0] =	vst v9  }
0x3e8: {  	[tilespmem:s26+$0xFFFFFFB0] =	vst v3  }
0x3e9: {  	[tilespmem:s26+$0xFFFFFFC0] =	vst v8  }
0x3ea: {  	[tilespmem:s26+$0xFFFFFFD0] =	vst v63  }
0x3eb: {  	[tilespmem:s26+$0xFFFFFFE0] =	vst v4  }
0x3ec: {  	s1 =	simm.s32 $0x1E000;
	s0 =	rddreg [dreg:$0x13]  }
0x3ed: {  	[hbm4b:s0+s2] =	stream.linear.scatter [tilespmem:s1], [sflag:$0x2], $0x1900, $0x38;
	[tilespmem:$0x1F900] =	vst v63  }
0x3ee: {  	_ =	swait.ge [sflag:s10], $0x1900  }
0x3ef: {  	[sflag:s10] =	ssyncset.done $0x0  }
0x3f0: {  	[sflag:s10] =	ssyncadd.s32 $0xFFFFE700  }
0x3f1: {  	_ =	swait.ge [sflag:s10], $0x1900  }
0x3f2: {  	[sflag:s10] =	ssyncset.done $0x0  }
0x3f3: {  	[sflag:s10] =	ssyncadd.s32 $0xFFFFE700  }
0x3f4: {  	_ =	swait.ge [sflag:s10], $0x1900  }
0x3f5: {  	[sflag:s10] =	ssyncset.done $0x0  }
0x3f6: {  	[sflag:s10] =	ssyncadd.s32 $0xFFFFE700  }
0x3f7: {  	_ =	swait.ge [sflag:s10], $0x1900  }
0x3f8: {  	[sflag:s10] =	ssyncset.done $0x0  }
0x3f9: {  	[sflag:s10] =	ssyncadd.s32 $0xFFFFE700  }
0x3fa: {  	_ =	swait.ge [sflag:s10], $0x1900  }
0x3fb: {  	[sflag:s10] =	ssyncset.done $0x0  }
0x3fc: {  	[sflag:s10] =	ssyncadd.s32 $0xFFFFE700  }
0x3fd: {  	_ =	swait.ge [sflag:s10], $0x1900  }
0x3fe: {  	[sflag:s10] =	ssyncset.done $0x0  }
0x3ff: {  	[sflag:s10] =	ssyncadd.s32 $0xFFFFE700  }
0x400: {  	_ =	swait.ge [sflag:s10], $0x1900  }
0x401: {  	[sflag:s10] =	ssyncset.done $0x0  }
0x402: {  	[sflag:s10] =	ssyncadd.s32 $0xFFFFE700  }
0x403: {  	_ =	swait.ge [sflag:s10], $0x1900  }
0x404: {  	[sflag:s10] =	ssyncset.done $0x0  }
0x405: {  	[sflag:s10] =	ssyncadd.s32 $0xFFFFE700  }
0x406: {  	_ =	swait.ge [sflag:s10], $0x1900  }
0x407: {  	[sflag:s10] =	ssyncset.done $0x0  }
0x408: {  	[sflag:s10] =	ssyncadd.s32 $0xFFFFE700  }
0x409: {  	_ =	swait.ge [sflag:s10], $0x1900  }
0x40a: {  	[sflag:s10] =	ssyncset.done $0x0  }
0x40b: {  	[sflag:s10] =	ssyncadd.s32 $0xFFFFE700  }
0x40c: {  	_ =	swait.ge [sflag:s10], $0x1900  }
0x40d: {  	[sflag:s10] =	ssyncset.done $0x0  }
0x40e: {  	[sflag:s10] =	ssyncadd.s32 $0xFFFFE700  }
0x40f: {  	_ =	swait.ge [sflag:s10], $0x1900  }
0x410: {  	[sflag:s10] =	ssyncset.done $0x0  }
0x411: {  	[sflag:s10] =	ssyncadd.s32 $0xFFFFE700  }
0x412: {  	_ =	swait.ge [sflag:s10], $0x1900  }
0x413: {  	s24 =	sadd.s32 $0x1, s24;
	s31 =	rddreg [dreg:$0x9]  }
0x414: {  	p0 =	sne.s32 s24, s31  }
.Ltmp14:
0x415: {  	_ = 	snop;
	(pc) =	sbr.rel @p0 .LBB2_1-.Ltmp14, $3  }
0x416: {  	_ =	sdelay $0x1  }
0x417: {  	[sflag:s10] =	ssyncset.done $0x0  }
0x418: {  	[sflag:s10] =	ssyncadd.s32 $0xFFFFE700  }
0x419: {  	_ =	sfence.sel $0x180000  }
0x41a: {  	[bflag:$0x0] =	sbarrier.arrive $0xFFFF  }
0x41b: {  	_ =	strace $0x90000047  }
0x41c: {  	s0 =	stileid.u32;
	[bflag:$0x2] =	sbarrier.arrive $0xFFFF  }
0x41d: {  	p0 =	sne.s32 s0, $0x0;
	s0 =	rddreg [dreg:$0x3]  }
0x41e: {  	s0 =	sadd.s32 @!p0 $0x100000, s0  }
0x41f: {  	[sflag:s0] =	ssyncadd.tile.s32 @!p0 $0x1;
	_ =	shalt  }
.Lfunc_end2:
_tile_overlayer_lowered:
.L_overlay_start_2:
0x420: {  	(tag) =	ssettag $0x2  }
0x421: {  	s0 =	rddreg [dreg:$0x0];
	s2 =	stileid.u32  }
0x422: {  	s1 =	rddreg [dreg:$0x1];
	p0 =	sne.s32 s2, $0x0  }
0x423: {  	s3 =	rddreg [dreg:$0x2];
	[bflag:$0x3] =	sbarrier.arrive $0xFFFF;
	s2 =	simm.s32 @!p0 $0x1C03  }
0x424: {  	[timem:s3], [sflag:s2] =	dma.local @!p0 [hbm:s0], s1  }
0x425: {  	s0 =	simm.s32 @!p0 $0x3  }
0x426: {  	_ =	swait.ge @!p0 [sflag:s0], s1  }
0x427: {  	s1 =	ssub.s32 @!p0 $0x0, s1;
	[sflag:s0] =	ssyncset.done @!p0 $0x0  }
0x428: {  	[sflag:s0] =	ssyncadd.s32 @!p0 s1  }
0x429: {  	[bflag:$0x3] =	sbarrier.arrive $0xFFFF  }
0x42a: {  	_ =	shalt  }

</sc_bundles>
